<compile_context>
chip_gen: v7x
topology: tpu7x:2x2x1
jax: 0.10.2.dev20260603
libtpu: 0.0.44.dev20260713+nightly
codegen_flags: <defaults>
</compile_context>

<pallas_src>
import functools

import jax
import jax.numpy as jnp
from jax import lax
from jax.experimental import pallas as pl
from jax.experimental.pallas import tpu as pltpu
from jax.experimental.pallas import tpu_sc as plsc

B = 4096
F = 100
D = 128
TOT = B * F
NC, NS, L = 2, 16, 16
NW = NC * NS
PER_W = TOT // NW
CHUNK = 128
NBUF = 5
LOOKAHEAD = 3
NCHUNK = PER_W // CHUNK
NVEC = PER_W // L
BLK_PER_F = B // L


def _sc_gather(features_fmajor, table, off_rep):
  mesh = plsc.VectorSubcoreMesh(core_axis_name="c", subcore_axis_name="s")

  @functools.partial(
      pl.kernel,
      out_type=jax.ShapeDtypeStruct((TOT, D), jnp.float32),
      mesh=mesh,
      scratch_types=[
          pltpu.VMEM((PER_W,), jnp.int32),
          pltpu.VMEM((F * L,), jnp.int32),
          [pltpu.VMEM((CHUNK, D), jnp.float32) for _ in range(NBUF)],
          [pltpu.SemaphoreType.DMA for _ in range(NBUF)],
          [pltpu.SemaphoreType.DMA for _ in range(NBUF)],
      ],
  )
  def k(feat_hbm, table_hbm, off_hbm, out_hbm, idx_v, off_v, bufs, gsems, wsems):
    wid = lax.axis_index("s") * NC + lax.axis_index("c")
    base = wid * PER_W

    pltpu.sync_copy(feat_hbm.at[pl.ds(base, PER_W)], idx_v)
    pltpu.sync_copy(off_hbm, off_v)

    blk0 = wid * NVEC
    BLK_PER_C = CHUNK // L

    def add_chunk(c):
      for t in range(BLK_PER_C):
        j = c * BLK_PER_C + t
        fld = (blk0 + j) // BLK_PER_F
        s = pl.ds(j * L, L)
        idx_v[s] = idx_v[s] + off_v[pl.ds(fld * L, L)]

    def gather_desc(c, b):
      return pltpu.make_async_copy(
          table_hbm.at[idx_v.at[pl.ds(c * CHUNK, CHUNK)]], bufs[b], gsems[b])

    def wb_desc(c, b):
      return pltpu.make_async_copy(
          bufs[b], out_hbm.at[pl.ds(base + c * CHUNK, CHUNK)], wsems[b])

    for c in range(LOOKAHEAD):
      add_chunk(c)
      gather_desc(c, c % NBUF).start()

    def group_body(g, _):
      for b in range(NBUF):
        c = g * NBUF + b
        ca = c + LOOKAHEAD
        ba = (b + LOOKAHEAD) % NBUF
        cd = ca - NBUF

        @pl.when((ca < NCHUNK) & (cd >= 0))
        def _():
          wb_desc(cd, ba).wait()

        @pl.when(ca < NCHUNK)
        def _():
          add_chunk(ca)
          gather_desc(ca, ba).start()

        gather_desc(c, b).wait()
        wb_desc(c, b).start()
      return 0

    lax.fori_loop(0, NCHUNK // NBUF, group_body, 0)

    for cc in range(NCHUNK - NBUF, NCHUNK):
      wb_desc(cc, cc % NBUF).wait()

  return k(features_fmajor, table, off_rep)


def kernel(features, table, feature_offsets):
  feats_fmajor = jnp.transpose(features).reshape(TOT)
  off_rep = jnp.repeat(feature_offsets, L)
  out = _sc_gather(feats_fmajor, table, off_rep)
  return out.reshape(F, B, D).transpose(1, 0, 2)

# --- scband reference (transcript-rebuilt; emitter-appended) ---
"""Pipeline reference for scband-numerical-feature-encoding-87608742904291 (READ-ONLY COPY).

The authoritative reference and input builder live on the scoring server;
editing this copy changes nothing except your own understanding.
"""

import jax, jax.numpy as jnp
import numpy as np

FEATURE_DIMS = [1000] * 100
EMBED_DIM = 128
BATCH = 4096
N_FIELDS = 100


def setup_inputs(seed: int = 0) -> dict:
    key = jax.random.key(seed)
    k1, k2 = jax.random.split(key)
    # per-field feature indices, each in [0, field_dim)
    features = jax.random.randint(k1, (BATCH, N_FIELDS), 0, 1000, dtype=jnp.int32)
    # buffer: cumulative offsets of each field into the shared table
    feature_offsets = jnp.cumsum(
        jnp.array([0] + FEATURE_DIMS[:-1], dtype=jnp.int32)
    )
    # learned embedding table sized sum(feature_dims) x embedding_dim
    table = jax.random.normal(
        k2, (sum(FEATURE_DIMS), EMBED_DIM), dtype=jnp.float32
    ) * 0.02
    return {"features": features, "table": table, "feature_offsets": feature_offsets}


def reference(features, table, feature_offsets):
    # features: int32[B, F]; feature_offsets: int32[F]; table: f32[sum(dims), D]
    idx = features + feature_offsets  # broadcast over batch
    return jnp.take(table, idx, axis=0)  # f32[B, F, D]

if __name__ == "__main__":
    import jax
    _d = setup_inputs()
    print(jax.jit(kernel)(*tuple(_d.values())))

</pallas_src>

<mosaic_0001>
#map = affine_map<(d0, d1) -> (0)>
#map1 = affine_map<(d0, d1) -> (0, 0)>
module attributes {stable_mosaic.version = 14 : i64} {
  func.func @k(%arg0: i32, %arg1: i32, %arg2: memref<409600xi32, #tpu.memory_space<hbm>>, %arg3: memref<100000x128xf32, #tpu.memory_space<hbm>>, %arg4: memref<1600xi32, #tpu.memory_space<hbm>>, %arg5: memref<409600x128xf32, #tpu.memory_space<hbm>>, %arg6: memref<12800xi32, #tpu.memory_space<vmem>>, %arg7: memref<1600xi32, #tpu.memory_space<vmem>>, %arg8: memref<128x128xf32, #tpu.memory_space<vmem>>, %arg9: memref<128x128xf32, #tpu.memory_space<vmem>>, %arg10: memref<128x128xf32, #tpu.memory_space<vmem>>, %arg11: memref<128x128xf32, #tpu.memory_space<vmem>>, %arg12: memref<128x128xf32, #tpu.memory_space<vmem>>, %arg13: memref<!tpu.dma_semaphore, #tpu.memory_space<semaphore_mem>>, %arg14: memref<!tpu.dma_semaphore, #tpu.memory_space<semaphore_mem>>, %arg15: memref<!tpu.dma_semaphore, #tpu.memory_space<semaphore_mem>>, %arg16: memref<!tpu.dma_semaphore, #tpu.memory_space<semaphore_mem>>, %arg17: memref<!tpu.dma_semaphore, #tpu.memory_space<semaphore_mem>>, %arg18: memref<!tpu.dma_semaphore, #tpu.memory_space<semaphore_mem>>, %arg19: memref<!tpu.dma_semaphore, #tpu.memory_space<semaphore_mem>>, %arg20: memref<!tpu.dma_semaphore, #tpu.memory_space<semaphore_mem>>, %arg21: memref<!tpu.dma_semaphore, #tpu.memory_space<semaphore_mem>>, %arg22: memref<!tpu.dma_semaphore, #tpu.memory_space<semaphore_mem>>) attributes {dimension_semantics = [#tpu.dimension_semantics<core_parallel>, #tpu.dimension_semantics<subcore_parallel>], iteration_bounds = array<i64: 2, 16>, scalar_prefetch = 0 : i64, scratch_operands = 17 : i64, tpu.core_type = #tpu.core_type<sc_vector_subcore>, window_params = [{transform_indices = #map}, {transform_indices = #map1}, {transform_indices = #map}, {transform_indices = #map1}]} {
    %mul3A = arith.constant 2 : i32
    %mul3A_0 = arith.muli %arg1, %mul3A : i32
    %add3A = arith.addi %mul3A_0, %arg0 : i32
    %mul3A_1 = arith.constant 12800 : i32
    %mul3A_2 = arith.muli %add3A, %mul3A_1 : i32
    "tpu.region"() ({
      %run_scoped3A = tpu.sem_alloc : memref<!tpu.dma_semaphore, #tpu.memory_space<semaphore_mem>>
      %dma_start3A_980 = tpu.memref_slice %arg2[%mul3A_2] : memref<409600xi32, #tpu.memory_space<hbm>> -> memref<12800xi32, #tpu.memory_space<hbm>>
      %dma_start3A_981 = tpu.memref_slice %arg2[%mul3A_2] : memref<409600xi32, #tpu.memory_space<hbm>> -> memref<12800xi32, #tpu.memory_space<hbm>>
      tpu.enqueue_dma source(%dma_start3A_981 : memref<12800xi32, #tpu.memory_space<hbm>>) target(%arg6 : memref<12800xi32, #tpu.memory_space<vmem>>) target_semaphore(%run_scoped3A : memref<!tpu.dma_semaphore, #tpu.memory_space<semaphore_mem>>)
      %dma_wait3A_982 = tpu.memref_slice %arg2[%mul3A_2] : memref<409600xi32, #tpu.memory_space<hbm>> -> memref<12800xi32, #tpu.memory_space<hbm>>
      %dma_wait3A_983 = tpu.memref_slice %arg2[%mul3A_2] : memref<409600xi32, #tpu.memory_space<hbm>> -> memref<12800xi32, #tpu.memory_space<hbm>>
      tpu.wait_dma2 semaphore(%run_scoped3A : memref<!tpu.dma_semaphore, #tpu.memory_space<semaphore_mem>>) src(%dma_wait3A_983 : memref<12800xi32, #tpu.memory_space<hbm>>) dst(%arg6 : memref<12800xi32, #tpu.memory_space<vmem>>)
      tpu.yield
    }) : () -> ()
    "tpu.region"() ({
      %run_scoped3A = tpu.sem_alloc : memref<!tpu.dma_semaphore, #tpu.memory_space<semaphore_mem>>
      tpu.enqueue_dma source(%arg4 : memref<1600xi32, #tpu.memory_space<hbm>>) target(%arg7 : memref<1600xi32, #tpu.memory_space<vmem>>) target_semaphore(%run_scoped3A : memref<!tpu.dma_semaphore, #tpu.memory_space<semaphore_mem>>)
      tpu.wait_dma2 semaphore(%run_scoped3A : memref<!tpu.dma_semaphore, #tpu.memory_space<semaphore_mem>>) src(%arg4 : memref<1600xi32, #tpu.memory_space<hbm>>) dst(%arg7 : memref<1600xi32, #tpu.memory_space<vmem>>)
      tpu.yield
    }) : () -> ()
    %mul3A_3 = arith.constant 800 : i32
    %mul3A_4 = arith.muli %add3A, %mul3A_3 : i32
    %add3A_5 = arith.constant 0 : i32
    %add3A_6 = arith.addi %mul3A_4, %add3A_5 : i32
    %jit3A = arith.constant 256 : i32
    %div3A = arith.divsi %add3A_6, %jit3A : i32
    %sign3A = arith.constant 0 : i32
    %sign3A_7 = arith.cmpi sgt, %add3A_6, %sign3A : i32
    %sign3A_8 = arith.extui %sign3A_7 : i1 to i32
    %sign3A_9 = arith.constant 0 : i32
    %sign3A_10 = arith.cmpi slt, %add3A_6, %sign3A_9 : i32
    %sign3A_11 = arith.extui %sign3A_10 : i1 to i32
    %sign3A_12 = arith.subi %sign3A_8, %sign3A_11 : i32
    %sign3A_13 = arith.constant 0 : i32
    %sign3A_14 = arith.cmpi sgt, %jit3A, %sign3A_13 : i32
    %sign3A_15 = arith.extui %sign3A_14 : i1 to i32
    %sign3A_16 = arith.constant 0 : i32
    %sign3A_17 = arith.cmpi slt, %jit3A, %sign3A_16 : i32
    %sign3A_18 = arith.extui %sign3A_17 : i1 to i32
    %sign3A_19 = arith.subi %sign3A_15, %sign3A_18 : i32
    %ne3A = arith.cmpi ne, %sign3A_12, %sign3A_19 : i32
    %rem3A = arith.remsi %add3A_6, %jit3A : i32
    %ne3A_20 = arith.constant 0 : i32
    %ne3A_21 = arith.cmpi ne, %rem3A, %ne3A_20 : i32
    %and3A = arith.andi %ne3A, %ne3A_21 : i1
    %sub3A = arith.constant 1 : i32
    %sub3A_22 = arith.subi %div3A, %sub3A : i32
    %select_n3A = arith.select %and3A, %sub3A_22, %div3A : i32
    %get3A = arith.constant 0 : index
    %get3A_23 = tpu.vector_load %arg6[%get3A] {strides = array<i32>} : memref<12800xi32, #tpu.memory_space<vmem>>, vector<16xi32>,
    %get3A_24 = vector.shape_cast %get3A_23 : vector<16xi32> to vector<16xi32>
    %mul3A_25 = arith.constant 16 : i32
    %mul3A_26 = arith.muli %select_n3A, %mul3A_25 : i32
    %get3A_27 = arith.index_cast %mul3A_26 : i32 to index
    %get3A_28 = tpu.vector_load %arg7[%get3A_27] {strides = array<i32>} : memref<1600xi32, #tpu.memory_space<vmem>>, vector<16xi32>,
    %get3A_29 = vector.shape_cast %get3A_28 : vector<16xi32> to vector<16xi32>
    %add3A_30 = arith.addi %get3A_24, %get3A_29 : vector<16xi32>
    %swap3A = arith.constant 0 : index
    %swap3A_31 = tpu.vector_load %arg6[%swap3A] {strides = array<i32>} : memref<12800xi32, #tpu.memory_space<vmem>>, vector<16xi32>,
    %swap3A_32 = vector.shape_cast %swap3A_31 : vector<16xi32> to vector<16xi32>
    %swap3A_33 = vector.shape_cast %add3A_30 : vector<16xi32> to vector<16xi32>
    tpu.vector_store %arg6[%swap3A], %swap3A_33 {strides = array<i32>} : memref<12800xi32, #tpu.memory_space<vmem>>, vector<16xi32>,
    %add3A_34 = arith.constant 1 : i32
    %add3A_35 = arith.addi %mul3A_4, %add3A_34 : i32
    %jit3A_36 = arith.constant 256 : i32
    %div3A_37 = arith.divsi %add3A_35, %jit3A_36 : i32
    %sign3A_38 = arith.constant 0 : i32
    %sign3A_39 = arith.cmpi sgt, %add3A_35, %sign3A_38 : i32
    %sign3A_40 = arith.extui %sign3A_39 : i1 to i32
    %sign3A_41 = arith.constant 0 : i32
    %sign3A_42 = arith.cmpi slt, %add3A_35, %sign3A_41 : i32
    %sign3A_43 = arith.extui %sign3A_42 : i1 to i32
    %sign3A_44 = arith.subi %sign3A_40, %sign3A_43 : i32
    %sign3A_45 = arith.constant 0 : i32
    %sign3A_46 = arith.cmpi sgt, %jit3A_36, %sign3A_45 : i32
    %sign3A_47 = arith.extui %sign3A_46 : i1 to i32
    %sign3A_48 = arith.constant 0 : i32
    %sign3A_49 = arith.cmpi slt, %jit3A_36, %sign3A_48 : i32
    %sign3A_50 = arith.extui %sign3A_49 : i1 to i32
    %sign3A_51 = arith.subi %sign3A_47, %sign3A_50 : i32
    %ne3A_52 = arith.cmpi ne, %sign3A_44, %sign3A_51 : i32
    %rem3A_53 = arith.remsi %add3A_35, %jit3A_36 : i32
    %ne3A_54 = arith.constant 0 : i32
    %ne3A_55 = arith.cmpi ne, %rem3A_53, %ne3A_54 : i32
    %and3A_56 = arith.andi %ne3A_52, %ne3A_55 : i1
    %sub3A_57 = arith.constant 1 : i32
    %sub3A_58 = arith.subi %div3A_37, %sub3A_57 : i32
    %select_n3A_59 = arith.select %and3A_56, %sub3A_58, %div3A_37 : i32
    %get3A_60 = arith.constant 16 : index
    %get3A_61 = tpu.vector_load %arg6[%get3A_60] {strides = array<i32>} : memref<12800xi32, #tpu.memory_space<vmem>>, vector<16xi32>,
    %get3A_62 = vector.shape_cast %get3A_61 : vector<16xi32> to vector<16xi32>
    %mul3A_63 = arith.constant 16 : i32
    %mul3A_64 = arith.muli %select_n3A_59, %mul3A_63 : i32
    %get3A_65 = arith.index_cast %mul3A_64 : i32 to index
    %get3A_66 = tpu.vector_load %arg7[%get3A_65] {strides = array<i32>} : memref<1600xi32, #tpu.memory_space<vmem>>, vector<16xi32>,
    %get3A_67 = vector.shape_cast %get3A_66 : vector<16xi32> to vector<16xi32>
    %add3A_68 = arith.addi %get3A_62, %get3A_67 : vector<16xi32>
    %swap3A_69 = arith.constant 16 : index
    %swap3A_70 = tpu.vector_load %arg6[%swap3A_69] {strides = array<i32>} : memref<12800xi32, #tpu.memory_space<vmem>>, vector<16xi32>,
    %swap3A_71 = vector.shape_cast %swap3A_70 : vector<16xi32> to vector<16xi32>
    %swap3A_72 = vector.shape_cast %add3A_68 : vector<16xi32> to vector<16xi32>
    tpu.vector_store %arg6[%swap3A_69], %swap3A_72 {strides = array<i32>} : memref<12800xi32, #tpu.memory_space<vmem>>, vector<16xi32>,
    %add3A_73 = arith.constant 2 : i32
    %add3A_74 = arith.addi %mul3A_4, %add3A_73 : i32
    %jit3A_75 = arith.constant 256 : i32
    %div3A_76 = arith.divsi %add3A_74, %jit3A_75 : i32
    %sign3A_77 = arith.constant 0 : i32
    %sign3A_78 = arith.cmpi sgt, %add3A_74, %sign3A_77 : i32
    %sign3A_79 = arith.extui %sign3A_78 : i1 to i32
    %sign3A_80 = arith.constant 0 : i32
    %sign3A_81 = arith.cmpi slt, %add3A_74, %sign3A_80 : i32
    %sign3A_82 = arith.extui %sign3A_81 : i1 to i32
    %sign3A_83 = arith.subi %sign3A_79, %sign3A_82 : i32
    %sign3A_84 = arith.constant 0 : i32
    %sign3A_85 = arith.cmpi sgt, %jit3A_75, %sign3A_84 : i32
    %sign3A_86 = arith.extui %sign3A_85 : i1 to i32
    %sign3A_87 = arith.constant 0 : i32
    %sign3A_88 = arith.cmpi slt, %jit3A_75, %sign3A_87 : i32
    %sign3A_89 = arith.extui %sign3A_88 : i1 to i32
    %sign3A_90 = arith.subi %sign3A_86, %sign3A_89 : i32
    %ne3A_91 = arith.cmpi ne, %sign3A_83, %sign3A_90 : i32
    %rem3A_92 = arith.remsi %add3A_74, %jit3A_75 : i32
    %ne3A_93 = arith.constant 0 : i32
    %ne3A_94 = arith.cmpi ne, %rem3A_92, %ne3A_93 : i32
    %and3A_95 = arith.andi %ne3A_91, %ne3A_94 : i1
    %sub3A_96 = arith.constant 1 : i32
    %sub3A_97 = arith.subi %div3A_76, %sub3A_96 : i32
    %select_n3A_98 = arith.select %and3A_95, %sub3A_97, %div3A_76 : i32
    %get3A_99 = arith.constant 32 : index
    %get3A_100 = tpu.vector_load %arg6[%get3A_99] {strides = array<i32>} : memref<12800xi32, #tpu.memory_space<vmem>>, vector<16xi32>,
    %get3A_101 = vector.shape_cast %get3A_100 : vector<16xi32> to vector<16xi32>
    %mul3A_102 = arith.constant 16 : i32
    %mul3A_103 = arith.muli %select_n3A_98, %mul3A_102 : i32
    %get3A_104 = arith.index_cast %mul3A_103 : i32 to index
    %get3A_105 = tpu.vector_load %arg7[%get3A_104] {strides = array<i32>} : memref<1600xi32, #tpu.memory_space<vmem>>, vector<16xi32>,
    %get3A_106 = vector.shape_cast %get3A_105 : vector<16xi32> to vector<16xi32>
    %add3A_107 = arith.addi %get3A_101, %get3A_106 : vector<16xi32>
    %swap3A_108 = arith.constant 32 : index
    %swap3A_109 = tpu.vector_load %arg6[%swap3A_108] {strides = array<i32>} : memref<12800xi32, #tpu.memory_space<vmem>>, vector<16xi32>,
    %swap3A_110 = vector.shape_cast %swap3A_109 : vector<16xi32> to vector<16xi32>
    %swap3A_111 = vector.shape_cast %add3A_107 : vector<16xi32> to vector<16xi32>
    tpu.vector_store %arg6[%swap3A_108], %swap3A_111 {strides = array<i32>} : memref<12800xi32, #tpu.memory_space<vmem>>, vector<16xi32>,
    %add3A_112 = arith.constant 3 : i32
    %add3A_113 = arith.addi %mul3A_4, %add3A_112 : i32
    %jit3A_114 = arith.constant 256 : i32
    %div3A_115 = arith.divsi %add3A_113, %jit3A_114 : i32
    %sign3A_116 = arith.constant 0 : i32
    %sign3A_117 = arith.cmpi sgt, %add3A_113, %sign3A_116 : i32
    %sign3A_118 = arith.extui %sign3A_117 : i1 to i32
    %sign3A_119 = arith.constant 0 : i32
    %sign3A_120 = arith.cmpi slt, %add3A_113, %sign3A_119 : i32
    %sign3A_121 = arith.extui %sign3A_120 : i1 to i32
    %sign3A_122 = arith.subi %sign3A_118, %sign3A_121 : i32
    %sign3A_123 = arith.constant 0 : i32
    %sign3A_124 = arith.cmpi sgt, %jit3A_114, %sign3A_123 : i32
    %sign3A_125 = arith.extui %sign3A_124 : i1 to i32
    %sign3A_126 = arith.constant 0 : i32
    %sign3A_127 = arith.cmpi slt, %jit3A_114, %sign3A_126 : i32
    %sign3A_128 = arith.extui %sign3A_127 : i1 to i32
    %sign3A_129 = arith.subi %sign3A_125, %sign3A_128 : i32
    %ne3A_130 = arith.cmpi ne, %sign3A_122, %sign3A_129 : i32
    %rem3A_131 = arith.remsi %add3A_113, %jit3A_114 : i32
    %ne3A_132 = arith.constant 0 : i32
    %ne3A_133 = arith.cmpi ne, %rem3A_131, %ne3A_132 : i32
    %and3A_134 = arith.andi %ne3A_130, %ne3A_133 : i1
    %sub3A_135 = arith.constant 1 : i32
    %sub3A_136 = arith.subi %div3A_115, %sub3A_135 : i32
    %select_n3A_137 = arith.select %and3A_134, %sub3A_136, %div3A_115 : i32
    %get3A_138 = arith.constant 48 : index
    %get3A_139 = tpu.vector_load %arg6[%get3A_138] {strides = array<i32>} : memref<12800xi32, #tpu.memory_space<vmem>>, vector<16xi32>,
    %get3A_140 = vector.shape_cast %get3A_139 : vector<16xi32> to vector<16xi32>
    %mul3A_141 = arith.constant 16 : i32
    %mul3A_142 = arith.muli %select_n3A_137, %mul3A_141 : i32
    %get3A_143 = arith.index_cast %mul3A_142 : i32 to index
    %get3A_144 = tpu.vector_load %arg7[%get3A_143] {strides = array<i32>} : memref<1600xi32, #tpu.memory_space<vmem>>, vector<16xi32>,
    %get3A_145 = vector.shape_cast %get3A_144 : vector<16xi32> to vector<16xi32>
    %add3A_146 = arith.addi %get3A_140, %get3A_145 : vector<16xi32>
    %swap3A_147 = arith.constant 48 : index
    %swap3A_148 = tpu.vector_load %arg6[%swap3A_147] {strides = array<i32>} : memref<12800xi32, #tpu.memory_space<vmem>>, vector<16xi32>,
    %swap3A_149 = vector.shape_cast %swap3A_148 : vector<16xi32> to vector<16xi32>
    %swap3A_150 = vector.shape_cast %add3A_146 : vector<16xi32> to vector<16xi32>
    tpu.vector_store %arg6[%swap3A_147], %swap3A_150 {strides = array<i32>} : memref<12800xi32, #tpu.memory_space<vmem>>, vector<16xi32>,
    %add3A_151 = arith.constant 4 : i32
    %add3A_152 = arith.addi %mul3A_4, %add3A_151 : i32
    %jit3A_153 = arith.constant 256 : i32
    %div3A_154 = arith.divsi %add3A_152, %jit3A_153 : i32
    %sign3A_155 = arith.constant 0 : i32
    %sign3A_156 = arith.cmpi sgt, %add3A_152, %sign3A_155 : i32
    %sign3A_157 = arith.extui %sign3A_156 : i1 to i32
    %sign3A_158 = arith.constant 0 : i32
    %sign3A_159 = arith.cmpi slt, %add3A_152, %sign3A_158 : i32
    %sign3A_160 = arith.extui %sign3A_159 : i1 to i32
    %sign3A_161 = arith.subi %sign3A_157, %sign3A_160 : i32
    %sign3A_162 = arith.constant 0 : i32
    %sign3A_163 = arith.cmpi sgt, %jit3A_153, %sign3A_162 : i32
    %sign3A_164 = arith.extui %sign3A_163 : i1 to i32
    %sign3A_165 = arith.constant 0 : i32
    %sign3A_166 = arith.cmpi slt, %jit3A_153, %sign3A_165 : i32
    %sign3A_167 = arith.extui %sign3A_166 : i1 to i32
    %sign3A_168 = arith.subi %sign3A_164, %sign3A_167 : i32
    %ne3A_169 = arith.cmpi ne, %sign3A_161, %sign3A_168 : i32
    %rem3A_170 = arith.remsi %add3A_152, %jit3A_153 : i32
    %ne3A_171 = arith.constant 0 : i32
    %ne3A_172 = arith.cmpi ne, %rem3A_170, %ne3A_171 : i32
    %and3A_173 = arith.andi %ne3A_169, %ne3A_172 : i1
    %sub3A_174 = arith.constant 1 : i32
    %sub3A_175 = arith.subi %div3A_154, %sub3A_174 : i32
    %select_n3A_176 = arith.select %and3A_173, %sub3A_175, %div3A_154 : i32
    %get3A_177 = arith.constant 64 : index
    %get3A_178 = tpu.vector_load %arg6[%get3A_177] {strides = array<i32>} : memref<12800xi32, #tpu.memory_space<vmem>>, vector<16xi32>,
    %get3A_179 = vector.shape_cast %get3A_178 : vector<16xi32> to vector<16xi32>
    %mul3A_180 = arith.constant 16 : i32
    %mul3A_181 = arith.muli %select_n3A_176, %mul3A_180 : i32
    %get3A_182 = arith.index_cast %mul3A_181 : i32 to index
    %get3A_183 = tpu.vector_load %arg7[%get3A_182] {strides = array<i32>} : memref<1600xi32, #tpu.memory_space<vmem>>, vector<16xi32>,
    %get3A_184 = vector.shape_cast %get3A_183 : vector<16xi32> to vector<16xi32>
    %add3A_185 = arith.addi %get3A_179, %get3A_184 : vector<16xi32>
    %swap3A_186 = arith.constant 64 : index
    %swap3A_187 = tpu.vector_load %arg6[%swap3A_186] {strides = array<i32>} : memref<12800xi32, #tpu.memory_space<vmem>>, vector<16xi32>,
    %swap3A_188 = vector.shape_cast %swap3A_187 : vector<16xi32> to vector<16xi32>
    %swap3A_189 = vector.shape_cast %add3A_185 : vector<16xi32> to vector<16xi32>
    tpu.vector_store %arg6[%swap3A_186], %swap3A_189 {strides = array<i32>} : memref<12800xi32, #tpu.memory_space<vmem>>, vector<16xi32>,
    %add3A_190 = arith.constant 5 : i32
    %add3A_191 = arith.addi %mul3A_4, %add3A_190 : i32
    %jit3A_192 = arith.constant 256 : i32
    %div3A_193 = arith.divsi %add3A_191, %jit3A_192 : i32
    %sign3A_194 = arith.constant 0 : i32
    %sign3A_195 = arith.cmpi sgt, %add3A_191, %sign3A_194 : i32
    %sign3A_196 = arith.extui %sign3A_195 : i1 to i32
    %sign3A_197 = arith.constant 0 : i32
    %sign3A_198 = arith.cmpi slt, %add3A_191, %sign3A_197 : i32
    %sign3A_199 = arith.extui %sign3A_198 : i1 to i32
    %sign3A_200 = arith.subi %sign3A_196, %sign3A_199 : i32
    %sign3A_201 = arith.constant 0 : i32
    %sign3A_202 = arith.cmpi sgt, %jit3A_192, %sign3A_201 : i32
    %sign3A_203 = arith.extui %sign3A_202 : i1 to i32
    %sign3A_204 = arith.constant 0 : i32
    %sign3A_205 = arith.cmpi slt, %jit3A_192, %sign3A_204 : i32
    %sign3A_206 = arith.extui %sign3A_205 : i1 to i32
    %sign3A_207 = arith.subi %sign3A_203, %sign3A_206 : i32
    %ne3A_208 = arith.cmpi ne, %sign3A_200, %sign3A_207 : i32
    %rem3A_209 = arith.remsi %add3A_191, %jit3A_192 : i32
    %ne3A_210 = arith.constant 0 : i32
    %ne3A_211 = arith.cmpi ne, %rem3A_209, %ne3A_210 : i32
    %and3A_212 = arith.andi %ne3A_208, %ne3A_211 : i1
    %sub3A_213 = arith.constant 1 : i32
    %sub3A_214 = arith.subi %div3A_193, %sub3A_213 : i32
    %select_n3A_215 = arith.select %and3A_212, %sub3A_214, %div3A_193 : i32
    %get3A_216 = arith.constant 80 : index
    %get3A_217 = tpu.vector_load %arg6[%get3A_216] {strides = array<i32>} : memref<12800xi32, #tpu.memory_space<vmem>>, vector<16xi32>,
    %get3A_218 = vector.shape_cast %get3A_217 : vector<16xi32> to vector<16xi32>
    %mul3A_219 = arith.constant 16 : i32
    %mul3A_220 = arith.muli %select_n3A_215, %mul3A_219 : i32
    %get3A_221 = arith.index_cast %mul3A_220 : i32 to index
    %get3A_222 = tpu.vector_load %arg7[%get3A_221] {strides = array<i32>} : memref<1600xi32, #tpu.memory_space<vmem>>, vector<16xi32>,
    %get3A_223 = vector.shape_cast %get3A_222 : vector<16xi32> to vector<16xi32>
    %add3A_224 = arith.addi %get3A_218, %get3A_223 : vector<16xi32>
    %swap3A_225 = arith.constant 80 : index
    %swap3A_226 = tpu.vector_load %arg6[%swap3A_225] {strides = array<i32>} : memref<12800xi32, #tpu.memory_space<vmem>>, vector<16xi32>,
    %swap3A_227 = vector.shape_cast %swap3A_226 : vector<16xi32> to vector<16xi32>
    %swap3A_228 = vector.shape_cast %add3A_224 : vector<16xi32> to vector<16xi32>
    tpu.vector_store %arg6[%swap3A_225], %swap3A_228 {strides = array<i32>} : memref<12800xi32, #tpu.memory_space<vmem>>, vector<16xi32>,
    %add3A_229 = arith.constant 6 : i32
    %add3A_230 = arith.addi %mul3A_4, %add3A_229 : i32
    %jit3A_231 = arith.constant 256 : i32
    %div3A_232 = arith.divsi %add3A_230, %jit3A_231 : i32
    %sign3A_233 = arith.constant 0 : i32
    %sign3A_234 = arith.cmpi sgt, %add3A_230, %sign3A_233 : i32
    %sign3A_235 = arith.extui %sign3A_234 : i1 to i32
    %sign3A_236 = arith.constant 0 : i32
    %sign3A_237 = arith.cmpi slt, %add3A_230, %sign3A_236 : i32
    %sign3A_238 = arith.extui %sign3A_237 : i1 to i32
    %sign3A_239 = arith.subi %sign3A_235, %sign3A_238 : i32
    %sign3A_240 = arith.constant 0 : i32
    %sign3A_241 = arith.cmpi sgt, %jit3A_231, %sign3A_240 : i32
    %sign3A_242 = arith.extui %sign3A_241 : i1 to i32
    %sign3A_243 = arith.constant 0 : i32
    %sign3A_244 = arith.cmpi slt, %jit3A_231, %sign3A_243 : i32
    %sign3A_245 = arith.extui %sign3A_244 : i1 to i32
    %sign3A_246 = arith.subi %sign3A_242, %sign3A_245 : i32
    %ne3A_247 = arith.cmpi ne, %sign3A_239, %sign3A_246 : i32
    %rem3A_248 = arith.remsi %add3A_230, %jit3A_231 : i32
    %ne3A_249 = arith.constant 0 : i32
    %ne3A_250 = arith.cmpi ne, %rem3A_248, %ne3A_249 : i32
    %and3A_251 = arith.andi %ne3A_247, %ne3A_250 : i1
    %sub3A_252 = arith.constant 1 : i32
    %sub3A_253 = arith.subi %div3A_232, %sub3A_252 : i32
    %select_n3A_254 = arith.select %and3A_251, %sub3A_253, %div3A_232 : i32
    %get3A_255 = arith.constant 96 : index
    %get3A_256 = tpu.vector_load %arg6[%get3A_255] {strides = array<i32>} : memref<12800xi32, #tpu.memory_space<vmem>>, vector<16xi32>,
    %get3A_257 = vector.shape_cast %get3A_256 : vector<16xi32> to vector<16xi32>
    %mul3A_258 = arith.constant 16 : i32
    %mul3A_259 = arith.muli %select_n3A_254, %mul3A_258 : i32
    %get3A_260 = arith.index_cast %mul3A_259 : i32 to index
    %get3A_261 = tpu.vector_load %arg7[%get3A_260] {strides = array<i32>} : memref<1600xi32, #tpu.memory_space<vmem>>, vector<16xi32>,
    %get3A_262 = vector.shape_cast %get3A_261 : vector<16xi32> to vector<16xi32>
    %add3A_263 = arith.addi %get3A_257, %get3A_262 : vector<16xi32>
    %swap3A_264 = arith.constant 96 : index
    %swap3A_265 = tpu.vector_load %arg6[%swap3A_264] {strides = array<i32>} : memref<12800xi32, #tpu.memory_space<vmem>>, vector<16xi32>,
    %swap3A_266 = vector.shape_cast %swap3A_265 : vector<16xi32> to vector<16xi32>
    %swap3A_267 = vector.shape_cast %add3A_263 : vector<16xi32> to vector<16xi32>
    tpu.vector_store %arg6[%swap3A_264], %swap3A_267 {strides = array<i32>} : memref<12800xi32, #tpu.memory_space<vmem>>, vector<16xi32>,
    %add3A_268 = arith.constant 7 : i32
    %add3A_269 = arith.addi %mul3A_4, %add3A_268 : i32
    %jit3A_270 = arith.constant 256 : i32
    %div3A_271 = arith.divsi %add3A_269, %jit3A_270 : i32
    %sign3A_272 = arith.constant 0 : i32
    %sign3A_273 = arith.cmpi sgt, %add3A_269, %sign3A_272 : i32
    %sign3A_274 = arith.extui %sign3A_273 : i1 to i32
    %sign3A_275 = arith.constant 0 : i32
    %sign3A_276 = arith.cmpi slt, %add3A_269, %sign3A_275 : i32
    %sign3A_277 = arith.extui %sign3A_276 : i1 to i32
    %sign3A_278 = arith.subi %sign3A_274, %sign3A_277 : i32
    %sign3A_279 = arith.constant 0 : i32
    %sign3A_280 = arith.cmpi sgt, %jit3A_270, %sign3A_279 : i32
    %sign3A_281 = arith.extui %sign3A_280 : i1 to i32
    %sign3A_282 = arith.constant 0 : i32
    %sign3A_283 = arith.cmpi slt, %jit3A_270, %sign3A_282 : i32
    %sign3A_284 = arith.extui %sign3A_283 : i1 to i32
    %sign3A_285 = arith.subi %sign3A_281, %sign3A_284 : i32
    %ne3A_286 = arith.cmpi ne, %sign3A_278, %sign3A_285 : i32
    %rem3A_287 = arith.remsi %add3A_269, %jit3A_270 : i32
    %ne3A_288 = arith.constant 0 : i32
    %ne3A_289 = arith.cmpi ne, %rem3A_287, %ne3A_288 : i32
    %and3A_290 = arith.andi %ne3A_286, %ne3A_289 : i1
    %sub3A_291 = arith.constant 1 : i32
    %sub3A_292 = arith.subi %div3A_271, %sub3A_291 : i32
    %select_n3A_293 = arith.select %and3A_290, %sub3A_292, %div3A_271 : i32
    %get3A_294 = arith.constant 112 : index
    %get3A_295 = tpu.vector_load %arg6[%get3A_294] {strides = array<i32>} : memref<12800xi32, #tpu.memory_space<vmem>>, vector<16xi32>,
    %get3A_296 = vector.shape_cast %get3A_295 : vector<16xi32> to vector<16xi32>
    %mul3A_297 = arith.constant 16 : i32
    %mul3A_298 = arith.muli %select_n3A_293, %mul3A_297 : i32
    %get3A_299 = arith.index_cast %mul3A_298 : i32 to index
    %get3A_300 = tpu.vector_load %arg7[%get3A_299] {strides = array<i32>} : memref<1600xi32, #tpu.memory_space<vmem>>, vector<16xi32>,
    %get3A_301 = vector.shape_cast %get3A_300 : vector<16xi32> to vector<16xi32>
    %add3A_302 = arith.addi %get3A_296, %get3A_301 : vector<16xi32>
    %swap3A_303 = arith.constant 112 : index
    %swap3A_304 = tpu.vector_load %arg6[%swap3A_303] {strides = array<i32>} : memref<12800xi32, #tpu.memory_space<vmem>>, vector<16xi32>,
    %swap3A_305 = vector.shape_cast %swap3A_304 : vector<16xi32> to vector<16xi32>
    %swap3A_306 = vector.shape_cast %add3A_302 : vector<16xi32> to vector<16xi32>
    tpu.vector_store %arg6[%swap3A_303], %swap3A_306 {strides = array<i32>} : memref<12800xi32, #tpu.memory_space<vmem>>, vector<16xi32>,
    %dma_start3A = arith.constant 0 : i32
    %dma_start3A_307 = tpu.memref_slice %arg6[%dma_start3A] : memref<12800xi32, #tpu.memory_space<vmem>> -> memref<128xi32, #tpu.memory_space<vmem>>
    %dma_start3A_308 = arith.constant 0 : i32
    %dma_start3A_309 = arith.constant 0 : i32
    %dma_start3A_310 = tpu.memref_slice %arg3[%dma_start3A_308, %dma_start3A_309] : memref<100000x128xf32, #tpu.memory_space<hbm>> -> memref<100000x128xf32, #tpu.memory_space<hbm>>
    tpu.enqueue_indirect_dma source(%dma_start3A_310 : memref<100000x128xf32, #tpu.memory_space<hbm>>) target(%arg8 : memref<128x128xf32, #tpu.memory_space<vmem>>) offsets(%dma_start3A_307 : memref<128xi32, #tpu.memory_space<vmem>>) semaphore(%arg13 : memref<!tpu.dma_semaphore, #tpu.memory_space<semaphore_mem>>)
    %add3A_311 = arith.constant 8 : i32
    %add3A_312 = arith.addi %mul3A_4, %add3A_311 : i32
    %jit3A_313 = arith.constant 256 : i32
    %div3A_314 = arith.divsi %add3A_312, %jit3A_313 : i32
    %sign3A_315 = arith.constant 0 : i32
    %sign3A_316 = arith.cmpi sgt, %add3A_312, %sign3A_315 : i32
    %sign3A_317 = arith.extui %sign3A_316 : i1 to i32
    %sign3A_318 = arith.constant 0 : i32
    %sign3A_319 = arith.cmpi slt, %add3A_312, %sign3A_318 : i32
    %sign3A_320 = arith.extui %sign3A_319 : i1 to i32
    %sign3A_321 = arith.subi %sign3A_317, %sign3A_320 : i32
    %sign3A_322 = arith.constant 0 : i32
    %sign3A_323 = arith.cmpi sgt, %jit3A_313, %sign3A_322 : i32
    %sign3A_324 = arith.extui %sign3A_323 : i1 to i32
    %sign3A_325 = arith.constant 0 : i32
    %sign3A_326 = arith.cmpi slt, %jit3A_313, %sign3A_325 : i32
    %sign3A_327 = arith.extui %sign3A_326 : i1 to i32
    %sign3A_328 = arith.subi %sign3A_324, %sign3A_327 : i32
    %ne3A_329 = arith.cmpi ne, %sign3A_321, %sign3A_328 : i32
    %rem3A_330 = arith.remsi %add3A_312, %jit3A_313 : i32
    %ne3A_331 = arith.constant 0 : i32
    %ne3A_332 = arith.cmpi ne, %rem3A_330, %ne3A_331 : i32
    %and3A_333 = arith.andi %ne3A_329, %ne3A_332 : i1
    %sub3A_334 = arith.constant 1 : i32
    %sub3A_335 = arith.subi %div3A_314, %sub3A_334 : i32
    %select_n3A_336 = arith.select %and3A_333, %sub3A_335, %div3A_314 : i32
    %get3A_337 = arith.constant 128 : index
    %get3A_338 = tpu.vector_load %arg6[%get3A_337] {strides = array<i32>} : memref<12800xi32, #tpu.memory_space<vmem>>, vector<16xi32>,
    %get3A_339 = vector.shape_cast %get3A_338 : vector<16xi32> to vector<16xi32>
    %mul3A_340 = arith.constant 16 : i32
    %mul3A_341 = arith.muli %select_n3A_336, %mul3A_340 : i32
    %get3A_342 = arith.index_cast %mul3A_341 : i32 to index
    %get3A_343 = tpu.vector_load %arg7[%get3A_342] {strides = array<i32>} : memref<1600xi32, #tpu.memory_space<vmem>>, vector<16xi32>,
    %get3A_344 = vector.shape_cast %get3A_343 : vector<16xi32> to vector<16xi32>
    %add3A_345 = arith.addi %get3A_339, %get3A_344 : vector<16xi32>
    %swap3A_346 = arith.constant 128 : index
    %swap3A_347 = tpu.vector_load %arg6[%swap3A_346] {strides = array<i32>} : memref<12800xi32, #tpu.memory_space<vmem>>, vector<16xi32>,
    %swap3A_348 = vector.shape_cast %swap3A_347 : vector<16xi32> to vector<16xi32>
    %swap3A_349 = vector.shape_cast %add3A_345 : vector<16xi32> to vector<16xi32>
    tpu.vector_store %arg6[%swap3A_346], %swap3A_349 {strides = array<i32>} : memref<12800xi32, #tpu.memory_space<vmem>>, vector<16xi32>,
    %add3A_350 = arith.constant 9 : i32
    %add3A_351 = arith.addi %mul3A_4, %add3A_350 : i32
    %jit3A_352 = arith.constant 256 : i32
    %div3A_353 = arith.divsi %add3A_351, %jit3A_352 : i32
    %sign3A_354 = arith.constant 0 : i32
    %sign3A_355 = arith.cmpi sgt, %add3A_351, %sign3A_354 : i32
    %sign3A_356 = arith.extui %sign3A_355 : i1 to i32
    %sign3A_357 = arith.constant 0 : i32
    %sign3A_358 = arith.cmpi slt, %add3A_351, %sign3A_357 : i32
    %sign3A_359 = arith.extui %sign3A_358 : i1 to i32
    %sign3A_360 = arith.subi %sign3A_356, %sign3A_359 : i32
    %sign3A_361 = arith.constant 0 : i32
    %sign3A_362 = arith.cmpi sgt, %jit3A_352, %sign3A_361 : i32
    %sign3A_363 = arith.extui %sign3A_362 : i1 to i32
    %sign3A_364 = arith.constant 0 : i32
    %sign3A_365 = arith.cmpi slt, %jit3A_352, %sign3A_364 : i32
    %sign3A_366 = arith.extui %sign3A_365 : i1 to i32
    %sign3A_367 = arith.subi %sign3A_363, %sign3A_366 : i32
    %ne3A_368 = arith.cmpi ne, %sign3A_360, %sign3A_367 : i32
    %rem3A_369 = arith.remsi %add3A_351, %jit3A_352 : i32
    %ne3A_370 = arith.constant 0 : i32
    %ne3A_371 = arith.cmpi ne, %rem3A_369, %ne3A_370 : i32
    %and3A_372 = arith.andi %ne3A_368, %ne3A_371 : i1
    %sub3A_373 = arith.constant 1 : i32
    %sub3A_374 = arith.subi %div3A_353, %sub3A_373 : i32
    %select_n3A_375 = arith.select %and3A_372, %sub3A_374, %div3A_353 : i32
    %get3A_376 = arith.constant 144 : index
    %get3A_377 = tpu.vector_load %arg6[%get3A_376] {strides = array<i32>} : memref<12800xi32, #tpu.memory_space<vmem>>, vector<16xi32>,
    %get3A_378 = vector.shape_cast %get3A_377 : vector<16xi32> to vector<16xi32>
    %mul3A_379 = arith.constant 16 : i32
    %mul3A_380 = arith.muli %select_n3A_375, %mul3A_379 : i32
    %get3A_381 = arith.index_cast %mul3A_380 : i32 to index
    %get3A_382 = tpu.vector_load %arg7[%get3A_381] {strides = array<i32>} : memref<1600xi32, #tpu.memory_space<vmem>>, vector<16xi32>,
    %get3A_383 = vector.shape_cast %get3A_382 : vector<16xi32> to vector<16xi32>
    %add3A_384 = arith.addi %get3A_378, %get3A_383 : vector<16xi32>
    %swap3A_385 = arith.constant 144 : index
    %swap3A_386 = tpu.vector_load %arg6[%swap3A_385] {strides = array<i32>} : memref<12800xi32, #tpu.memory_space<vmem>>, vector<16xi32>,
    %swap3A_387 = vector.shape_cast %swap3A_386 : vector<16xi32> to vector<16xi32>
    %swap3A_388 = vector.shape_cast %add3A_384 : vector<16xi32> to vector<16xi32>
    tpu.vector_store %arg6[%swap3A_385], %swap3A_388 {strides = array<i32>} : memref<12800xi32, #tpu.memory_space<vmem>>, vector<16xi32>,
    %add3A_389 = arith.constant 10 : i32
    %add3A_390 = arith.addi %mul3A_4, %add3A_389 : i32
    %jit3A_391 = arith.constant 256 : i32
    %div3A_392 = arith.divsi %add3A_390, %jit3A_391 : i32
    %sign3A_393 = arith.constant 0 : i32
    %sign3A_394 = arith.cmpi sgt, %add3A_390, %sign3A_393 : i32
    %sign3A_395 = arith.extui %sign3A_394 : i1 to i32
    %sign3A_396 = arith.constant 0 : i32
    %sign3A_397 = arith.cmpi slt, %add3A_390, %sign3A_396 : i32
    %sign3A_398 = arith.extui %sign3A_397 : i1 to i32
    %sign3A_399 = arith.subi %sign3A_395, %sign3A_398 : i32
    %sign3A_400 = arith.constant 0 : i32
    %sign3A_401 = arith.cmpi sgt, %jit3A_391, %sign3A_400 : i32
    %sign3A_402 = arith.extui %sign3A_401 : i1 to i32
    %sign3A_403 = arith.constant 0 : i32
    %sign3A_404 = arith.cmpi slt, %jit3A_391, %sign3A_403 : i32
    %sign3A_405 = arith.extui %sign3A_404 : i1 to i32
    %sign3A_406 = arith.subi %sign3A_402, %sign3A_405 : i32
    %ne3A_407 = arith.cmpi ne, %sign3A_399, %sign3A_406 : i32
    %rem3A_408 = arith.remsi %add3A_390, %jit3A_391 : i32
    %ne3A_409 = arith.constant 0 : i32
    %ne3A_410 = arith.cmpi ne, %rem3A_408, %ne3A_409 : i32
    %and3A_411 = arith.andi %ne3A_407, %ne3A_410 : i1
    %sub3A_412 = arith.constant 1 : i32
    %sub3A_413 = arith.subi %div3A_392, %sub3A_412 : i32
    %select_n3A_414 = arith.select %and3A_411, %sub3A_413, %div3A_392 : i32
    %get3A_415 = arith.constant 160 : index
    %get3A_416 = tpu.vector_load %arg6[%get3A_415] {strides = array<i32>} : memref<12800xi32, #tpu.memory_space<vmem>>, vector<16xi32>,
    %get3A_417 = vector.shape_cast %get3A_416 : vector<16xi32> to vector<16xi32>
    %mul3A_418 = arith.constant 16 : i32
    %mul3A_419 = arith.muli %select_n3A_414, %mul3A_418 : i32
    %get3A_420 = arith.index_cast %mul3A_419 : i32 to index
    %get3A_421 = tpu.vector_load %arg7[%get3A_420] {strides = array<i32>} : memref<1600xi32, #tpu.memory_space<vmem>>, vector<16xi32>,
    %get3A_422 = vector.shape_cast %get3A_421 : vector<16xi32> to vector<16xi32>
    %add3A_423 = arith.addi %get3A_417, %get3A_422 : vector<16xi32>
    %swap3A_424 = arith.constant 160 : index
    %swap3A_425 = tpu.vector_load %arg6[%swap3A_424] {strides = array<i32>} : memref<12800xi32, #tpu.memory_space<vmem>>, vector<16xi32>,
    %swap3A_426 = vector.shape_cast %swap3A_425 : vector<16xi32> to vector<16xi32>
    %swap3A_427 = vector.shape_cast %add3A_423 : vector<16xi32> to vector<16xi32>
    tpu.vector_store %arg6[%swap3A_424], %swap3A_427 {strides = array<i32>} : memref<12800xi32, #tpu.memory_space<vmem>>, vector<16xi32>,
    %add3A_428 = arith.constant 11 : i32
    %add3A_429 = arith.addi %mul3A_4, %add3A_428 : i32
    %jit3A_430 = arith.constant 256 : i32
    %div3A_431 = arith.divsi %add3A_429, %jit3A_430 : i32
    %sign3A_432 = arith.constant 0 : i32
    %sign3A_433 = arith.cmpi sgt, %add3A_429, %sign3A_432 : i32
    %sign3A_434 = arith.extui %sign3A_433 : i1 to i32
    %sign3A_435 = arith.constant 0 : i32
    %sign3A_436 = arith.cmpi slt, %add3A_429, %sign3A_435 : i32
    %sign3A_437 = arith.extui %sign3A_436 : i1 to i32
    %sign3A_438 = arith.subi %sign3A_434, %sign3A_437 : i32
    %sign3A_439 = arith.constant 0 : i32
    %sign3A_440 = arith.cmpi sgt, %jit3A_430, %sign3A_439 : i32
    %sign3A_441 = arith.extui %sign3A_440 : i1 to i32
    %sign3A_442 = arith.constant 0 : i32
    %sign3A_443 = arith.cmpi slt, %jit3A_430, %sign3A_442 : i32
    %sign3A_444 = arith.extui %sign3A_443 : i1 to i32
    %sign3A_445 = arith.subi %sign3A_441, %sign3A_444 : i32
    %ne3A_446 = arith.cmpi ne, %sign3A_438, %sign3A_445 : i32
    %rem3A_447 = arith.remsi %add3A_429, %jit3A_430 : i32
    %ne3A_448 = arith.constant 0 : i32
    %ne3A_449 = arith.cmpi ne, %rem3A_447, %ne3A_448 : i32
    %and3A_450 = arith.andi %ne3A_446, %ne3A_449 : i1
    %sub3A_451 = arith.constant 1 : i32
    %sub3A_452 = arith.subi %div3A_431, %sub3A_451 : i32
    %select_n3A_453 = arith.select %and3A_450, %sub3A_452, %div3A_431 : i32
    %get3A_454 = arith.constant 176 : index
    %get3A_455 = tpu.vector_load %arg6[%get3A_454] {strides = array<i32>} : memref<12800xi32, #tpu.memory_space<vmem>>, vector<16xi32>,
    %get3A_456 = vector.shape_cast %get3A_455 : vector<16xi32> to vector<16xi32>
    %mul3A_457 = arith.constant 16 : i32
    %mul3A_458 = arith.muli %select_n3A_453, %mul3A_457 : i32
    %get3A_459 = arith.index_cast %mul3A_458 : i32 to index
    %get3A_460 = tpu.vector_load %arg7[%get3A_459] {strides = array<i32>} : memref<1600xi32, #tpu.memory_space<vmem>>, vector<16xi32>,
    %get3A_461 = vector.shape_cast %get3A_460 : vector<16xi32> to vector<16xi32>
    %add3A_462 = arith.addi %get3A_456, %get3A_461 : vector<16xi32>
    %swap3A_463 = arith.constant 176 : index
    %swap3A_464 = tpu.vector_load %arg6[%swap3A_463] {strides = array<i32>} : memref<12800xi32, #tpu.memory_space<vmem>>, vector<16xi32>,
    %swap3A_465 = vector.shape_cast %swap3A_464 : vector<16xi32> to vector<16xi32>
    %swap3A_466 = vector.shape_cast %add3A_462 : vector<16xi32> to vector<16xi32>
    tpu.vector_store %arg6[%swap3A_463], %swap3A_466 {strides = array<i32>} : memref<12800xi32, #tpu.memory_space<vmem>>, vector<16xi32>,
    %add3A_467 = arith.constant 12 : i32
    %add3A_468 = arith.addi %mul3A_4, %add3A_467 : i32
    %jit3A_469 = arith.constant 256 : i32
    %div3A_470 = arith.divsi %add3A_468, %jit3A_469 : i32
    %sign3A_471 = arith.constant 0 : i32
    %sign3A_472 = arith.cmpi sgt, %add3A_468, %sign3A_471 : i32
    %sign3A_473 = arith.extui %sign3A_472 : i1 to i32
    %sign3A_474 = arith.constant 0 : i32
    %sign3A_475 = arith.cmpi slt, %add3A_468, %sign3A_474 : i32
    %sign3A_476 = arith.extui %sign3A_475 : i1 to i32
    %sign3A_477 = arith.subi %sign3A_473, %sign3A_476 : i32
    %sign3A_478 = arith.constant 0 : i32
    %sign3A_479 = arith.cmpi sgt, %jit3A_469, %sign3A_478 : i32
    %sign3A_480 = arith.extui %sign3A_479 : i1 to i32
    %sign3A_481 = arith.constant 0 : i32
    %sign3A_482 = arith.cmpi slt, %jit3A_469, %sign3A_481 : i32
    %sign3A_483 = arith.extui %sign3A_482 : i1 to i32
    %sign3A_484 = arith.subi %sign3A_480, %sign3A_483 : i32
    %ne3A_485 = arith.cmpi ne, %sign3A_477, %sign3A_484 : i32
    %rem3A_486 = arith.remsi %add3A_468, %jit3A_469 : i32
    %ne3A_487 = arith.constant 0 : i32
    %ne3A_488 = arith.cmpi ne, %rem3A_486, %ne3A_487 : i32
    %and3A_489 = arith.andi %ne3A_485, %ne3A_488 : i1
    %sub3A_490 = arith.constant 1 : i32
    %sub3A_491 = arith.subi %div3A_470, %sub3A_490 : i32
    %select_n3A_492 = arith.select %and3A_489, %sub3A_491, %div3A_470 : i32
    %get3A_493 = arith.constant 192 : index
    %get3A_494 = tpu.vector_load %arg6[%get3A_493] {strides = array<i32>} : memref<12800xi32, #tpu.memory_space<vmem>>, vector<16xi32>,
    %get3A_495 = vector.shape_cast %get3A_494 : vector<16xi32> to vector<16xi32>
    %mul3A_496 = arith.constant 16 : i32
    %mul3A_497 = arith.muli %select_n3A_492, %mul3A_496 : i32
    %get3A_498 = arith.index_cast %mul3A_497 : i32 to index
    %get3A_499 = tpu.vector_load %arg7[%get3A_498] {strides = array<i32>} : memref<1600xi32, #tpu.memory_space<vmem>>, vector<16xi32>,
    %get3A_500 = vector.shape_cast %get3A_499 : vector<16xi32> to vector<16xi32>
    %add3A_501 = arith.addi %get3A_495, %get3A_500 : vector<16xi32>
    %swap3A_502 = arith.constant 192 : index
    %swap3A_503 = tpu.vector_load %arg6[%swap3A_502] {strides = array<i32>} : memref<12800xi32, #tpu.memory_space<vmem>>, vector<16xi32>,
    %swap3A_504 = vector.shape_cast %swap3A_503 : vector<16xi32> to vector<16xi32>
    %swap3A_505 = vector.shape_cast %add3A_501 : vector<16xi32> to vector<16xi32>
    tpu.vector_store %arg6[%swap3A_502], %swap3A_505 {strides = array<i32>} : memref<12800xi32, #tpu.memory_space<vmem>>, vector<16xi32>,
    %add3A_506 = arith.constant 13 : i32
    %add3A_507 = arith.addi %mul3A_4, %add3A_506 : i32
    %jit3A_508 = arith.constant 256 : i32
    %div3A_509 = arith.divsi %add3A_507, %jit3A_508 : i32
    %sign3A_510 = arith.constant 0 : i32
    %sign3A_511 = arith.cmpi sgt, %add3A_507, %sign3A_510 : i32
    %sign3A_512 = arith.extui %sign3A_511 : i1 to i32
    %sign3A_513 = arith.constant 0 : i32
    %sign3A_514 = arith.cmpi slt, %add3A_507, %sign3A_513 : i32
    %sign3A_515 = arith.extui %sign3A_514 : i1 to i32
    %sign3A_516 = arith.subi %sign3A_512, %sign3A_515 : i32
    %sign3A_517 = arith.constant 0 : i32
    %sign3A_518 = arith.cmpi sgt, %jit3A_508, %sign3A_517 : i32
    %sign3A_519 = arith.extui %sign3A_518 : i1 to i32
    %sign3A_520 = arith.constant 0 : i32
    %sign3A_521 = arith.cmpi slt, %jit3A_508, %sign3A_520 : i32
    %sign3A_522 = arith.extui %sign3A_521 : i1 to i32
    %sign3A_523 = arith.subi %sign3A_519, %sign3A_522 : i32
    %ne3A_524 = arith.cmpi ne, %sign3A_516, %sign3A_523 : i32
    %rem3A_525 = arith.remsi %add3A_507, %jit3A_508 : i32
    %ne3A_526 = arith.constant 0 : i32
    %ne3A_527 = arith.cmpi ne, %rem3A_525, %ne3A_526 : i32
    %and3A_528 = arith.andi %ne3A_524, %ne3A_527 : i1
    %sub3A_529 = arith.constant 1 : i32
    %sub3A_530 = arith.subi %div3A_509, %sub3A_529 : i32
    %select_n3A_531 = arith.select %and3A_528, %sub3A_530, %div3A_509 : i32
    %get3A_532 = arith.constant 208 : index
    %get3A_533 = tpu.vector_load %arg6[%get3A_532] {strides = array<i32>} : memref<12800xi32, #tpu.memory_space<vmem>>, vector<16xi32>,
    %get3A_534 = vector.shape_cast %get3A_533 : vector<16xi32> to vector<16xi32>
    %mul3A_535 = arith.constant 16 : i32
    %mul3A_536 = arith.muli %select_n3A_531, %mul3A_535 : i32
    %get3A_537 = arith.index_cast %mul3A_536 : i32 to index
    %get3A_538 = tpu.vector_load %arg7[%get3A_537] {strides = array<i32>} : memref<1600xi32, #tpu.memory_space<vmem>>, vector<16xi32>,
    %get3A_539 = vector.shape_cast %get3A_538 : vector<16xi32> to vector<16xi32>
    %add3A_540 = arith.addi %get3A_534, %get3A_539 : vector<16xi32>
    %swap3A_541 = arith.constant 208 : index
    %swap3A_542 = tpu.vector_load %arg6[%swap3A_541] {strides = array<i32>} : memref<12800xi32, #tpu.memory_space<vmem>>, vector<16xi32>,
    %swap3A_543 = vector.shape_cast %swap3A_542 : vector<16xi32> to vector<16xi32>
    %swap3A_544 = vector.shape_cast %add3A_540 : vector<16xi32> to vector<16xi32>
    tpu.vector_store %arg6[%swap3A_541], %swap3A_544 {strides = array<i32>} : memref<12800xi32, #tpu.memory_space<vmem>>, vector<16xi32>,
    %add3A_545 = arith.constant 14 : i32
    %add3A_546 = arith.addi %mul3A_4, %add3A_545 : i32
    %jit3A_547 = arith.constant 256 : i32
    %div3A_548 = arith.divsi %add3A_546, %jit3A_547 : i32
    %sign3A_549 = arith.constant 0 : i32
    %sign3A_550 = arith.cmpi sgt, %add3A_546, %sign3A_549 : i32
    %sign3A_551 = arith.extui %sign3A_550 : i1 to i32
    %sign3A_552 = arith.constant 0 : i32
    %sign3A_553 = arith.cmpi slt, %add3A_546, %sign3A_552 : i32
    %sign3A_554 = arith.extui %sign3A_553 : i1 to i32
    %sign3A_555 = arith.subi %sign3A_551, %sign3A_554 : i32
    %sign3A_556 = arith.constant 0 : i32
    %sign3A_557 = arith.cmpi sgt, %jit3A_547, %sign3A_556 : i32
    %sign3A_558 = arith.extui %sign3A_557 : i1 to i32
    %sign3A_559 = arith.constant 0 : i32
    %sign3A_560 = arith.cmpi slt, %jit3A_547, %sign3A_559 : i32
    %sign3A_561 = arith.extui %sign3A_560 : i1 to i32
    %sign3A_562 = arith.subi %sign3A_558, %sign3A_561 : i32
    %ne3A_563 = arith.cmpi ne, %sign3A_555, %sign3A_562 : i32
    %rem3A_564 = arith.remsi %add3A_546, %jit3A_547 : i32
    %ne3A_565 = arith.constant 0 : i32
    %ne3A_566 = arith.cmpi ne, %rem3A_564, %ne3A_565 : i32
    %and3A_567 = arith.andi %ne3A_563, %ne3A_566 : i1
    %sub3A_568 = arith.constant 1 : i32
    %sub3A_569 = arith.subi %div3A_548, %sub3A_568 : i32
    %select_n3A_570 = arith.select %and3A_567, %sub3A_569, %div3A_548 : i32
    %get3A_571 = arith.constant 224 : index
    %get3A_572 = tpu.vector_load %arg6[%get3A_571] {strides = array<i32>} : memref<12800xi32, #tpu.memory_space<vmem>>, vector<16xi32>,
    %get3A_573 = vector.shape_cast %get3A_572 : vector<16xi32> to vector<16xi32>
    %mul3A_574 = arith.constant 16 : i32
    %mul3A_575 = arith.muli %select_n3A_570, %mul3A_574 : i32
    %get3A_576 = arith.index_cast %mul3A_575 : i32 to index
    %get3A_577 = tpu.vector_load %arg7[%get3A_576] {strides = array<i32>} : memref<1600xi32, #tpu.memory_space<vmem>>, vector<16xi32>,
    %get3A_578 = vector.shape_cast %get3A_577 : vector<16xi32> to vector<16xi32>
    %add3A_579 = arith.addi %get3A_573, %get3A_578 : vector<16xi32>
    %swap3A_580 = arith.constant 224 : index
    %swap3A_581 = tpu.vector_load %arg6[%swap3A_580] {strides = array<i32>} : memref<12800xi32, #tpu.memory_space<vmem>>, vector<16xi32>,
    %swap3A_582 = vector.shape_cast %swap3A_581 : vector<16xi32> to vector<16xi32>
    %swap3A_583 = vector.shape_cast %add3A_579 : vector<16xi32> to vector<16xi32>
    tpu.vector_store %arg6[%swap3A_580], %swap3A_583 {strides = array<i32>} : memref<12800xi32, #tpu.memory_space<vmem>>, vector<16xi32>,
    %add3A_584 = arith.constant 15 : i32
    %add3A_585 = arith.addi %mul3A_4, %add3A_584 : i32
    %jit3A_586 = arith.constant 256 : i32
    %div3A_587 = arith.divsi %add3A_585, %jit3A_586 : i32
    %sign3A_588 = arith.constant 0 : i32
    %sign3A_589 = arith.cmpi sgt, %add3A_585, %sign3A_588 : i32
    %sign3A_590 = arith.extui %sign3A_589 : i1 to i32
    %sign3A_591 = arith.constant 0 : i32
    %sign3A_592 = arith.cmpi slt, %add3A_585, %sign3A_591 : i32
    %sign3A_593 = arith.extui %sign3A_592 : i1 to i32
    %sign3A_594 = arith.subi %sign3A_590, %sign3A_593 : i32
    %sign3A_595 = arith.constant 0 : i32
    %sign3A_596 = arith.cmpi sgt, %jit3A_586, %sign3A_595 : i32
    %sign3A_597 = arith.extui %sign3A_596 : i1 to i32
    %sign3A_598 = arith.constant 0 : i32
    %sign3A_599 = arith.cmpi slt, %jit3A_586, %sign3A_598 : i32
    %sign3A_600 = arith.extui %sign3A_599 : i1 to i32
    %sign3A_601 = arith.subi %sign3A_597, %sign3A_600 : i32
    %ne3A_602 = arith.cmpi ne, %sign3A_594, %sign3A_601 : i32
    %rem3A_603 = arith.remsi %add3A_585, %jit3A_586 : i32
    %ne3A_604 = arith.constant 0 : i32
    %ne3A_605 = arith.cmpi ne, %rem3A_603, %ne3A_604 : i32
    %and3A_606 = arith.andi %ne3A_602, %ne3A_605 : i1
    %sub3A_607 = arith.constant 1 : i32
    %sub3A_608 = arith.subi %div3A_587, %sub3A_607 : i32
    %select_n3A_609 = arith.select %and3A_606, %sub3A_608, %div3A_587 : i32
    %get3A_610 = arith.constant 240 : index
    %get3A_611 = tpu.vector_load %arg6[%get3A_610] {strides = array<i32>} : memref<12800xi32, #tpu.memory_space<vmem>>, vector<16xi32>,
    %get3A_612 = vector.shape_cast %get3A_611 : vector<16xi32> to vector<16xi32>
    %mul3A_613 = arith.constant 16 : i32
    %mul3A_614 = arith.muli %select_n3A_609, %mul3A_613 : i32
    %get3A_615 = arith.index_cast %mul3A_614 : i32 to index
    %get3A_616 = tpu.vector_load %arg7[%get3A_615] {strides = array<i32>} : memref<1600xi32, #tpu.memory_space<vmem>>, vector<16xi32>,
    %get3A_617 = vector.shape_cast %get3A_616 : vector<16xi32> to vector<16xi32>
    %add3A_618 = arith.addi %get3A_612, %get3A_617 : vector<16xi32>
    %swap3A_619 = arith.constant 240 : index
    %swap3A_620 = tpu.vector_load %arg6[%swap3A_619] {strides = array<i32>} : memref<12800xi32, #tpu.memory_space<vmem>>, vector<16xi32>,
    %swap3A_621 = vector.shape_cast %swap3A_620 : vector<16xi32> to vector<16xi32>
    %swap3A_622 = vector.shape_cast %add3A_618 : vector<16xi32> to vector<16xi32>
    tpu.vector_store %arg6[%swap3A_619], %swap3A_622 {strides = array<i32>} : memref<12800xi32, #tpu.memory_space<vmem>>, vector<16xi32>,
    %dma_start3A_623 = arith.constant 128 : i32
    %dma_start3A_624 = tpu.memref_slice %arg6[%dma_start3A_623] : memref<12800xi32, #tpu.memory_space<vmem>> -> memref<128xi32, #tpu.memory_space<vmem>>
    %dma_start3A_625 = arith.constant 0 : i32
    %dma_start3A_626 = arith.constant 0 : i32
    %dma_start3A_627 = tpu.memref_slice %arg3[%dma_start3A_625, %dma_start3A_626] : memref<100000x128xf32, #tpu.memory_space<hbm>> -> memref<100000x128xf32, #tpu.memory_space<hbm>>
    tpu.enqueue_indirect_dma source(%dma_start3A_627 : memref<100000x128xf32, #tpu.memory_space<hbm>>) target(%arg9 : memref<128x128xf32, #tpu.memory_space<vmem>>) offsets(%dma_start3A_624 : memref<128xi32, #tpu.memory_space<vmem>>) semaphore(%arg14 : memref<!tpu.dma_semaphore, #tpu.memory_space<semaphore_mem>>)
    %add3A_628 = arith.constant 16 : i32
    %add3A_629 = arith.addi %mul3A_4, %add3A_628 : i32
    %jit3A_630 = arith.constant 256 : i32
    %div3A_631 = arith.divsi %add3A_629, %jit3A_630 : i32
    %sign3A_632 = arith.constant 0 : i32
    %sign3A_633 = arith.cmpi sgt, %add3A_629, %sign3A_632 : i32
    %sign3A_634 = arith.extui %sign3A_633 : i1 to i32
    %sign3A_635 = arith.constant 0 : i32
    %sign3A_636 = arith.cmpi slt, %add3A_629, %sign3A_635 : i32
    %sign3A_637 = arith.extui %sign3A_636 : i1 to i32
    %sign3A_638 = arith.subi %sign3A_634, %sign3A_637 : i32
    %sign3A_639 = arith.constant 0 : i32
    %sign3A_640 = arith.cmpi sgt, %jit3A_630, %sign3A_639 : i32
    %sign3A_641 = arith.extui %sign3A_640 : i1 to i32
    %sign3A_642 = arith.constant 0 : i32
    %sign3A_643 = arith.cmpi slt, %jit3A_630, %sign3A_642 : i32
    %sign3A_644 = arith.extui %sign3A_643 : i1 to i32
    %sign3A_645 = arith.subi %sign3A_641, %sign3A_644 : i32
    %ne3A_646 = arith.cmpi ne, %sign3A_638, %sign3A_645 : i32
    %rem3A_647 = arith.remsi %add3A_629, %jit3A_630 : i32
    %ne3A_648 = arith.constant 0 : i32
    %ne3A_649 = arith.cmpi ne, %rem3A_647, %ne3A_648 : i32
    %and3A_650 = arith.andi %ne3A_646, %ne3A_649 : i1
    %sub3A_651 = arith.constant 1 : i32
    %sub3A_652 = arith.subi %div3A_631, %sub3A_651 : i32
    %select_n3A_653 = arith.select %and3A_650, %sub3A_652, %div3A_631 : i32
    %get3A_654 = arith.constant 256 : index
    %get3A_655 = tpu.vector_load %arg6[%get3A_654] {strides = array<i32>} : memref<12800xi32, #tpu.memory_space<vmem>>, vector<16xi32>,
    %get3A_656 = vector.shape_cast %get3A_655 : vector<16xi32> to vector<16xi32>
    %mul3A_657 = arith.constant 16 : i32
    %mul3A_658 = arith.muli %select_n3A_653, %mul3A_657 : i32
    %get3A_659 = arith.index_cast %mul3A_658 : i32 to index
    %get3A_660 = tpu.vector_load %arg7[%get3A_659] {strides = array<i32>} : memref<1600xi32, #tpu.memory_space<vmem>>, vector<16xi32>,
    %get3A_661 = vector.shape_cast %get3A_660 : vector<16xi32> to vector<16xi32>
    %add3A_662 = arith.addi %get3A_656, %get3A_661 : vector<16xi32>
    %swap3A_663 = arith.constant 256 : index
    %swap3A_664 = tpu.vector_load %arg6[%swap3A_663] {strides = array<i32>} : memref<12800xi32, #tpu.memory_space<vmem>>, vector<16xi32>,
    %swap3A_665 = vector.shape_cast %swap3A_664 : vector<16xi32> to vector<16xi32>
    %swap3A_666 = vector.shape_cast %add3A_662 : vector<16xi32> to vector<16xi32>
    tpu.vector_store %arg6[%swap3A_663], %swap3A_666 {strides = array<i32>} : memref<12800xi32, #tpu.memory_space<vmem>>, vector<16xi32>,
    %add3A_667 = arith.constant 17 : i32
    %add3A_668 = arith.addi %mul3A_4, %add3A_667 : i32
    %jit3A_669 = arith.constant 256 : i32
    %div3A_670 = arith.divsi %add3A_668, %jit3A_669 : i32
    %sign3A_671 = arith.constant 0 : i32
    %sign3A_672 = arith.cmpi sgt, %add3A_668, %sign3A_671 : i32
    %sign3A_673 = arith.extui %sign3A_672 : i1 to i32
    %sign3A_674 = arith.constant 0 : i32
    %sign3A_675 = arith.cmpi slt, %add3A_668, %sign3A_674 : i32
    %sign3A_676 = arith.extui %sign3A_675 : i1 to i32
    %sign3A_677 = arith.subi %sign3A_673, %sign3A_676 : i32
    %sign3A_678 = arith.constant 0 : i32
    %sign3A_679 = arith.cmpi sgt, %jit3A_669, %sign3A_678 : i32
    %sign3A_680 = arith.extui %sign3A_679 : i1 to i32
    %sign3A_681 = arith.constant 0 : i32
    %sign3A_682 = arith.cmpi slt, %jit3A_669, %sign3A_681 : i32
    %sign3A_683 = arith.extui %sign3A_682 : i1 to i32
    %sign3A_684 = arith.subi %sign3A_680, %sign3A_683 : i32
    %ne3A_685 = arith.cmpi ne, %sign3A_677, %sign3A_684 : i32
    %rem3A_686 = arith.remsi %add3A_668, %jit3A_669 : i32
    %ne3A_687 = arith.constant 0 : i32
    %ne3A_688 = arith.cmpi ne, %rem3A_686, %ne3A_687 : i32
    %and3A_689 = arith.andi %ne3A_685, %ne3A_688 : i1
    %sub3A_690 = arith.constant 1 : i32
    %sub3A_691 = arith.subi %div3A_670, %sub3A_690 : i32
    %select_n3A_692 = arith.select %and3A_689, %sub3A_691, %div3A_670 : i32
    %get3A_693 = arith.constant 272 : index
    %get3A_694 = tpu.vector_load %arg6[%get3A_693] {strides = array<i32>} : memref<12800xi32, #tpu.memory_space<vmem>>, vector<16xi32>,
    %get3A_695 = vector.shape_cast %get3A_694 : vector<16xi32> to vector<16xi32>
    %mul3A_696 = arith.constant 16 : i32
    %mul3A_697 = arith.muli %select_n3A_692, %mul3A_696 : i32
    %get3A_698 = arith.index_cast %mul3A_697 : i32 to index
    %get3A_699 = tpu.vector_load %arg7[%get3A_698] {strides = array<i32>} : memref<1600xi32, #tpu.memory_space<vmem>>, vector<16xi32>,
    %get3A_700 = vector.shape_cast %get3A_699 : vector<16xi32> to vector<16xi32>
    %add3A_701 = arith.addi %get3A_695, %get3A_700 : vector<16xi32>
    %swap3A_702 = arith.constant 272 : index
    %swap3A_703 = tpu.vector_load %arg6[%swap3A_702] {strides = array<i32>} : memref<12800xi32, #tpu.memory_space<vmem>>, vector<16xi32>,
    %swap3A_704 = vector.shape_cast %swap3A_703 : vector<16xi32> to vector<16xi32>
    %swap3A_705 = vector.shape_cast %add3A_701 : vector<16xi32> to vector<16xi32>
    tpu.vector_store %arg6[%swap3A_702], %swap3A_705 {strides = array<i32>} : memref<12800xi32, #tpu.memory_space<vmem>>, vector<16xi32>,
    %add3A_706 = arith.constant 18 : i32
    %add3A_707 = arith.addi %mul3A_4, %add3A_706 : i32
    %jit3A_708 = arith.constant 256 : i32
    %div3A_709 = arith.divsi %add3A_707, %jit3A_708 : i32
    %sign3A_710 = arith.constant 0 : i32
    %sign3A_711 = arith.cmpi sgt, %add3A_707, %sign3A_710 : i32
    %sign3A_712 = arith.extui %sign3A_711 : i1 to i32
    %sign3A_713 = arith.constant 0 : i32
    %sign3A_714 = arith.cmpi slt, %add3A_707, %sign3A_713 : i32
    %sign3A_715 = arith.extui %sign3A_714 : i1 to i32
    %sign3A_716 = arith.subi %sign3A_712, %sign3A_715 : i32
    %sign3A_717 = arith.constant 0 : i32
    %sign3A_718 = arith.cmpi sgt, %jit3A_708, %sign3A_717 : i32
    %sign3A_719 = arith.extui %sign3A_718 : i1 to i32
    %sign3A_720 = arith.constant 0 : i32
    %sign3A_721 = arith.cmpi slt, %jit3A_708, %sign3A_720 : i32
    %sign3A_722 = arith.extui %sign3A_721 : i1 to i32
    %sign3A_723 = arith.subi %sign3A_719, %sign3A_722 : i32
    %ne3A_724 = arith.cmpi ne, %sign3A_716, %sign3A_723 : i32
    %rem3A_725 = arith.remsi %add3A_707, %jit3A_708 : i32
    %ne3A_726 = arith.constant 0 : i32
    %ne3A_727 = arith.cmpi ne, %rem3A_725, %ne3A_726 : i32
    %and3A_728 = arith.andi %ne3A_724, %ne3A_727 : i1
    %sub3A_729 = arith.constant 1 : i32
    %sub3A_730 = arith.subi %div3A_709, %sub3A_729 : i32
    %select_n3A_731 = arith.select %and3A_728, %sub3A_730, %div3A_709 : i32
    %get3A_732 = arith.constant 288 : index
    %get3A_733 = tpu.vector_load %arg6[%get3A_732] {strides = array<i32>} : memref<12800xi32, #tpu.memory_space<vmem>>, vector<16xi32>,
    %get3A_734 = vector.shape_cast %get3A_733 : vector<16xi32> to vector<16xi32>
    %mul3A_735 = arith.constant 16 : i32
    %mul3A_736 = arith.muli %select_n3A_731, %mul3A_735 : i32
    %get3A_737 = arith.index_cast %mul3A_736 : i32 to index
    %get3A_738 = tpu.vector_load %arg7[%get3A_737] {strides = array<i32>} : memref<1600xi32, #tpu.memory_space<vmem>>, vector<16xi32>,
    %get3A_739 = vector.shape_cast %get3A_738 : vector<16xi32> to vector<16xi32>
    %add3A_740 = arith.addi %get3A_734, %get3A_739 : vector<16xi32>
    %swap3A_741 = arith.constant 288 : index
    %swap3A_742 = tpu.vector_load %arg6[%swap3A_741] {strides = array<i32>} : memref<12800xi32, #tpu.memory_space<vmem>>, vector<16xi32>,
    %swap3A_743 = vector.shape_cast %swap3A_742 : vector<16xi32> to vector<16xi32>
    %swap3A_744 = vector.shape_cast %add3A_740 : vector<16xi32> to vector<16xi32>
    tpu.vector_store %arg6[%swap3A_741], %swap3A_744 {strides = array<i32>} : memref<12800xi32, #tpu.memory_space<vmem>>, vector<16xi32>,
    %add3A_745 = arith.constant 19 : i32
    %add3A_746 = arith.addi %mul3A_4, %add3A_745 : i32
    %jit3A_747 = arith.constant 256 : i32
    %div3A_748 = arith.divsi %add3A_746, %jit3A_747 : i32
    %sign3A_749 = arith.constant 0 : i32
    %sign3A_750 = arith.cmpi sgt, %add3A_746, %sign3A_749 : i32
    %sign3A_751 = arith.extui %sign3A_750 : i1 to i32
    %sign3A_752 = arith.constant 0 : i32
    %sign3A_753 = arith.cmpi slt, %add3A_746, %sign3A_752 : i32
    %sign3A_754 = arith.extui %sign3A_753 : i1 to i32
    %sign3A_755 = arith.subi %sign3A_751, %sign3A_754 : i32
    %sign3A_756 = arith.constant 0 : i32
    %sign3A_757 = arith.cmpi sgt, %jit3A_747, %sign3A_756 : i32
    %sign3A_758 = arith.extui %sign3A_757 : i1 to i32
    %sign3A_759 = arith.constant 0 : i32
    %sign3A_760 = arith.cmpi slt, %jit3A_747, %sign3A_759 : i32
    %sign3A_761 = arith.extui %sign3A_760 : i1 to i32
    %sign3A_762 = arith.subi %sign3A_758, %sign3A_761 : i32
    %ne3A_763 = arith.cmpi ne, %sign3A_755, %sign3A_762 : i32
    %rem3A_764 = arith.remsi %add3A_746, %jit3A_747 : i32
    %ne3A_765 = arith.constant 0 : i32
    %ne3A_766 = arith.cmpi ne, %rem3A_764, %ne3A_765 : i32
    %and3A_767 = arith.andi %ne3A_763, %ne3A_766 : i1
    %sub3A_768 = arith.constant 1 : i32
    %sub3A_769 = arith.subi %div3A_748, %sub3A_768 : i32
    %select_n3A_770 = arith.select %and3A_767, %sub3A_769, %div3A_748 : i32
    %get3A_771 = arith.constant 304 : index
    %get3A_772 = tpu.vector_load %arg6[%get3A_771] {strides = array<i32>} : memref<12800xi32, #tpu.memory_space<vmem>>, vector<16xi32>,
    %get3A_773 = vector.shape_cast %get3A_772 : vector<16xi32> to vector<16xi32>
    %mul3A_774 = arith.constant 16 : i32
    %mul3A_775 = arith.muli %select_n3A_770, %mul3A_774 : i32
    %get3A_776 = arith.index_cast %mul3A_775 : i32 to index
    %get3A_777 = tpu.vector_load %arg7[%get3A_776] {strides = array<i32>} : memref<1600xi32, #tpu.memory_space<vmem>>, vector<16xi32>,
    %get3A_778 = vector.shape_cast %get3A_777 : vector<16xi32> to vector<16xi32>
    %add3A_779 = arith.addi %get3A_773, %get3A_778 : vector<16xi32>
    %swap3A_780 = arith.constant 304 : index
    %swap3A_781 = tpu.vector_load %arg6[%swap3A_780] {strides = array<i32>} : memref<12800xi32, #tpu.memory_space<vmem>>, vector<16xi32>,
    %swap3A_782 = vector.shape_cast %swap3A_781 : vector<16xi32> to vector<16xi32>
    %swap3A_783 = vector.shape_cast %add3A_779 : vector<16xi32> to vector<16xi32>
    tpu.vector_store %arg6[%swap3A_780], %swap3A_783 {strides = array<i32>} : memref<12800xi32, #tpu.memory_space<vmem>>, vector<16xi32>,
    %add3A_784 = arith.constant 20 : i32
    %add3A_785 = arith.addi %mul3A_4, %add3A_784 : i32
    %jit3A_786 = arith.constant 256 : i32
    %div3A_787 = arith.divsi %add3A_785, %jit3A_786 : i32
    %sign3A_788 = arith.constant 0 : i32
    %sign3A_789 = arith.cmpi sgt, %add3A_785, %sign3A_788 : i32
    %sign3A_790 = arith.extui %sign3A_789 : i1 to i32
    %sign3A_791 = arith.constant 0 : i32
    %sign3A_792 = arith.cmpi slt, %add3A_785, %sign3A_791 : i32
    %sign3A_793 = arith.extui %sign3A_792 : i1 to i32
    %sign3A_794 = arith.subi %sign3A_790, %sign3A_793 : i32
    %sign3A_795 = arith.constant 0 : i32
    %sign3A_796 = arith.cmpi sgt, %jit3A_786, %sign3A_795 : i32
    %sign3A_797 = arith.extui %sign3A_796 : i1 to i32
    %sign3A_798 = arith.constant 0 : i32
    %sign3A_799 = arith.cmpi slt, %jit3A_786, %sign3A_798 : i32
    %sign3A_800 = arith.extui %sign3A_799 : i1 to i32
    %sign3A_801 = arith.subi %sign3A_797, %sign3A_800 : i32
    %ne3A_802 = arith.cmpi ne, %sign3A_794, %sign3A_801 : i32
    %rem3A_803 = arith.remsi %add3A_785, %jit3A_786 : i32
    %ne3A_804 = arith.constant 0 : i32
    %ne3A_805 = arith.cmpi ne, %rem3A_803, %ne3A_804 : i32
    %and3A_806 = arith.andi %ne3A_802, %ne3A_805 : i1
    %sub3A_807 = arith.constant 1 : i32
    %sub3A_808 = arith.subi %div3A_787, %sub3A_807 : i32
    %select_n3A_809 = arith.select %and3A_806, %sub3A_808, %div3A_787 : i32
    %get3A_810 = arith.constant 320 : index
    %get3A_811 = tpu.vector_load %arg6[%get3A_810] {strides = array<i32>} : memref<12800xi32, #tpu.memory_space<vmem>>, vector<16xi32>,
    %get3A_812 = vector.shape_cast %get3A_811 : vector<16xi32> to vector<16xi32>
    %mul3A_813 = arith.constant 16 : i32
    %mul3A_814 = arith.muli %select_n3A_809, %mul3A_813 : i32
    %get3A_815 = arith.index_cast %mul3A_814 : i32 to index
    %get3A_816 = tpu.vector_load %arg7[%get3A_815] {strides = array<i32>} : memref<1600xi32, #tpu.memory_space<vmem>>, vector<16xi32>,
    %get3A_817 = vector.shape_cast %get3A_816 : vector<16xi32> to vector<16xi32>
    %add3A_818 = arith.addi %get3A_812, %get3A_817 : vector<16xi32>
    %swap3A_819 = arith.constant 320 : index
    %swap3A_820 = tpu.vector_load %arg6[%swap3A_819] {strides = array<i32>} : memref<12800xi32, #tpu.memory_space<vmem>>, vector<16xi32>,
    %swap3A_821 = vector.shape_cast %swap3A_820 : vector<16xi32> to vector<16xi32>
    %swap3A_822 = vector.shape_cast %add3A_818 : vector<16xi32> to vector<16xi32>
    tpu.vector_store %arg6[%swap3A_819], %swap3A_822 {strides = array<i32>} : memref<12800xi32, #tpu.memory_space<vmem>>, vector<16xi32>,
    %add3A_823 = arith.constant 21 : i32
    %add3A_824 = arith.addi %mul3A_4, %add3A_823 : i32
    %jit3A_825 = arith.constant 256 : i32
    %div3A_826 = arith.divsi %add3A_824, %jit3A_825 : i32
    %sign3A_827 = arith.constant 0 : i32
    %sign3A_828 = arith.cmpi sgt, %add3A_824, %sign3A_827 : i32
    %sign3A_829 = arith.extui %sign3A_828 : i1 to i32
    %sign3A_830 = arith.constant 0 : i32
    %sign3A_831 = arith.cmpi slt, %add3A_824, %sign3A_830 : i32
    %sign3A_832 = arith.extui %sign3A_831 : i1 to i32
    %sign3A_833 = arith.subi %sign3A_829, %sign3A_832 : i32
    %sign3A_834 = arith.constant 0 : i32
    %sign3A_835 = arith.cmpi sgt, %jit3A_825, %sign3A_834 : i32
    %sign3A_836 = arith.extui %sign3A_835 : i1 to i32
    %sign3A_837 = arith.constant 0 : i32
    %sign3A_838 = arith.cmpi slt, %jit3A_825, %sign3A_837 : i32
    %sign3A_839 = arith.extui %sign3A_838 : i1 to i32
    %sign3A_840 = arith.subi %sign3A_836, %sign3A_839 : i32
    %ne3A_841 = arith.cmpi ne, %sign3A_833, %sign3A_840 : i32
    %rem3A_842 = arith.remsi %add3A_824, %jit3A_825 : i32
    %ne3A_843 = arith.constant 0 : i32
    %ne3A_844 = arith.cmpi ne, %rem3A_842, %ne3A_843 : i32
    %and3A_845 = arith.andi %ne3A_841, %ne3A_844 : i1
    %sub3A_846 = arith.constant 1 : i32
    %sub3A_847 = arith.subi %div3A_826, %sub3A_846 : i32
    %select_n3A_848 = arith.select %and3A_845, %sub3A_847, %div3A_826 : i32
    %get3A_849 = arith.constant 336 : index
    %get3A_850 = tpu.vector_load %arg6[%get3A_849] {strides = array<i32>} : memref<12800xi32, #tpu.memory_space<vmem>>, vector<16xi32>,
    %get3A_851 = vector.shape_cast %get3A_850 : vector<16xi32> to vector<16xi32>
    %mul3A_852 = arith.constant 16 : i32
    %mul3A_853 = arith.muli %select_n3A_848, %mul3A_852 : i32
    %get3A_854 = arith.index_cast %mul3A_853 : i32 to index
    %get3A_855 = tpu.vector_load %arg7[%get3A_854] {strides = array<i32>} : memref<1600xi32, #tpu.memory_space<vmem>>, vector<16xi32>,
    %get3A_856 = vector.shape_cast %get3A_855 : vector<16xi32> to vector<16xi32>
    %add3A_857 = arith.addi %get3A_851, %get3A_856 : vector<16xi32>
    %swap3A_858 = arith.constant 336 : index
    %swap3A_859 = tpu.vector_load %arg6[%swap3A_858] {strides = array<i32>} : memref<12800xi32, #tpu.memory_space<vmem>>, vector<16xi32>,
    %swap3A_860 = vector.shape_cast %swap3A_859 : vector<16xi32> to vector<16xi32>
    %swap3A_861 = vector.shape_cast %add3A_857 : vector<16xi32> to vector<16xi32>
    tpu.vector_store %arg6[%swap3A_858], %swap3A_861 {strides = array<i32>} : memref<12800xi32, #tpu.memory_space<vmem>>, vector<16xi32>,
    %add3A_862 = arith.constant 22 : i32
    %add3A_863 = arith.addi %mul3A_4, %add3A_862 : i32
    %jit3A_864 = arith.constant 256 : i32
    %div3A_865 = arith.divsi %add3A_863, %jit3A_864 : i32
    %sign3A_866 = arith.constant 0 : i32
    %sign3A_867 = arith.cmpi sgt, %add3A_863, %sign3A_866 : i32
    %sign3A_868 = arith.extui %sign3A_867 : i1 to i32
    %sign3A_869 = arith.constant 0 : i32
    %sign3A_870 = arith.cmpi slt, %add3A_863, %sign3A_869 : i32
    %sign3A_871 = arith.extui %sign3A_870 : i1 to i32
    %sign3A_872 = arith.subi %sign3A_868, %sign3A_871 : i32
    %sign3A_873 = arith.constant 0 : i32
    %sign3A_874 = arith.cmpi sgt, %jit3A_864, %sign3A_873 : i32
    %sign3A_875 = arith.extui %sign3A_874 : i1 to i32
    %sign3A_876 = arith.constant 0 : i32
    %sign3A_877 = arith.cmpi slt, %jit3A_864, %sign3A_876 : i32
    %sign3A_878 = arith.extui %sign3A_877 : i1 to i32
    %sign3A_879 = arith.subi %sign3A_875, %sign3A_878 : i32
    %ne3A_880 = arith.cmpi ne, %sign3A_872, %sign3A_879 : i32
    %rem3A_881 = arith.remsi %add3A_863, %jit3A_864 : i32
    %ne3A_882 = arith.constant 0 : i32
    %ne3A_883 = arith.cmpi ne, %rem3A_881, %ne3A_882 : i32
    %and3A_884 = arith.andi %ne3A_880, %ne3A_883 : i1
    %sub3A_885 = arith.constant 1 : i32
    %sub3A_886 = arith.subi %div3A_865, %sub3A_885 : i32
    %select_n3A_887 = arith.select %and3A_884, %sub3A_886, %div3A_865 : i32
    %get3A_888 = arith.constant 352 : index
    %get3A_889 = tpu.vector_load %arg6[%get3A_888] {strides = array<i32>} : memref<12800xi32, #tpu.memory_space<vmem>>, vector<16xi32>,
    %get3A_890 = vector.shape_cast %get3A_889 : vector<16xi32> to vector<16xi32>
    %mul3A_891 = arith.constant 16 : i32
    %mul3A_892 = arith.muli %select_n3A_887, %mul3A_891 : i32
    %get3A_893 = arith.index_cast %mul3A_892 : i32 to index
    %get3A_894 = tpu.vector_load %arg7[%get3A_893] {strides = array<i32>} : memref<1600xi32, #tpu.memory_space<vmem>>, vector<16xi32>,
    %get3A_895 = vector.shape_cast %get3A_894 : vector<16xi32> to vector<16xi32>
    %add3A_896 = arith.addi %get3A_890, %get3A_895 : vector<16xi32>
    %swap3A_897 = arith.constant 352 : index
    %swap3A_898 = tpu.vector_load %arg6[%swap3A_897] {strides = array<i32>} : memref<12800xi32, #tpu.memory_space<vmem>>, vector<16xi32>,
    %swap3A_899 = vector.shape_cast %swap3A_898 : vector<16xi32> to vector<16xi32>
    %swap3A_900 = vector.shape_cast %add3A_896 : vector<16xi32> to vector<16xi32>
    tpu.vector_store %arg6[%swap3A_897], %swap3A_900 {strides = array<i32>} : memref<12800xi32, #tpu.memory_space<vmem>>, vector<16xi32>,
    %add3A_901 = arith.constant 23 : i32
    %add3A_902 = arith.addi %mul3A_4, %add3A_901 : i32
    %jit3A_903 = arith.constant 256 : i32
    %div3A_904 = arith.divsi %add3A_902, %jit3A_903 : i32
    %sign3A_905 = arith.constant 0 : i32
    %sign3A_906 = arith.cmpi sgt, %add3A_902, %sign3A_905 : i32
    %sign3A_907 = arith.extui %sign3A_906 : i1 to i32
    %sign3A_908 = arith.constant 0 : i32
    %sign3A_909 = arith.cmpi slt, %add3A_902, %sign3A_908 : i32
    %sign3A_910 = arith.extui %sign3A_909 : i1 to i32
    %sign3A_911 = arith.subi %sign3A_907, %sign3A_910 : i32
    %sign3A_912 = arith.constant 0 : i32
    %sign3A_913 = arith.cmpi sgt, %jit3A_903, %sign3A_912 : i32
    %sign3A_914 = arith.extui %sign3A_913 : i1 to i32
    %sign3A_915 = arith.constant 0 : i32
    %sign3A_916 = arith.cmpi slt, %jit3A_903, %sign3A_915 : i32
    %sign3A_917 = arith.extui %sign3A_916 : i1 to i32
    %sign3A_918 = arith.subi %sign3A_914, %sign3A_917 : i32
    %ne3A_919 = arith.cmpi ne, %sign3A_911, %sign3A_918 : i32
    %rem3A_920 = arith.remsi %add3A_902, %jit3A_903 : i32
    %ne3A_921 = arith.constant 0 : i32
    %ne3A_922 = arith.cmpi ne, %rem3A_920, %ne3A_921 : i32
    %and3A_923 = arith.andi %ne3A_919, %ne3A_922 : i1
    %sub3A_924 = arith.constant 1 : i32
    %sub3A_925 = arith.subi %div3A_904, %sub3A_924 : i32
    %select_n3A_926 = arith.select %and3A_923, %sub3A_925, %div3A_904 : i32
    %get3A_927 = arith.constant 368 : index
    %get3A_928 = tpu.vector_load %arg6[%get3A_927] {strides = array<i32>} : memref<12800xi32, #tpu.memory_space<vmem>>, vector<16xi32>,
    %get3A_929 = vector.shape_cast %get3A_928 : vector<16xi32> to vector<16xi32>
    %mul3A_930 = arith.constant 16 : i32
    %mul3A_931 = arith.muli %select_n3A_926, %mul3A_930 : i32
    %get3A_932 = arith.index_cast %mul3A_931 : i32 to index
    %get3A_933 = tpu.vector_load %arg7[%get3A_932] {strides = array<i32>} : memref<1600xi32, #tpu.memory_space<vmem>>, vector<16xi32>,
    %get3A_934 = vector.shape_cast %get3A_933 : vector<16xi32> to vector<16xi32>
    %add3A_935 = arith.addi %get3A_929, %get3A_934 : vector<16xi32>
    %swap3A_936 = arith.constant 368 : index
    %swap3A_937 = tpu.vector_load %arg6[%swap3A_936] {strides = array<i32>} : memref<12800xi32, #tpu.memory_space<vmem>>, vector<16xi32>,
    %swap3A_938 = vector.shape_cast %swap3A_937 : vector<16xi32> to vector<16xi32>
    %swap3A_939 = vector.shape_cast %add3A_935 : vector<16xi32> to vector<16xi32>
    tpu.vector_store %arg6[%swap3A_936], %swap3A_939 {strides = array<i32>} : memref<12800xi32, #tpu.memory_space<vmem>>, vector<16xi32>,
    %dma_start3A_940 = arith.constant 256 : i32
    %dma_start3A_941 = tpu.memref_slice %arg6[%dma_start3A_940] : memref<12800xi32, #tpu.memory_space<vmem>> -> memref<128xi32, #tpu.memory_space<vmem>>
    %dma_start3A_942 = arith.constant 0 : i32
    %dma_start3A_943 = arith.constant 0 : i32
    %dma_start3A_944 = tpu.memref_slice %arg3[%dma_start3A_942, %dma_start3A_943] : memref<100000x128xf32, #tpu.memory_space<hbm>> -> memref<100000x128xf32, #tpu.memory_space<hbm>>
    tpu.enqueue_indirect_dma source(%dma_start3A_944 : memref<100000x128xf32, #tpu.memory_space<hbm>>) target(%arg10 : memref<128x128xf32, #tpu.memory_space<vmem>>) offsets(%dma_start3A_941 : memref<128xi32, #tpu.memory_space<vmem>>) semaphore(%arg15 : memref<!tpu.dma_semaphore, #tpu.memory_space<semaphore_mem>>)
    %scan3A = arith.constant 0 : i32
    %scan3A_945 = arith.constant 0 : i32
    %scan3A_946 = arith.constant 20 : i32
    %scan3A_947 = arith.addi %scan3A_945, %scan3A_946 : i32
    %scan3A_948 = arith.constant 1 : i32
    %scan3A_949 = scf.for %scan3A_980 = %scan3A_945 to %scan3A_947 step %scan3A_948 iter_args(%scan3A_981 = %scan3A) -> (i32)  : i32 {
      %mul3A_982 = arith.constant 5 : i32
      %mul3A_983 = arith.muli %scan3A_980, %mul3A_982 : i32
      %add3A_984 = arith.constant 0 : i32
      %add3A_985 = arith.addi %mul3A_983, %add3A_984 : i32
      %add3A_986 = arith.constant 3 : i32
      %add3A_987 = arith.addi %add3A_985, %add3A_986 : i32
      %sub3A_988 = arith.constant 5 : i32
      %sub3A_989 = arith.subi %add3A_987, %sub3A_988 : i32
      %lt3A = arith.constant 100 : i32
      %lt3A_990 = arith.cmpi slt, %add3A_987, %lt3A : i32
      %ge3A = arith.constant 0 : i32
      %ge3A_991 = arith.cmpi sge, %sub3A_989, %ge3A : i32
      %and3A_992 = arith.andi %lt3A_990, %ge3A_991 : i1
      %convert_element_type3A = arith.extui %and3A_992 : i1 to i32
      %cond3A = arith.constant 0 : i32
      %cond3A_993 = arith.cmpi ne, %convert_element_type3A, %cond3A : i32
      scf.if %cond3A_993 {
        %mul3A_1149 = arith.constant 128 : i32
        %mul3A_1150 = arith.muli %sub3A_989, %mul3A_1149 : i32
        %add3A_1151 = arith.addi %mul3A_2, %mul3A_1150 : i32
        %dma_wait3A_1152 = arith.constant 0 : i32
        %dma_wait3A_1153 = tpu.memref_slice %arg5[%add3A_1151, %dma_wait3A_1152] : memref<409600x128xf32, #tpu.memory_space<hbm>> -> memref<128x128xf32, #tpu.memory_space<hbm>>
        %dma_wait3A_1154 = arith.constant 0 : i32
        %dma_wait3A_1155 = tpu.memref_slice %arg5[%add3A_1151, %dma_wait3A_1154] : memref<409600x128xf32, #tpu.memory_space<hbm>> -> memref<128x128xf32, #tpu.memory_space<hbm>>
        tpu.wait_dma2 semaphore(%arg21 : memref<!tpu.dma_semaphore, #tpu.memory_space<semaphore_mem>>) src(%arg11 : memref<128x128xf32, #tpu.memory_space<vmem>>) dst(%dma_wait3A_1155 : memref<128x128xf32, #tpu.memory_space<hbm>>)
      } else {
      }
      %lt3A_994 = arith.constant 100 : i32
      %lt3A_995 = arith.cmpi slt, %add3A_987, %lt3A_994 : i32
      %convert_element_type3A_996 = arith.extui %lt3A_995 : i1 to i32
      %cond3A_997 = arith.constant 0 : i32
      %cond3A_998 = arith.cmpi ne, %convert_element_type3A_996, %cond3A_997 : i32
      scf.if %cond3A_998 {
        %mul3A_1149 = arith.constant 8 : i32
        %mul3A_1150 = arith.muli %add3A_987, %mul3A_1149 : i32
        %add3A_1151 = arith.constant 0 : i32
        %add3A_1152 = arith.addi %mul3A_1150, %add3A_1151 : i32
        %add3A_1153 = arith.addi %mul3A_4, %add3A_1152 : i32
        %jit3A_1154 = arith.constant 256 : i32
        %div3A_1155 = arith.divsi %add3A_1153, %jit3A_1154 : i32
        %sign3A_1156 = arith.constant 0 : i32
        %sign3A_1157 = arith.cmpi sgt, %add3A_1153, %sign3A_1156 : i32
        %sign3A_1158 = arith.extui %sign3A_1157 : i1 to i32
        %sign3A_1159 = arith.constant 0 : i32
        %sign3A_1160 = arith.cmpi slt, %add3A_1153, %sign3A_1159 : i32
        %sign3A_1161 = arith.extui %sign3A_1160 : i1 to i32
        %sign3A_1162 = arith.subi %sign3A_1158, %sign3A_1161 : i32
        %sign3A_1163 = arith.constant 0 : i32
        %sign3A_1164 = arith.cmpi sgt, %jit3A_1154, %sign3A_1163 : i32
        %sign3A_1165 = arith.extui %sign3A_1164 : i1 to i32
        %sign3A_1166 = arith.constant 0 : i32
        %sign3A_1167 = arith.cmpi slt, %jit3A_1154, %sign3A_1166 : i32
        %sign3A_1168 = arith.extui %sign3A_1167 : i1 to i32
        %sign3A_1169 = arith.subi %sign3A_1165, %sign3A_1168 : i32
        %ne3A_1170 = arith.cmpi ne, %sign3A_1162, %sign3A_1169 : i32
        %rem3A_1171 = arith.remsi %add3A_1153, %jit3A_1154 : i32
        %ne3A_1172 = arith.constant 0 : i32
        %ne3A_1173 = arith.cmpi ne, %rem3A_1171, %ne3A_1172 : i32
        %and3A_1174 = arith.andi %ne3A_1170, %ne3A_1173 : i1
        %sub3A_1175 = arith.constant 1 : i32
        %sub3A_1176 = arith.subi %div3A_1155, %sub3A_1175 : i32
        %select_n3A_1177 = arith.select %and3A_1174, %sub3A_1176, %div3A_1155 : i32
        %mul3A_1178 = arith.constant 16 : i32
        %mul3A_1179 = arith.muli %add3A_1152, %mul3A_1178 : i32
        %get3A_1180 = arith.index_cast %mul3A_1179 : i32 to index
        %get3A_1181 = tpu.vector_load %arg6[%get3A_1180] {strides = array<i32>} : memref<12800xi32, #tpu.memory_space<vmem>>, vector<16xi32>,
        %get3A_1182 = vector.shape_cast %get3A_1181 : vector<16xi32> to vector<16xi32>
        %mul3A_1183 = arith.constant 16 : i32
        %mul3A_1184 = arith.muli %select_n3A_1177, %mul3A_1183 : i32
        %get3A_1185 = arith.index_cast %mul3A_1184 : i32 to index
        %get3A_1186 = tpu.vector_load %arg7[%get3A_1185] {strides = array<i32>} : memref<1600xi32, #tpu.memory_space<vmem>>, vector<16xi32>,
        %get3A_1187 = vector.shape_cast %get3A_1186 : vector<16xi32> to vector<16xi32>
        %add3A_1188 = arith.addi %get3A_1182, %get3A_1187 : vector<16xi32>
        %swap3A_1189 = arith.index_cast %mul3A_1179 : i32 to index
        %swap3A_1190 = tpu.vector_load %arg6[%swap3A_1189] {strides = array<i32>} : memref<12800xi32, #tpu.memory_space<vmem>>, vector<16xi32>,
        %swap3A_1191 = vector.shape_cast %swap3A_1190 : vector<16xi32> to vector<16xi32>
        %swap3A_1192 = vector.shape_cast %add3A_1188 : vector<16xi32> to vector<16xi32>
        tpu.vector_store %arg6[%swap3A_1189], %swap3A_1192 {strides = array<i32>} : memref<12800xi32, #tpu.memory_space<vmem>>, vector<16xi32>,
        %mul3A_1193 = arith.constant 8 : i32
        %mul3A_1194 = arith.muli %add3A_987, %mul3A_1193 : i32
        %add3A_1195 = arith.constant 1 : i32
        %add3A_1196 = arith.addi %mul3A_1194, %add3A_1195 : i32
        %add3A_1197 = arith.addi %mul3A_4, %add3A_1196 : i32
        %jit3A_1198 = arith.constant 256 : i32
        %div3A_1199 = arith.divsi %add3A_1197, %jit3A_1198 : i32
        %sign3A_1200 = arith.constant 0 : i32
        %sign3A_1201 = arith.cmpi sgt, %add3A_1197, %sign3A_1200 : i32
        %sign3A_1202 = arith.extui %sign3A_1201 : i1 to i32
        %sign3A_1203 = arith.constant 0 : i32
        %sign3A_1204 = arith.cmpi slt, %add3A_1197, %sign3A_1203 : i32
        %sign3A_1205 = arith.extui %sign3A_1204 : i1 to i32
        %sign3A_1206 = arith.subi %sign3A_1202, %sign3A_1205 : i32
        %sign3A_1207 = arith.constant 0 : i32
        %sign3A_1208 = arith.cmpi sgt, %jit3A_1198, %sign3A_1207 : i32
        %sign3A_1209 = arith.extui %sign3A_1208 : i1 to i32
        %sign3A_1210 = arith.constant 0 : i32
        %sign3A_1211 = arith.cmpi slt, %jit3A_1198, %sign3A_1210 : i32
        %sign3A_1212 = arith.extui %sign3A_1211 : i1 to i32
        %sign3A_1213 = arith.subi %sign3A_1209, %sign3A_1212 : i32
        %ne3A_1214 = arith.cmpi ne, %sign3A_1206, %sign3A_1213 : i32
        %rem3A_1215 = arith.remsi %add3A_1197, %jit3A_1198 : i32
        %ne3A_1216 = arith.constant 0 : i32
        %ne3A_1217 = arith.cmpi ne, %rem3A_1215, %ne3A_1216 : i32
        %and3A_1218 = arith.andi %ne3A_1214, %ne3A_1217 : i1
        %sub3A_1219 = arith.constant 1 : i32
        %sub3A_1220 = arith.subi %div3A_1199, %sub3A_1219 : i32
        %select_n3A_1221 = arith.select %and3A_1218, %sub3A_1220, %div3A_1199 : i32
        %mul3A_1222 = arith.constant 16 : i32
        %mul3A_1223 = arith.muli %add3A_1196, %mul3A_1222 : i32
        %get3A_1224 = arith.index_cast %mul3A_1223 : i32 to index
        %get3A_1225 = tpu.vector_load %arg6[%get3A_1224] {strides = array<i32>} : memref<12800xi32, #tpu.memory_space<vmem>>, vector<16xi32>,
        %get3A_1226 = vector.shape_cast %get3A_1225 : vector<16xi32> to vector<16xi32>
        %mul3A_1227 = arith.constant 16 : i32
        %mul3A_1228 = arith.muli %select_n3A_1221, %mul3A_1227 : i32
        %get3A_1229 = arith.index_cast %mul3A_1228 : i32 to index
        %get3A_1230 = tpu.vector_load %arg7[%get3A_1229] {strides = array<i32>} : memref<1600xi32, #tpu.memory_space<vmem>>, vector<16xi32>,
        %get3A_1231 = vector.shape_cast %get3A_1230 : vector<16xi32> to vector<16xi32>
        %add3A_1232 = arith.addi %get3A_1226, %get3A_1231 : vector<16xi32>
        %swap3A_1233 = arith.index_cast %mul3A_1223 : i32 to index
        %swap3A_1234 = tpu.vector_load %arg6[%swap3A_1233] {strides = array<i32>} : memref<12800xi32, #tpu.memory_space<vmem>>, vector<16xi32>,
        %swap3A_1235 = vector.shape_cast %swap3A_1234 : vector<16xi32> to vector<16xi32>
        %swap3A_1236 = vector.shape_cast %add3A_1232 : vector<16xi32> to vector<16xi32>
        tpu.vector_store %arg6[%swap3A_1233], %swap3A_1236 {strides = array<i32>} : memref<12800xi32, #tpu.memory_space<vmem>>, vector<16xi32>,
        %mul3A_1237 = arith.constant 8 : i32
        %mul3A_1238 = arith.muli %add3A_987, %mul3A_1237 : i32
        %add3A_1239 = arith.constant 2 : i32
        %add3A_1240 = arith.addi %mul3A_1238, %add3A_1239 : i32
        %add3A_1241 = arith.addi %mul3A_4, %add3A_1240 : i32
        %jit3A_1242 = arith.constant 256 : i32
        %div3A_1243 = arith.divsi %add3A_1241, %jit3A_1242 : i32
        %sign3A_1244 = arith.constant 0 : i32
        %sign3A_1245 = arith.cmpi sgt, %add3A_1241, %sign3A_1244 : i32
        %sign3A_1246 = arith.extui %sign3A_1245 : i1 to i32
        %sign3A_1247 = arith.constant 0 : i32
        %sign3A_1248 = arith.cmpi slt, %add3A_1241, %sign3A_1247 : i32
        %sign3A_1249 = arith.extui %sign3A_1248 : i1 to i32
        %sign3A_1250 = arith.subi %sign3A_1246, %sign3A_1249 : i32
        %sign3A_1251 = arith.constant 0 : i32
        %sign3A_1252 = arith.cmpi sgt, %jit3A_1242, %sign3A_1251 : i32
        %sign3A_1253 = arith.extui %sign3A_1252 : i1 to i32
        %sign3A_1254 = arith.constant 0 : i32
        %sign3A_1255 = arith.cmpi slt, %jit3A_1242, %sign3A_1254 : i32
        %sign3A_1256 = arith.extui %sign3A_1255 : i1 to i32
        %sign3A_1257 = arith.subi %sign3A_1253, %sign3A_1256 : i32
        %ne3A_1258 = arith.cmpi ne, %sign3A_1250, %sign3A_1257 : i32
        %rem3A_1259 = arith.remsi %add3A_1241, %jit3A_1242 : i32
        %ne3A_1260 = arith.constant 0 : i32
        %ne3A_1261 = arith.cmpi ne, %rem3A_1259, %ne3A_1260 : i32
        %and3A_1262 = arith.andi %ne3A_1258, %ne3A_1261 : i1
        %sub3A_1263 = arith.constant 1 : i32
        %sub3A_1264 = arith.subi %div3A_1243, %sub3A_1263 : i32
        %select_n3A_1265 = arith.select %and3A_1262, %sub3A_1264, %div3A_1243 : i32
        %mul3A_1266 = arith.constant 16 : i32
        %mul3A_1267 = arith.muli %add3A_1240, %mul3A_1266 : i32
        %get3A_1268 = arith.index_cast %mul3A_1267 : i32 to index
        %get3A_1269 = tpu.vector_load %arg6[%get3A_1268] {strides = array<i32>} : memref<12800xi32, #tpu.memory_space<vmem>>, vector<16xi32>,
        %get3A_1270 = vector.shape_cast %get3A_1269 : vector<16xi32> to vector<16xi32>
        %mul3A_1271 = arith.constant 16 : i32
        %mul3A_1272 = arith.muli %select_n3A_1265, %mul3A_1271 : i32
        %get3A_1273 = arith.index_cast %mul3A_1272 : i32 to index
        %get3A_1274 = tpu.vector_load %arg7[%get3A_1273] {strides = array<i32>} : memref<1600xi32, #tpu.memory_space<vmem>>, vector<16xi32>,
        %get3A_1275 = vector.shape_cast %get3A_1274 : vector<16xi32> to vector<16xi32>
        %add3A_1276 = arith.addi %get3A_1270, %get3A_1275 : vector<16xi32>
        %swap3A_1277 = arith.index_cast %mul3A_1267 : i32 to index
        %swap3A_1278 = tpu.vector_load %arg6[%swap3A_1277] {strides = array<i32>} : memref<12800xi32, #tpu.memory_space<vmem>>, vector<16xi32>,
        %swap3A_1279 = vector.shape_cast %swap3A_1278 : vector<16xi32> to vector<16xi32>
        %swap3A_1280 = vector.shape_cast %add3A_1276 : vector<16xi32> to vector<16xi32>
        tpu.vector_store %arg6[%swap3A_1277], %swap3A_1280 {strides = array<i32>} : memref<12800xi32, #tpu.memory_space<vmem>>, vector<16xi32>,
        %mul3A_1281 = arith.constant 8 : i32
        %mul3A_1282 = arith.muli %add3A_987, %mul3A_1281 : i32
        %add3A_1283 = arith.constant 3 : i32
        %add3A_1284 = arith.addi %mul3A_1282, %add3A_1283 : i32
        %add3A_1285 = arith.addi %mul3A_4, %add3A_1284 : i32
        %jit3A_1286 = arith.constant 256 : i32
        %div3A_1287 = arith.divsi %add3A_1285, %jit3A_1286 : i32
        %sign3A_1288 = arith.constant 0 : i32
        %sign3A_1289 = arith.cmpi sgt, %add3A_1285, %sign3A_1288 : i32
        %sign3A_1290 = arith.extui %sign3A_1289 : i1 to i32
        %sign3A_1291 = arith.constant 0 : i32
        %sign3A_1292 = arith.cmpi slt, %add3A_1285, %sign3A_1291 : i32
        %sign3A_1293 = arith.extui %sign3A_1292 : i1 to i32
        %sign3A_1294 = arith.subi %sign3A_1290, %sign3A_1293 : i32
        %sign3A_1295 = arith.constant 0 : i32
        %sign3A_1296 = arith.cmpi sgt, %jit3A_1286, %sign3A_1295 : i32
        %sign3A_1297 = arith.extui %sign3A_1296 : i1 to i32
        %sign3A_1298 = arith.constant 0 : i32
        %sign3A_1299 = arith.cmpi slt, %jit3A_1286, %sign3A_1298 : i32
        %sign3A_1300 = arith.extui %sign3A_1299 : i1 to i32
        %sign3A_1301 = arith.subi %sign3A_1297, %sign3A_1300 : i32
        %ne3A_1302 = arith.cmpi ne, %sign3A_1294, %sign3A_1301 : i32
        %rem3A_1303 = arith.remsi %add3A_1285, %jit3A_1286 : i32
        %ne3A_1304 = arith.constant 0 : i32
        %ne3A_1305 = arith.cmpi ne, %rem3A_1303, %ne3A_1304 : i32
        %and3A_1306 = arith.andi %ne3A_1302, %ne3A_1305 : i1
        %sub3A_1307 = arith.constant 1 : i32
        %sub3A_1308 = arith.subi %div3A_1287, %sub3A_1307 : i32
        %select_n3A_1309 = arith.select %and3A_1306, %sub3A_1308, %div3A_1287 : i32
        %mul3A_1310 = arith.constant 16 : i32
        %mul3A_1311 = arith.muli %add3A_1284, %mul3A_1310 : i32
        %get3A_1312 = arith.index_cast %mul3A_1311 : i32 to index
        %get3A_1313 = tpu.vector_load %arg6[%get3A_1312] {strides = array<i32>} : memref<12800xi32, #tpu.memory_space<vmem>>, vector<16xi32>,
        %get3A_1314 = vector.shape_cast %get3A_1313 : vector<16xi32> to vector<16xi32>
        %mul3A_1315 = arith.constant 16 : i32
        %mul3A_1316 = arith.muli %select_n3A_1309, %mul3A_1315 : i32
        %get3A_1317 = arith.index_cast %mul3A_1316 : i32 to index
        %get3A_1318 = tpu.vector_load %arg7[%get3A_1317] {strides = array<i32>} : memref<1600xi32, #tpu.memory_space<vmem>>, vector<16xi32>,
        %get3A_1319 = vector.shape_cast %get3A_1318 : vector<16xi32> to vector<16xi32>
        %add3A_1320 = arith.addi %get3A_1314, %get3A_1319 : vector<16xi32>
        %swap3A_1321 = arith.index_cast %mul3A_1311 : i32 to index
        %swap3A_1322 = tpu.vector_load %arg6[%swap3A_1321] {strides = array<i32>} : memref<12800xi32, #tpu.memory_space<vmem>>, vector<16xi32>,
        %swap3A_1323 = vector.shape_cast %swap3A_1322 : vector<16xi32> to vector<16xi32>
        %swap3A_1324 = vector.shape_cast %add3A_1320 : vector<16xi32> to vector<16xi32>
        tpu.vector_store %arg6[%swap3A_1321], %swap3A_1324 {strides = array<i32>} : memref<12800xi32, #tpu.memory_space<vmem>>, vector<16xi32>,
        %mul3A_1325 = arith.constant 8 : i32
        %mul3A_1326 = arith.muli %add3A_987, %mul3A_1325 : i32
        %add3A_1327 = arith.constant 4 : i32
        %add3A_1328 = arith.addi %mul3A_1326, %add3A_1327 : i32
        %add3A_1329 = arith.addi %mul3A_4, %add3A_1328 : i32
        %jit3A_1330 = arith.constant 256 : i32
        %div3A_1331 = arith.divsi %add3A_1329, %jit3A_1330 : i32
        %sign3A_1332 = arith.constant 0 : i32
        %sign3A_1333 = arith.cmpi sgt, %add3A_1329, %sign3A_1332 : i32
        %sign3A_1334 = arith.extui %sign3A_1333 : i1 to i32
        %sign3A_1335 = arith.constant 0 : i32
        %sign3A_1336 = arith.cmpi slt, %add3A_1329, %sign3A_1335 : i32
        %sign3A_1337 = arith.extui %sign3A_1336 : i1 to i32
        %sign3A_1338 = arith.subi %sign3A_1334, %sign3A_1337 : i32
        %sign3A_1339 = arith.constant 0 : i32
        %sign3A_1340 = arith.cmpi sgt, %jit3A_1330, %sign3A_1339 : i32
        %sign3A_1341 = arith.extui %sign3A_1340 : i1 to i32
        %sign3A_1342 = arith.constant 0 : i32
        %sign3A_1343 = arith.cmpi slt, %jit3A_1330, %sign3A_1342 : i32
        %sign3A_1344 = arith.extui %sign3A_1343 : i1 to i32
        %sign3A_1345 = arith.subi %sign3A_1341, %sign3A_1344 : i32
        %ne3A_1346 = arith.cmpi ne, %sign3A_1338, %sign3A_1345 : i32
        %rem3A_1347 = arith.remsi %add3A_1329, %jit3A_1330 : i32
        %ne3A_1348 = arith.constant 0 : i32
        %ne3A_1349 = arith.cmpi ne, %rem3A_1347, %ne3A_1348 : i32
        %and3A_1350 = arith.andi %ne3A_1346, %ne3A_1349 : i1
        %sub3A_1351 = arith.constant 1 : i32
        %sub3A_1352 = arith.subi %div3A_1331, %sub3A_1351 : i32
        %select_n3A_1353 = arith.select %and3A_1350, %sub3A_1352, %div3A_1331 : i32
        %mul3A_1354 = arith.constant 16 : i32
        %mul3A_1355 = arith.muli %add3A_1328, %mul3A_1354 : i32
        %get3A_1356 = arith.index_cast %mul3A_1355 : i32 to index
        %get3A_1357 = tpu.vector_load %arg6[%get3A_1356] {strides = array<i32>} : memref<12800xi32, #tpu.memory_space<vmem>>, vector<16xi32>,
        %get3A_1358 = vector.shape_cast %get3A_1357 : vector<16xi32> to vector<16xi32>
        %mul3A_1359 = arith.constant 16 : i32
        %mul3A_1360 = arith.muli %select_n3A_1353, %mul3A_1359 : i32
        %get3A_1361 = arith.index_cast %mul3A_1360 : i32 to index
        %get3A_1362 = tpu.vector_load %arg7[%get3A_1361] {strides = array<i32>} : memref<1600xi32, #tpu.memory_space<vmem>>, vector<16xi32>,
        %get3A_1363 = vector.shape_cast %get3A_1362 : vector<16xi32> to vector<16xi32>
        %add3A_1364 = arith.addi %get3A_1358, %get3A_1363 : vector<16xi32>
        %swap3A_1365 = arith.index_cast %mul3A_1355 : i32 to index
        %swap3A_1366 = tpu.vector_load %arg6[%swap3A_1365] {strides = array<i32>} : memref<12800xi32, #tpu.memory_space<vmem>>, vector<16xi32>,
        %swap3A_1367 = vector.shape_cast %swap3A_1366 : vector<16xi32> to vector<16xi32>
        %swap3A_1368 = vector.shape_cast %add3A_1364 : vector<16xi32> to vector<16xi32>
        tpu.vector_store %arg6[%swap3A_1365], %swap3A_1368 {strides = array<i32>} : memref<12800xi32, #tpu.memory_space<vmem>>, vector<16xi32>,
        %mul3A_1369 = arith.constant 8 : i32
        %mul3A_1370 = arith.muli %add3A_987, %mul3A_1369 : i32
        %add3A_1371 = arith.constant 5 : i32
        %add3A_1372 = arith.addi %mul3A_1370, %add3A_1371 : i32
        %add3A_1373 = arith.addi %mul3A_4, %add3A_1372 : i32
        %jit3A_1374 = arith.constant 256 : i32
        %div3A_1375 = arith.divsi %add3A_1373, %jit3A_1374 : i32
        %sign3A_1376 = arith.constant 0 : i32
        %sign3A_1377 = arith.cmpi sgt, %add3A_1373, %sign3A_1376 : i32
        %sign3A_1378 = arith.extui %sign3A_1377 : i1 to i32
        %sign3A_1379 = arith.constant 0 : i32
        %sign3A_1380 = arith.cmpi slt, %add3A_1373, %sign3A_1379 : i32
        %sign3A_1381 = arith.extui %sign3A_1380 : i1 to i32
        %sign3A_1382 = arith.subi %sign3A_1378, %sign3A_1381 : i32
        %sign3A_1383 = arith.constant 0 : i32
        %sign3A_1384 = arith.cmpi sgt, %jit3A_1374, %sign3A_1383 : i32
        %sign3A_1385 = arith.extui %sign3A_1384 : i1 to i32
        %sign3A_1386 = arith.constant 0 : i32
        %sign3A_1387 = arith.cmpi slt, %jit3A_1374, %sign3A_1386 : i32
        %sign3A_1388 = arith.extui %sign3A_1387 : i1 to i32
        %sign3A_1389 = arith.subi %sign3A_1385, %sign3A_1388 : i32
        %ne3A_1390 = arith.cmpi ne, %sign3A_1382, %sign3A_1389 : i32
        %rem3A_1391 = arith.remsi %add3A_1373, %jit3A_1374 : i32
        %ne3A_1392 = arith.constant 0 : i32
        %ne3A_1393 = arith.cmpi ne, %rem3A_1391, %ne3A_1392 : i32
        %and3A_1394 = arith.andi %ne3A_1390, %ne3A_1393 : i1
        %sub3A_1395 = arith.constant 1 : i32
        %sub3A_1396 = arith.subi %div3A_1375, %sub3A_1395 : i32
        %select_n3A_1397 = arith.select %and3A_1394, %sub3A_1396, %div3A_1375 : i32
        %mul3A_1398 = arith.constant 16 : i32
        %mul3A_1399 = arith.muli %add3A_1372, %mul3A_1398 : i32
        %get3A_1400 = arith.index_cast %mul3A_1399 : i32 to index
        %get3A_1401 = tpu.vector_load %arg6[%get3A_1400] {strides = array<i32>} : memref<12800xi32, #tpu.memory_space<vmem>>, vector<16xi32>,
        %get3A_1402 = vector.shape_cast %get3A_1401 : vector<16xi32> to vector<16xi32>
        %mul3A_1403 = arith.constant 16 : i32
        %mul3A_1404 = arith.muli %select_n3A_1397, %mul3A_1403 : i32
        %get3A_1405 = arith.index_cast %mul3A_1404 : i32 to index
        %get3A_1406 = tpu.vector_load %arg7[%get3A_1405] {strides = array<i32>} : memref<1600xi32, #tpu.memory_space<vmem>>, vector<16xi32>,
        %get3A_1407 = vector.shape_cast %get3A_1406 : vector<16xi32> to vector<16xi32>
        %add3A_1408 = arith.addi %get3A_1402, %get3A_1407 : vector<16xi32>
        %swap3A_1409 = arith.index_cast %mul3A_1399 : i32 to index
        %swap3A_1410 = tpu.vector_load %arg6[%swap3A_1409] {strides = array<i32>} : memref<12800xi32, #tpu.memory_space<vmem>>, vector<16xi32>,
        %swap3A_1411 = vector.shape_cast %swap3A_1410 : vector<16xi32> to vector<16xi32>
        %swap3A_1412 = vector.shape_cast %add3A_1408 : vector<16xi32> to vector<16xi32>
        tpu.vector_store %arg6[%swap3A_1409], %swap3A_1412 {strides = array<i32>} : memref<12800xi32, #tpu.memory_space<vmem>>, vector<16xi32>,
        %mul3A_1413 = arith.constant 8 : i32
        %mul3A_1414 = arith.muli %add3A_987, %mul3A_1413 : i32
        %add3A_1415 = arith.constant 6 : i32
        %add3A_1416 = arith.addi %mul3A_1414, %add3A_1415 : i32
        %add3A_1417 = arith.addi %mul3A_4, %add3A_1416 : i32
        %jit3A_1418 = arith.constant 256 : i32
        %div3A_1419 = arith.divsi %add3A_1417, %jit3A_1418 : i32
        %sign3A_1420 = arith.constant 0 : i32
        %sign3A_1421 = arith.cmpi sgt, %add3A_1417, %sign3A_1420 : i32
        %sign3A_1422 = arith.extui %sign3A_1421 : i1 to i32
        %sign3A_1423 = arith.constant 0 : i32
        %sign3A_1424 = arith.cmpi slt, %add3A_1417, %sign3A_1423 : i32
        %sign3A_1425 = arith.extui %sign3A_1424 : i1 to i32
        %sign3A_1426 = arith.subi %sign3A_1422, %sign3A_1425 : i32
        %sign3A_1427 = arith.constant 0 : i32
        %sign3A_1428 = arith.cmpi sgt, %jit3A_1418, %sign3A_1427 : i32
        %sign3A_1429 = arith.extui %sign3A_1428 : i1 to i32
        %sign3A_1430 = arith.constant 0 : i32
        %sign3A_1431 = arith.cmpi slt, %jit3A_1418, %sign3A_1430 : i32
        %sign3A_1432 = arith.extui %sign3A_1431 : i1 to i32
        %sign3A_1433 = arith.subi %sign3A_1429, %sign3A_1432 : i32
        %ne3A_1434 = arith.cmpi ne, %sign3A_1426, %sign3A_1433 : i32
        %rem3A_1435 = arith.remsi %add3A_1417, %jit3A_1418 : i32
        %ne3A_1436 = arith.constant 0 : i32
        %ne3A_1437 = arith.cmpi ne, %rem3A_1435, %ne3A_1436 : i32
        %and3A_1438 = arith.andi %ne3A_1434, %ne3A_1437 : i1
        %sub3A_1439 = arith.constant 1 : i32
        %sub3A_1440 = arith.subi %div3A_1419, %sub3A_1439 : i32
        %select_n3A_1441 = arith.select %and3A_1438, %sub3A_1440, %div3A_1419 : i32
        %mul3A_1442 = arith.constant 16 : i32
        %mul3A_1443 = arith.muli %add3A_1416, %mul3A_1442 : i32
        %get3A_1444 = arith.index_cast %mul3A_1443 : i32 to index
        %get3A_1445 = tpu.vector_load %arg6[%get3A_1444] {strides = array<i32>} : memref<12800xi32, #tpu.memory_space<vmem>>, vector<16xi32>,
        %get3A_1446 = vector.shape_cast %get3A_1445 : vector<16xi32> to vector<16xi32>
        %mul3A_1447 = arith.constant 16 : i32
        %mul3A_1448 = arith.muli %select_n3A_1441, %mul3A_1447 : i32
        %get3A_1449 = arith.index_cast %mul3A_1448 : i32 to index
        %get3A_1450 = tpu.vector_load %arg7[%get3A_1449] {strides = array<i32>} : memref<1600xi32, #tpu.memory_space<vmem>>, vector<16xi32>,
        %get3A_1451 = vector.shape_cast %get3A_1450 : vector<16xi32> to vector<16xi32>
        %add3A_1452 = arith.addi %get3A_1446, %get3A_1451 : vector<16xi32>
        %swap3A_1453 = arith.index_cast %mul3A_1443 : i32 to index
        %swap3A_1454 = tpu.vector_load %arg6[%swap3A_1453] {strides = array<i32>} : memref<12800xi32, #tpu.memory_space<vmem>>, vector<16xi32>,
        %swap3A_1455 = vector.shape_cast %swap3A_1454 : vector<16xi32> to vector<16xi32>
        %swap3A_1456 = vector.shape_cast %add3A_1452 : vector<16xi32> to vector<16xi32>
        tpu.vector_store %arg6[%swap3A_1453], %swap3A_1456 {strides = array<i32>} : memref<12800xi32, #tpu.memory_space<vmem>>, vector<16xi32>,
        %mul3A_1457 = arith.constant 8 : i32
        %mul3A_1458 = arith.muli %add3A_987, %mul3A_1457 : i32
        %add3A_1459 = arith.constant 7 : i32
        %add3A_1460 = arith.addi %mul3A_1458, %add3A_1459 : i32
        %add3A_1461 = arith.addi %mul3A_4, %add3A_1460 : i32
        %jit3A_1462 = arith.constant 256 : i32
        %div3A_1463 = arith.divsi %add3A_1461, %jit3A_1462 : i32
        %sign3A_1464 = arith.constant 0 : i32
        %sign3A_1465 = arith.cmpi sgt, %add3A_1461, %sign3A_1464 : i32
        %sign3A_1466 = arith.extui %sign3A_1465 : i1 to i32
        %sign3A_1467 = arith.constant 0 : i32
        %sign3A_1468 = arith.cmpi slt, %add3A_1461, %sign3A_1467 : i32
        %sign3A_1469 = arith.extui %sign3A_1468 : i1 to i32
        %sign3A_1470 = arith.subi %sign3A_1466, %sign3A_1469 : i32
        %sign3A_1471 = arith.constant 0 : i32
        %sign3A_1472 = arith.cmpi sgt, %jit3A_1462, %sign3A_1471 : i32
        %sign3A_1473 = arith.extui %sign3A_1472 : i1 to i32
        %sign3A_1474 = arith.constant 0 : i32
        %sign3A_1475 = arith.cmpi slt, %jit3A_1462, %sign3A_1474 : i32
        %sign3A_1476 = arith.extui %sign3A_1475 : i1 to i32
        %sign3A_1477 = arith.subi %sign3A_1473, %sign3A_1476 : i32
        %ne3A_1478 = arith.cmpi ne, %sign3A_1470, %sign3A_1477 : i32
        %rem3A_1479 = arith.remsi %add3A_1461, %jit3A_1462 : i32
        %ne3A_1480 = arith.constant 0 : i32
        %ne3A_1481 = arith.cmpi ne, %rem3A_1479, %ne3A_1480 : i32
        %and3A_1482 = arith.andi %ne3A_1478, %ne3A_1481 : i1
        %sub3A_1483 = arith.constant 1 : i32
        %sub3A_1484 = arith.subi %div3A_1463, %sub3A_1483 : i32
        %select_n3A_1485 = arith.select %and3A_1482, %sub3A_1484, %div3A_1463 : i32
        %mul3A_1486 = arith.constant 16 : i32
        %mul3A_1487 = arith.muli %add3A_1460, %mul3A_1486 : i32
        %get3A_1488 = arith.index_cast %mul3A_1487 : i32 to index
        %get3A_1489 = tpu.vector_load %arg6[%get3A_1488] {strides = array<i32>} : memref<12800xi32, #tpu.memory_space<vmem>>, vector<16xi32>,
        %get3A_1490 = vector.shape_cast %get3A_1489 : vector<16xi32> to vector<16xi32>
        %mul3A_1491 = arith.constant 16 : i32
        %mul3A_1492 = arith.muli %select_n3A_1485, %mul3A_1491 : i32
        %get3A_1493 = arith.index_cast %mul3A_1492 : i32 to index
        %get3A_1494 = tpu.vector_load %arg7[%get3A_1493] {strides = array<i32>} : memref<1600xi32, #tpu.memory_space<vmem>>, vector<16xi32>,
        %get3A_1495 = vector.shape_cast %get3A_1494 : vector<16xi32> to vector<16xi32>
        %add3A_1496 = arith.addi %get3A_1490, %get3A_1495 : vector<16xi32>
        %swap3A_1497 = arith.index_cast %mul3A_1487 : i32 to index
        %swap3A_1498 = tpu.vector_load %arg6[%swap3A_1497] {strides = array<i32>} : memref<12800xi32, #tpu.memory_space<vmem>>, vector<16xi32>,
        %swap3A_1499 = vector.shape_cast %swap3A_1498 : vector<16xi32> to vector<16xi32>
        %swap3A_1500 = vector.shape_cast %add3A_1496 : vector<16xi32> to vector<16xi32>
        tpu.vector_store %arg6[%swap3A_1497], %swap3A_1500 {strides = array<i32>} : memref<12800xi32, #tpu.memory_space<vmem>>, vector<16xi32>,
        %mul3A_1501 = arith.constant 128 : i32
        %mul3A_1502 = arith.muli %add3A_987, %mul3A_1501 : i32
        %dma_start3A_1503 = tpu.memref_slice %arg6[%mul3A_1502] : memref<12800xi32, #tpu.memory_space<vmem>> -> memref<128xi32, #tpu.memory_space<vmem>>
        %dma_start3A_1504 = arith.constant 0 : i32
        %dma_start3A_1505 = arith.constant 0 : i32
        %dma_start3A_1506 = tpu.memref_slice %arg3[%dma_start3A_1504, %dma_start3A_1505] : memref<100000x128xf32, #tpu.memory_space<hbm>> -> memref<100000x128xf32, #tpu.memory_space<hbm>>
        tpu.enqueue_indirect_dma source(%dma_start3A_1506 : memref<100000x128xf32, #tpu.memory_space<hbm>>) target(%arg11 : memref<128x128xf32, #tpu.memory_space<vmem>>) offsets(%dma_start3A_1503 : memref<128xi32, #tpu.memory_space<vmem>>) semaphore(%arg16 : memref<!tpu.dma_semaphore, #tpu.memory_space<semaphore_mem>>)
      } else {
      }
      %mul3A_999 = arith.constant 128 : i32
      %mul3A_1000 = arith.muli %add3A_985, %mul3A_999 : i32
      %dma_wait3A_1001 = tpu.memref_slice %arg6[%mul3A_1000] : memref<12800xi32, #tpu.memory_space<vmem>> -> memref<128xi32, #tpu.memory_space<vmem>>
      %dma_wait3A_1002 = arith.constant 0 : i32
      %dma_wait3A_1003 = arith.constant 0 : i32
      %dma_wait3A_1004 = tpu.memref_slice %arg3[%dma_wait3A_1002, %dma_wait3A_1003] : memref<100000x128xf32, #tpu.memory_space<hbm>> -> memref<100000x128xf32, #tpu.memory_space<hbm>>
      tpu.wait_indirect_dma semaphore(%arg13 : memref<!tpu.dma_semaphore, #tpu.memory_space<semaphore_mem>>) src(%dma_wait3A_1004 : memref<100000x128xf32, #tpu.memory_space<hbm>>) dst(%arg8 : memref<128x128xf32, #tpu.memory_space<vmem>>)
      %mul3A_1005 = arith.constant 128 : i32
      %mul3A_1006 = arith.muli %add3A_985, %mul3A_1005 : i32
      %add3A_1007 = arith.addi %mul3A_2, %mul3A_1006 : i32
      %dma_start3A_1008 = arith.constant 0 : i32
      %dma_start3A_1009 = tpu.memref_slice %arg5[%add3A_1007, %dma_start3A_1008] : memref<409600x128xf32, #tpu.memory_space<hbm>> -> memref<128x128xf32, #tpu.memory_space<hbm>>
      %dma_start3A_1010 = arith.constant 0 : i32
      %dma_start3A_1011 = tpu.memref_slice %arg5[%add3A_1007, %dma_start3A_1010] : memref<409600x128xf32, #tpu.memory_space<hbm>> -> memref<128x128xf32, #tpu.memory_space<hbm>>
      tpu.enqueue_dma source(%arg8 : memref<128x128xf32, #tpu.memory_space<vmem>>) target(%dma_start3A_1011 : memref<128x128xf32, #tpu.memory_space<hbm>>) target_semaphore(%arg18 : memref<!tpu.dma_semaphore, #tpu.memory_space<semaphore_mem>>)
      %mul3A_1012 = arith.constant 5 : i32
      %mul3A_1013 = arith.muli %scan3A_980, %mul3A_1012 : i32
      %add3A_1014 = arith.constant 1 : i32
      %add3A_1015 = arith.addi %mul3A_1013, %add3A_1014 : i32
      %add3A_1016 = arith.constant 3 : i32
      %add3A_1017 = arith.addi %add3A_1015, %add3A_1016 : i32
      %sub3A_1018 = arith.constant 5 : i32
      %sub3A_1019 = arith.subi %add3A_1017, %sub3A_1018 : i32
      %lt3A_1020 = arith.constant 100 : i32
      %lt3A_1021 = arith.cmpi slt, %add3A_1017, %lt3A_1020 : i32
      %ge3A_1022 = arith.constant 0 : i32
      %ge3A_1023 = arith.cmpi sge, %sub3A_1019, %ge3A_1022 : i32
      %and3A_1024 = arith.andi %lt3A_1021, %ge3A_1023 : i1
      %convert_element_type3A_1025 = arith.extui %and3A_1024 : i1 to i32
      %cond3A_1026 = arith.constant 0 : i32
      %cond3A_1027 = arith.cmpi ne, %convert_element_type3A_1025, %cond3A_1026 : i32
      scf.if %cond3A_1027 {
        %mul3A_1149 = arith.constant 128 : i32
        %mul3A_1150 = arith.muli %sub3A_1019, %mul3A_1149 : i32
        %add3A_1151 = arith.addi %mul3A_2, %mul3A_1150 : i32
        %dma_wait3A_1152 = arith.constant 0 : i32
        %dma_wait3A_1153 = tpu.memref_slice %arg5[%add3A_1151, %dma_wait3A_1152] : memref<409600x128xf32, #tpu.memory_space<hbm>> -> memref<128x128xf32, #tpu.memory_space<hbm>>
        %dma_wait3A_1154 = arith.constant 0 : i32
        %dma_wait3A_1155 = tpu.memref_slice %arg5[%add3A_1151, %dma_wait3A_1154] : memref<409600x128xf32, #tpu.memory_space<hbm>> -> memref<128x128xf32, #tpu.memory_space<hbm>>
        tpu.wait_dma2 semaphore(%arg22 : memref<!tpu.dma_semaphore, #tpu.memory_space<semaphore_mem>>) src(%arg12 : memref<128x128xf32, #tpu.memory_space<vmem>>) dst(%dma_wait3A_1155 : memref<128x128xf32, #tpu.memory_space<hbm>>)
      } else {
      }
      %lt3A_1028 = arith.constant 100 : i32
      %lt3A_1029 = arith.cmpi slt, %add3A_1017, %lt3A_1028 : i32
      %convert_element_type3A_1030 = arith.extui %lt3A_1029 : i1 to i32
      %cond3A_1031 = arith.constant 0 : i32
      %cond3A_1032 = arith.cmpi ne, %convert_element_type3A_1030, %cond3A_1031 : i32
      scf.if %cond3A_1032 {
        %mul3A_1149 = arith.constant 8 : i32
        %mul3A_1150 = arith.muli %add3A_1017, %mul3A_1149 : i32
        %add3A_1151 = arith.constant 0 : i32
        %add3A_1152 = arith.addi %mul3A_1150, %add3A_1151 : i32
        %add3A_1153 = arith.addi %mul3A_4, %add3A_1152 : i32
        %jit3A_1154 = arith.constant 256 : i32
        %div3A_1155 = arith.divsi %add3A_1153, %jit3A_1154 : i32
        %sign3A_1156 = arith.constant 0 : i32
        %sign3A_1157 = arith.cmpi sgt, %add3A_1153, %sign3A_1156 : i32
        %sign3A_1158 = arith.extui %sign3A_1157 : i1 to i32
        %sign3A_1159 = arith.constant 0 : i32
        %sign3A_1160 = arith.cmpi slt, %add3A_1153, %sign3A_1159 : i32
        %sign3A_1161 = arith.extui %sign3A_1160 : i1 to i32
        %sign3A_1162 = arith.subi %sign3A_1158, %sign3A_1161 : i32
        %sign3A_1163 = arith.constant 0 : i32
        %sign3A_1164 = arith.cmpi sgt, %jit3A_1154, %sign3A_1163 : i32
        %sign3A_1165 = arith.extui %sign3A_1164 : i1 to i32
        %sign3A_1166 = arith.constant 0 : i32
        %sign3A_1167 = arith.cmpi slt, %jit3A_1154, %sign3A_1166 : i32
        %sign3A_1168 = arith.extui %sign3A_1167 : i1 to i32
        %sign3A_1169 = arith.subi %sign3A_1165, %sign3A_1168 : i32
        %ne3A_1170 = arith.cmpi ne, %sign3A_1162, %sign3A_1169 : i32
        %rem3A_1171 = arith.remsi %add3A_1153, %jit3A_1154 : i32
        %ne3A_1172 = arith.constant 0 : i32
        %ne3A_1173 = arith.cmpi ne, %rem3A_1171, %ne3A_1172 : i32
        %and3A_1174 = arith.andi %ne3A_1170, %ne3A_1173 : i1
        %sub3A_1175 = arith.constant 1 : i32
        %sub3A_1176 = arith.subi %div3A_1155, %sub3A_1175 : i32
        %select_n3A_1177 = arith.select %and3A_1174, %sub3A_1176, %div3A_1155 : i32
        %mul3A_1178 = arith.constant 16 : i32
        %mul3A_1179 = arith.muli %add3A_1152, %mul3A_1178 : i32
        %get3A_1180 = arith.index_cast %mul3A_1179 : i32 to index
        %get3A_1181 = tpu.vector_load %arg6[%get3A_1180] {strides = array<i32>} : memref<12800xi32, #tpu.memory_space<vmem>>, vector<16xi32>,
        %get3A_1182 = vector.shape_cast %get3A_1181 : vector<16xi32> to vector<16xi32>
        %mul3A_1183 = arith.constant 16 : i32
        %mul3A_1184 = arith.muli %select_n3A_1177, %mul3A_1183 : i32
        %get3A_1185 = arith.index_cast %mul3A_1184 : i32 to index
        %get3A_1186 = tpu.vector_load %arg7[%get3A_1185] {strides = array<i32>} : memref<1600xi32, #tpu.memory_space<vmem>>, vector<16xi32>,
        %get3A_1187 = vector.shape_cast %get3A_1186 : vector<16xi32> to vector<16xi32>
        %add3A_1188 = arith.addi %get3A_1182, %get3A_1187 : vector<16xi32>
        %swap3A_1189 = arith.index_cast %mul3A_1179 : i32 to index
        %swap3A_1190 = tpu.vector_load %arg6[%swap3A_1189] {strides = array<i32>} : memref<12800xi32, #tpu.memory_space<vmem>>, vector<16xi32>,
        %swap3A_1191 = vector.shape_cast %swap3A_1190 : vector<16xi32> to vector<16xi32>
        %swap3A_1192 = vector.shape_cast %add3A_1188 : vector<16xi32> to vector<16xi32>
        tpu.vector_store %arg6[%swap3A_1189], %swap3A_1192 {strides = array<i32>} : memref<12800xi32, #tpu.memory_space<vmem>>, vector<16xi32>,
        %mul3A_1193 = arith.constant 8 : i32
        %mul3A_1194 = arith.muli %add3A_1017, %mul3A_1193 : i32
        %add3A_1195 = arith.constant 1 : i32
        %add3A_1196 = arith.addi %mul3A_1194, %add3A_1195 : i32
        %add3A_1197 = arith.addi %mul3A_4, %add3A_1196 : i32
        %jit3A_1198 = arith.constant 256 : i32
        %div3A_1199 = arith.divsi %add3A_1197, %jit3A_1198 : i32
        %sign3A_1200 = arith.constant 0 : i32
        %sign3A_1201 = arith.cmpi sgt, %add3A_1197, %sign3A_1200 : i32
        %sign3A_1202 = arith.extui %sign3A_1201 : i1 to i32
        %sign3A_1203 = arith.constant 0 : i32
        %sign3A_1204 = arith.cmpi slt, %add3A_1197, %sign3A_1203 : i32
        %sign3A_1205 = arith.extui %sign3A_1204 : i1 to i32
        %sign3A_1206 = arith.subi %sign3A_1202, %sign3A_1205 : i32
        %sign3A_1207 = arith.constant 0 : i32
        %sign3A_1208 = arith.cmpi sgt, %jit3A_1198, %sign3A_1207 : i32
        %sign3A_1209 = arith.extui %sign3A_1208 : i1 to i32
        %sign3A_1210 = arith.constant 0 : i32
        %sign3A_1211 = arith.cmpi slt, %jit3A_1198, %sign3A_1210 : i32
        %sign3A_1212 = arith.extui %sign3A_1211 : i1 to i32
        %sign3A_1213 = arith.subi %sign3A_1209, %sign3A_1212 : i32
        %ne3A_1214 = arith.cmpi ne, %sign3A_1206, %sign3A_1213 : i32
        %rem3A_1215 = arith.remsi %add3A_1197, %jit3A_1198 : i32
        %ne3A_1216 = arith.constant 0 : i32
        %ne3A_1217 = arith.cmpi ne, %rem3A_1215, %ne3A_1216 : i32
        %and3A_1218 = arith.andi %ne3A_1214, %ne3A_1217 : i1
        %sub3A_1219 = arith.constant 1 : i32
        %sub3A_1220 = arith.subi %div3A_1199, %sub3A_1219 : i32
        %select_n3A_1221 = arith.select %and3A_1218, %sub3A_1220, %div3A_1199 : i32
        %mul3A_1222 = arith.constant 16 : i32
        %mul3A_1223 = arith.muli %add3A_1196, %mul3A_1222 : i32
        %get3A_1224 = arith.index_cast %mul3A_1223 : i32 to index
        %get3A_1225 = tpu.vector_load %arg6[%get3A_1224] {strides = array<i32>} : memref<12800xi32, #tpu.memory_space<vmem>>, vector<16xi32>,
        %get3A_1226 = vector.shape_cast %get3A_1225 : vector<16xi32> to vector<16xi32>
        %mul3A_1227 = arith.constant 16 : i32
        %mul3A_1228 = arith.muli %select_n3A_1221, %mul3A_1227 : i32
        %get3A_1229 = arith.index_cast %mul3A_1228 : i32 to index
        %get3A_1230 = tpu.vector_load %arg7[%get3A_1229] {strides = array<i32>} : memref<1600xi32, #tpu.memory_space<vmem>>, vector<16xi32>,
        %get3A_1231 = vector.shape_cast %get3A_1230 : vector<16xi32> to vector<16xi32>
        %add3A_1232 = arith.addi %get3A_1226, %get3A_1231 : vector<16xi32>
        %swap3A_1233 = arith.index_cast %mul3A_1223 : i32 to index
        %swap3A_1234 = tpu.vector_load %arg6[%swap3A_1233] {strides = array<i32>} : memref<12800xi32, #tpu.memory_space<vmem>>, vector<16xi32>,
        %swap3A_1235 = vector.shape_cast %swap3A_1234 : vector<16xi32> to vector<16xi32>
        %swap3A_1236 = vector.shape_cast %add3A_1232 : vector<16xi32> to vector<16xi32>
        tpu.vector_store %arg6[%swap3A_1233], %swap3A_1236 {strides = array<i32>} : memref<12800xi32, #tpu.memory_space<vmem>>, vector<16xi32>,
        %mul3A_1237 = arith.constant 8 : i32
        %mul3A_1238 = arith.muli %add3A_1017, %mul3A_1237 : i32
        %add3A_1239 = arith.constant 2 : i32
        %add3A_1240 = arith.addi %mul3A_1238, %add3A_1239 : i32
        %add3A_1241 = arith.addi %mul3A_4, %add3A_1240 : i32
        %jit3A_1242 = arith.constant 256 : i32
        %div3A_1243 = arith.divsi %add3A_1241, %jit3A_1242 : i32
        %sign3A_1244 = arith.constant 0 : i32
        %sign3A_1245 = arith.cmpi sgt, %add3A_1241, %sign3A_1244 : i32
        %sign3A_1246 = arith.extui %sign3A_1245 : i1 to i32
        %sign3A_1247 = arith.constant 0 : i32
        %sign3A_1248 = arith.cmpi slt, %add3A_1241, %sign3A_1247 : i32
        %sign3A_1249 = arith.extui %sign3A_1248 : i1 to i32
        %sign3A_1250 = arith.subi %sign3A_1246, %sign3A_1249 : i32
        %sign3A_1251 = arith.constant 0 : i32
        %sign3A_1252 = arith.cmpi sgt, %jit3A_1242, %sign3A_1251 : i32
        %sign3A_1253 = arith.extui %sign3A_1252 : i1 to i32
        %sign3A_1254 = arith.constant 0 : i32
        %sign3A_1255 = arith.cmpi slt, %jit3A_1242, %sign3A_1254 : i32
        %sign3A_1256 = arith.extui %sign3A_1255 : i1 to i32
        %sign3A_1257 = arith.subi %sign3A_1253, %sign3A_1256 : i32
        %ne3A_1258 = arith.cmpi ne, %sign3A_1250, %sign3A_1257 : i32
        %rem3A_1259 = arith.remsi %add3A_1241, %jit3A_1242 : i32
        %ne3A_1260 = arith.constant 0 : i32
        %ne3A_1261 = arith.cmpi ne, %rem3A_1259, %ne3A_1260 : i32
        %and3A_1262 = arith.andi %ne3A_1258, %ne3A_1261 : i1
        %sub3A_1263 = arith.constant 1 : i32
        %sub3A_1264 = arith.subi %div3A_1243, %sub3A_1263 : i32
        %select_n3A_1265 = arith.select %and3A_1262, %sub3A_1264, %div3A_1243 : i32
        %mul3A_1266 = arith.constant 16 : i32
        %mul3A_1267 = arith.muli %add3A_1240, %mul3A_1266 : i32
        %get3A_1268 = arith.index_cast %mul3A_1267 : i32 to index
        %get3A_1269 = tpu.vector_load %arg6[%get3A_1268] {strides = array<i32>} : memref<12800xi32, #tpu.memory_space<vmem>>, vector<16xi32>,
        %get3A_1270 = vector.shape_cast %get3A_1269 : vector<16xi32> to vector<16xi32>
        %mul3A_1271 = arith.constant 16 : i32
        %mul3A_1272 = arith.muli %select_n3A_1265, %mul3A_1271 : i32
        %get3A_1273 = arith.index_cast %mul3A_1272 : i32 to index
        %get3A_1274 = tpu.vector_load %arg7[%get3A_1273] {strides = array<i32>} : memref<1600xi32, #tpu.memory_space<vmem>>, vector<16xi32>,
        %get3A_1275 = vector.shape_cast %get3A_1274 : vector<16xi32> to vector<16xi32>
        %add3A_1276 = arith.addi %get3A_1270, %get3A_1275 : vector<16xi32>
        %swap3A_1277 = arith.index_cast %mul3A_1267 : i32 to index
        %swap3A_1278 = tpu.vector_load %arg6[%swap3A_1277] {strides = array<i32>} : memref<12800xi32, #tpu.memory_space<vmem>>, vector<16xi32>,
        %swap3A_1279 = vector.shape_cast %swap3A_1278 : vector<16xi32> to vector<16xi32>
        %swap3A_1280 = vector.shape_cast %add3A_1276 : vector<16xi32> to vector<16xi32>
        tpu.vector_store %arg6[%swap3A_1277], %swap3A_1280 {strides = array<i32>} : memref<12800xi32, #tpu.memory_space<vmem>>, vector<16xi32>,
        %mul3A_1281 = arith.constant 8 : i32
        %mul3A_1282 = arith.muli %add3A_1017, %mul3A_1281 : i32
        %add3A_1283 = arith.constant 3 : i32
        %add3A_1284 = arith.addi %mul3A_1282, %add3A_1283 : i32
        %add3A_1285 = arith.addi %mul3A_4, %add3A_1284 : i32
        %jit3A_1286 = arith.constant 256 : i32
        %div3A_1287 = arith.divsi %add3A_1285, %jit3A_1286 : i32
        %sign3A_1288 = arith.constant 0 : i32
        %sign3A_1289 = arith.cmpi sgt, %add3A_1285, %sign3A_1288 : i32
        %sign3A_1290 = arith.extui %sign3A_1289 : i1 to i32
        %sign3A_1291 = arith.constant 0 : i32
        %sign3A_1292 = arith.cmpi slt, %add3A_1285, %sign3A_1291 : i32
        %sign3A_1293 = arith.extui %sign3A_1292 : i1 to i32
        %sign3A_1294 = arith.subi %sign3A_1290, %sign3A_1293 : i32
        %sign3A_1295 = arith.constant 0 : i32
        %sign3A_1296 = arith.cmpi sgt, %jit3A_1286, %sign3A_1295 : i32
        %sign3A_1297 = arith.extui %sign3A_1296 : i1 to i32
        %sign3A_1298 = arith.constant 0 : i32
        %sign3A_1299 = arith.cmpi slt, %jit3A_1286, %sign3A_1298 : i32
        %sign3A_1300 = arith.extui %sign3A_1299 : i1 to i32
        %sign3A_1301 = arith.subi %sign3A_1297, %sign3A_1300 : i32
        %ne3A_1302 = arith.cmpi ne, %sign3A_1294, %sign3A_1301 : i32
        %rem3A_1303 = arith.remsi %add3A_1285, %jit3A_1286 : i32
        %ne3A_1304 = arith.constant 0 : i32
        %ne3A_1305 = arith.cmpi ne, %rem3A_1303, %ne3A_1304 : i32
        %and3A_1306 = arith.andi %ne3A_1302, %ne3A_1305 : i1
        %sub3A_1307 = arith.constant 1 : i32
        %sub3A_1308 = arith.subi %div3A_1287, %sub3A_1307 : i32
        %select_n3A_1309 = arith.select %and3A_1306, %sub3A_1308, %div3A_1287 : i32
        %mul3A_1310 = arith.constant 16 : i32
        %mul3A_1311 = arith.muli %add3A_1284, %mul3A_1310 : i32
        %get3A_1312 = arith.index_cast %mul3A_1311 : i32 to index
        %get3A_1313 = tpu.vector_load %arg6[%get3A_1312] {strides = array<i32>} : memref<12800xi32, #tpu.memory_space<vmem>>, vector<16xi32>,
        %get3A_1314 = vector.shape_cast %get3A_1313 : vector<16xi32> to vector<16xi32>
        %mul3A_1315 = arith.constant 16 : i32
        %mul3A_1316 = arith.muli %select_n3A_1309, %mul3A_1315 : i32
        %get3A_1317 = arith.index_cast %mul3A_1316 : i32 to index
        %get3A_1318 = tpu.vector_load %arg7[%get3A_1317] {strides = array<i32>} : memref<1600xi32, #tpu.memory_space<vmem>>, vector<16xi32>,
        %get3A_1319 = vector.shape_cast %get3A_1318 : vector<16xi32> to vector<16xi32>
        %add3A_1320 = arith.addi %get3A_1314, %get3A_1319 : vector<16xi32>
        %swap3A_1321 = arith.index_cast %mul3A_1311 : i32 to index
        %swap3A_1322 = tpu.vector_load %arg6[%swap3A_1321] {strides = array<i32>} : memref<12800xi32, #tpu.memory_space<vmem>>, vector<16xi32>,
        %swap3A_1323 = vector.shape_cast %swap3A_1322 : vector<16xi32> to vector<16xi32>
        %swap3A_1324 = vector.shape_cast %add3A_1320 : vector<16xi32> to vector<16xi32>
        tpu.vector_store %arg6[%swap3A_1321], %swap3A_1324 {strides = array<i32>} : memref<12800xi32, #tpu.memory_space<vmem>>, vector<16xi32>,
        %mul3A_1325 = arith.constant 8 : i32
        %mul3A_1326 = arith.muli %add3A_1017, %mul3A_1325 : i32
        %add3A_1327 = arith.constant 4 : i32
        %add3A_1328 = arith.addi %mul3A_1326, %add3A_1327 : i32
        %add3A_1329 = arith.addi %mul3A_4, %add3A_1328 : i32
        %jit3A_1330 = arith.constant 256 : i32
        %div3A_1331 = arith.divsi %add3A_1329, %jit3A_1330 : i32
        %sign3A_1332 = arith.constant 0 : i32
        %sign3A_1333 = arith.cmpi sgt, %add3A_1329, %sign3A_1332 : i32
        %sign3A_1334 = arith.extui %sign3A_1333 : i1 to i32
        %sign3A_1335 = arith.constant 0 : i32
        %sign3A_1336 = arith.cmpi slt, %add3A_1329, %sign3A_1335 : i32
        %sign3A_1337 = arith.extui %sign3A_1336 : i1 to i32
        %sign3A_1338 = arith.subi %sign3A_1334, %sign3A_1337 : i32
        %sign3A_1339 = arith.constant 0 : i32
        %sign3A_1340 = arith.cmpi sgt, %jit3A_1330, %sign3A_1339 : i32
        %sign3A_1341 = arith.extui %sign3A_1340 : i1 to i32
        %sign3A_1342 = arith.constant 0 : i32
        %sign3A_1343 = arith.cmpi slt, %jit3A_1330, %sign3A_1342 : i32
        %sign3A_1344 = arith.extui %sign3A_1343 : i1 to i32
        %sign3A_1345 = arith.subi %sign3A_1341, %sign3A_1344 : i32
        %ne3A_1346 = arith.cmpi ne, %sign3A_1338, %sign3A_1345 : i32
        %rem3A_1347 = arith.remsi %add3A_1329, %jit3A_1330 : i32
        %ne3A_1348 = arith.constant 0 : i32
        %ne3A_1349 = arith.cmpi ne, %rem3A_1347, %ne3A_1348 : i32
        %and3A_1350 = arith.andi %ne3A_1346, %ne3A_1349 : i1
        %sub3A_1351 = arith.constant 1 : i32
        %sub3A_1352 = arith.subi %div3A_1331, %sub3A_1351 : i32
        %select_n3A_1353 = arith.select %and3A_1350, %sub3A_1352, %div3A_1331 : i32
        %mul3A_1354 = arith.constant 16 : i32
        %mul3A_1355 = arith.muli %add3A_1328, %mul3A_1354 : i32
        %get3A_1356 = arith.index_cast %mul3A_1355 : i32 to index
        %get3A_1357 = tpu.vector_load %arg6[%get3A_1356] {strides = array<i32>} : memref<12800xi32, #tpu.memory_space<vmem>>, vector<16xi32>,
        %get3A_1358 = vector.shape_cast %get3A_1357 : vector<16xi32> to vector<16xi32>
        %mul3A_1359 = arith.constant 16 : i32
        %mul3A_1360 = arith.muli %select_n3A_1353, %mul3A_1359 : i32
        %get3A_1361 = arith.index_cast %mul3A_1360 : i32 to index
        %get3A_1362 = tpu.vector_load %arg7[%get3A_1361] {strides = array<i32>} : memref<1600xi32, #tpu.memory_space<vmem>>, vector<16xi32>,
        %get3A_1363 = vector.shape_cast %get3A_1362 : vector<16xi32> to vector<16xi32>
        %add3A_1364 = arith.addi %get3A_1358, %get3A_1363 : vector<16xi32>
        %swap3A_1365 = arith.index_cast %mul3A_1355 : i32 to index
        %swap3A_1366 = tpu.vector_load %arg6[%swap3A_1365] {strides = array<i32>} : memref<12800xi32, #tpu.memory_space<vmem>>, vector<16xi32>,
        %swap3A_1367 = vector.shape_cast %swap3A_1366 : vector<16xi32> to vector<16xi32>
        %swap3A_1368 = vector.shape_cast %add3A_1364 : vector<16xi32> to vector<16xi32>
        tpu.vector_store %arg6[%swap3A_1365], %swap3A_1368 {strides = array<i32>} : memref<12800xi32, #tpu.memory_space<vmem>>, vector<16xi32>,
        %mul3A_1369 = arith.constant 8 : i32
        %mul3A_1370 = arith.muli %add3A_1017, %mul3A_1369 : i32
        %add3A_1371 = arith.constant 5 : i32
        %add3A_1372 = arith.addi %mul3A_1370, %add3A_1371 : i32
        %add3A_1373 = arith.addi %mul3A_4, %add3A_1372 : i32
        %jit3A_1374 = arith.constant 256 : i32
        %div3A_1375 = arith.divsi %add3A_1373, %jit3A_1374 : i32
        %sign3A_1376 = arith.constant 0 : i32
        %sign3A_1377 = arith.cmpi sgt, %add3A_1373, %sign3A_1376 : i32
        %sign3A_1378 = arith.extui %sign3A_1377 : i1 to i32
        %sign3A_1379 = arith.constant 0 : i32
        %sign3A_1380 = arith.cmpi slt, %add3A_1373, %sign3A_1379 : i32
        %sign3A_1381 = arith.extui %sign3A_1380 : i1 to i32
        %sign3A_1382 = arith.subi %sign3A_1378, %sign3A_1381 : i32
        %sign3A_1383 = arith.constant 0 : i32
        %sign3A_1384 = arith.cmpi sgt, %jit3A_1374, %sign3A_1383 : i32
        %sign3A_1385 = arith.extui %sign3A_1384 : i1 to i32
        %sign3A_1386 = arith.constant 0 : i32
        %sign3A_1387 = arith.cmpi slt, %jit3A_1374, %sign3A_1386 : i32
        %sign3A_1388 = arith.extui %sign3A_1387 : i1 to i32
        %sign3A_1389 = arith.subi %sign3A_1385, %sign3A_1388 : i32
        %ne3A_1390 = arith.cmpi ne, %sign3A_1382, %sign3A_1389 : i32
        %rem3A_1391 = arith.remsi %add3A_1373, %jit3A_1374 : i32
        %ne3A_1392 = arith.constant 0 : i32
        %ne3A_1393 = arith.cmpi ne, %rem3A_1391, %ne3A_1392 : i32
        %and3A_1394 = arith.andi %ne3A_1390, %ne3A_1393 : i1
        %sub3A_1395 = arith.constant 1 : i32
        %sub3A_1396 = arith.subi %div3A_1375, %sub3A_1395 : i32
        %select_n3A_1397 = arith.select %and3A_1394, %sub3A_1396, %div3A_1375 : i32
        %mul3A_1398 = arith.constant 16 : i32
        %mul3A_1399 = arith.muli %add3A_1372, %mul3A_1398 : i32
        %get3A_1400 = arith.index_cast %mul3A_1399 : i32 to index
        %get3A_1401 = tpu.vector_load %arg6[%get3A_1400] {strides = array<i32>} : memref<12800xi32, #tpu.memory_space<vmem>>, vector<16xi32>,
        %get3A_1402 = vector.shape_cast %get3A_1401 : vector<16xi32> to vector<16xi32>
        %mul3A_1403 = arith.constant 16 : i32
        %mul3A_1404 = arith.muli %select_n3A_1397, %mul3A_1403 : i32
        %get3A_1405 = arith.index_cast %mul3A_1404 : i32 to index
        %get3A_1406 = tpu.vector_load %arg7[%get3A_1405] {strides = array<i32>} : memref<1600xi32, #tpu.memory_space<vmem>>, vector<16xi32>,
        %get3A_1407 = vector.shape_cast %get3A_1406 : vector<16xi32> to vector<16xi32>
        %add3A_1408 = arith.addi %get3A_1402, %get3A_1407 : vector<16xi32>
        %swap3A_1409 = arith.index_cast %mul3A_1399 : i32 to index
        %swap3A_1410 = tpu.vector_load %arg6[%swap3A_1409] {strides = array<i32>} : memref<12800xi32, #tpu.memory_space<vmem>>, vector<16xi32>,
        %swap3A_1411 = vector.shape_cast %swap3A_1410 : vector<16xi32> to vector<16xi32>
        %swap3A_1412 = vector.shape_cast %add3A_1408 : vector<16xi32> to vector<16xi32>
        tpu.vector_store %arg6[%swap3A_1409], %swap3A_1412 {strides = array<i32>} : memref<12800xi32, #tpu.memory_space<vmem>>, vector<16xi32>,
        %mul3A_1413 = arith.constant 8 : i32
        %mul3A_1414 = arith.muli %add3A_1017, %mul3A_1413 : i32
        %add3A_1415 = arith.constant 6 : i32
        %add3A_1416 = arith.addi %mul3A_1414, %add3A_1415 : i32
        %add3A_1417 = arith.addi %mul3A_4, %add3A_1416 : i32
        %jit3A_1418 = arith.constant 256 : i32
        %div3A_1419 = arith.divsi %add3A_1417, %jit3A_1418 : i32
        %sign3A_1420 = arith.constant 0 : i32
        %sign3A_1421 = arith.cmpi sgt, %add3A_1417, %sign3A_1420 : i32
        %sign3A_1422 = arith.extui %sign3A_1421 : i1 to i32
        %sign3A_1423 = arith.constant 0 : i32
        %sign3A_1424 = arith.cmpi slt, %add3A_1417, %sign3A_1423 : i32
        %sign3A_1425 = arith.extui %sign3A_1424 : i1 to i32
        %sign3A_1426 = arith.subi %sign3A_1422, %sign3A_1425 : i32
        %sign3A_1427 = arith.constant 0 : i32
        %sign3A_1428 = arith.cmpi sgt, %jit3A_1418, %sign3A_1427 : i32
        %sign3A_1429 = arith.extui %sign3A_1428 : i1 to i32
        %sign3A_1430 = arith.constant 0 : i32
        %sign3A_1431 = arith.cmpi slt, %jit3A_1418, %sign3A_1430 : i32
        %sign3A_1432 = arith.extui %sign3A_1431 : i1 to i32
        %sign3A_1433 = arith.subi %sign3A_1429, %sign3A_1432 : i32
        %ne3A_1434 = arith.cmpi ne, %sign3A_1426, %sign3A_1433 : i32
        %rem3A_1435 = arith.remsi %add3A_1417, %jit3A_1418 : i32
        %ne3A_1436 = arith.constant 0 : i32
        %ne3A_1437 = arith.cmpi ne, %rem3A_1435, %ne3A_1436 : i32
        %and3A_1438 = arith.andi %ne3A_1434, %ne3A_1437 : i1
        %sub3A_1439 = arith.constant 1 : i32
        %sub3A_1440 = arith.subi %div3A_1419, %sub3A_1439 : i32
        %select_n3A_1441 = arith.select %and3A_1438, %sub3A_1440, %div3A_1419 : i32
        %mul3A_1442 = arith.constant 16 : i32
        %mul3A_1443 = arith.muli %add3A_1416, %mul3A_1442 : i32
        %get3A_1444 = arith.index_cast %mul3A_1443 : i32 to index
        %get3A_1445 = tpu.vector_load %arg6[%get3A_1444] {strides = array<i32>} : memref<12800xi32, #tpu.memory_space<vmem>>, vector<16xi32>,
        %get3A_1446 = vector.shape_cast %get3A_1445 : vector<16xi32> to vector<16xi32>
        %mul3A_1447 = arith.constant 16 : i32
        %mul3A_1448 = arith.muli %select_n3A_1441, %mul3A_1447 : i32
        %get3A_1449 = arith.index_cast %mul3A_1448 : i32 to index
        %get3A_1450 = tpu.vector_load %arg7[%get3A_1449] {strides = array<i32>} : memref<1600xi32, #tpu.memory_space<vmem>>, vector<16xi32>,
        %get3A_1451 = vector.shape_cast %get3A_1450 : vector<16xi32> to vector<16xi32>
        %add3A_1452 = arith.addi %get3A_1446, %get3A_1451 : vector<16xi32>
        %swap3A_1453 = arith.index_cast %mul3A_1443 : i32 to index
        %swap3A_1454 = tpu.vector_load %arg6[%swap3A_1453] {strides = array<i32>} : memref<12800xi32, #tpu.memory_space<vmem>>, vector<16xi32>,
        %swap3A_1455 = vector.shape_cast %swap3A_1454 : vector<16xi32> to vector<16xi32>
        %swap3A_1456 = vector.shape_cast %add3A_1452 : vector<16xi32> to vector<16xi32>
        tpu.vector_store %arg6[%swap3A_1453], %swap3A_1456 {strides = array<i32>} : memref<12800xi32, #tpu.memory_space<vmem>>, vector<16xi32>,
        %mul3A_1457 = arith.constant 8 : i32
        %mul3A_1458 = arith.muli %add3A_1017, %mul3A_1457 : i32
        %add3A_1459 = arith.constant 7 : i32
        %add3A_1460 = arith.addi %mul3A_1458, %add3A_1459 : i32
        %add3A_1461 = arith.addi %mul3A_4, %add3A_1460 : i32
        %jit3A_1462 = arith.constant 256 : i32
        %div3A_1463 = arith.divsi %add3A_1461, %jit3A_1462 : i32
        %sign3A_1464 = arith.constant 0 : i32
        %sign3A_1465 = arith.cmpi sgt, %add3A_1461, %sign3A_1464 : i32
        %sign3A_1466 = arith.extui %sign3A_1465 : i1 to i32
        %sign3A_1467 = arith.constant 0 : i32
        %sign3A_1468 = arith.cmpi slt, %add3A_1461, %sign3A_1467 : i32
        %sign3A_1469 = arith.extui %sign3A_1468 : i1 to i32
        %sign3A_1470 = arith.subi %sign3A_1466, %sign3A_1469 : i32
        %sign3A_1471 = arith.constant 0 : i32
        %sign3A_1472 = arith.cmpi sgt, %jit3A_1462, %sign3A_1471 : i32
        %sign3A_1473 = arith.extui %sign3A_1472 : i1 to i32
        %sign3A_1474 = arith.constant 0 : i32
        %sign3A_1475 = arith.cmpi slt, %jit3A_1462, %sign3A_1474 : i32
        %sign3A_1476 = arith.extui %sign3A_1475 : i1 to i32
        %sign3A_1477 = arith.subi %sign3A_1473, %sign3A_1476 : i32
        %ne3A_1478 = arith.cmpi ne, %sign3A_1470, %sign3A_1477 : i32
        %rem3A_1479 = arith.remsi %add3A_1461, %jit3A_1462 : i32
        %ne3A_1480 = arith.constant 0 : i32
        %ne3A_1481 = arith.cmpi ne, %rem3A_1479, %ne3A_1480 : i32
        %and3A_1482 = arith.andi %ne3A_1478, %ne3A_1481 : i1
        %sub3A_1483 = arith.constant 1 : i32
        %sub3A_1484 = arith.subi %div3A_1463, %sub3A_1483 : i32
        %select_n3A_1485 = arith.select %and3A_1482, %sub3A_1484, %div3A_1463 : i32
        %mul3A_1486 = arith.constant 16 : i32
        %mul3A_1487 = arith.muli %add3A_1460, %mul3A_1486 : i32
        %get3A_1488 = arith.index_cast %mul3A_1487 : i32 to index
        %get3A_1489 = tpu.vector_load %arg6[%get3A_1488] {strides = array<i32>} : memref<12800xi32, #tpu.memory_space<vmem>>, vector<16xi32>,
        %get3A_1490 = vector.shape_cast %get3A_1489 : vector<16xi32> to vector<16xi32>
        %mul3A_1491 = arith.constant 16 : i32
        %mul3A_1492 = arith.muli %select_n3A_1485, %mul3A_1491 : i32
        %get3A_1493 = arith.index_cast %mul3A_1492 : i32 to index
        %get3A_1494 = tpu.vector_load %arg7[%get3A_1493] {strides = array<i32>} : memref<1600xi32, #tpu.memory_space<vmem>>, vector<16xi32>,
        %get3A_1495 = vector.shape_cast %get3A_1494 : vector<16xi32> to vector<16xi32>
        %add3A_1496 = arith.addi %get3A_1490, %get3A_1495 : vector<16xi32>
        %swap3A_1497 = arith.index_cast %mul3A_1487 : i32 to index
        %swap3A_1498 = tpu.vector_load %arg6[%swap3A_1497] {strides = array<i32>} : memref<12800xi32, #tpu.memory_space<vmem>>, vector<16xi32>,
        %swap3A_1499 = vector.shape_cast %swap3A_1498 : vector<16xi32> to vector<16xi32>
        %swap3A_1500 = vector.shape_cast %add3A_1496 : vector<16xi32> to vector<16xi32>
        tpu.vector_store %arg6[%swap3A_1497], %swap3A_1500 {strides = array<i32>} : memref<12800xi32, #tpu.memory_space<vmem>>, vector<16xi32>,
        %mul3A_1501 = arith.constant 128 : i32
        %mul3A_1502 = arith.muli %add3A_1017, %mul3A_1501 : i32
        %dma_start3A_1503 = tpu.memref_slice %arg6[%mul3A_1502] : memref<12800xi32, #tpu.memory_space<vmem>> -> memref<128xi32, #tpu.memory_space<vmem>>
        %dma_start3A_1504 = arith.constant 0 : i32
        %dma_start3A_1505 = arith.constant 0 : i32
        %dma_start3A_1506 = tpu.memref_slice %arg3[%dma_start3A_1504, %dma_start3A_1505] : memref<100000x128xf32, #tpu.memory_space<hbm>> -> memref<100000x128xf32, #tpu.memory_space<hbm>>
        tpu.enqueue_indirect_dma source(%dma_start3A_1506 : memref<100000x128xf32, #tpu.memory_space<hbm>>) target(%arg12 : memref<128x128xf32, #tpu.memory_space<vmem>>) offsets(%dma_start3A_1503 : memref<128xi32, #tpu.memory_space<vmem>>) semaphore(%arg17 : memref<!tpu.dma_semaphore, #tpu.memory_space<semaphore_mem>>)
      } else {
      }
      %mul3A_1033 = arith.constant 128 : i32
      %mul3A_1034 = arith.muli %add3A_1015, %mul3A_1033 : i32
      %dma_wait3A_1035 = tpu.memref_slice %arg6[%mul3A_1034] : memref<12800xi32, #tpu.memory_space<vmem>> -> memref<128xi32, #tpu.memory_space<vmem>>
      %dma_wait3A_1036 = arith.constant 0 : i32
      %dma_wait3A_1037 = arith.constant 0 : i32
      %dma_wait3A_1038 = tpu.memref_slice %arg3[%dma_wait3A_1036, %dma_wait3A_1037] : memref<100000x128xf32, #tpu.memory_space<hbm>> -> memref<100000x128xf32, #tpu.memory_space<hbm>>
      tpu.wait_indirect_dma semaphore(%arg14 : memref<!tpu.dma_semaphore, #tpu.memory_space<semaphore_mem>>) src(%dma_wait3A_1038 : memref<100000x128xf32, #tpu.memory_space<hbm>>) dst(%arg9 : memref<128x128xf32, #tpu.memory_space<vmem>>)
      %mul3A_1039 = arith.constant 128 : i32
      %mul3A_1040 = arith.muli %add3A_1015, %mul3A_1039 : i32
      %add3A_1041 = arith.addi %mul3A_2, %mul3A_1040 : i32
      %dma_start3A_1042 = arith.constant 0 : i32
      %dma_start3A_1043 = tpu.memref_slice %arg5[%add3A_1041, %dma_start3A_1042] : memref<409600x128xf32, #tpu.memory_space<hbm>> -> memref<128x128xf32, #tpu.memory_space<hbm>>
      %dma_start3A_1044 = arith.constant 0 : i32
      %dma_start3A_1045 = tpu.memref_slice %arg5[%add3A_1041, %dma_start3A_1044] : memref<409600x128xf32, #tpu.memory_space<hbm>> -> memref<128x128xf32, #tpu.memory_space<hbm>>
      tpu.enqueue_dma source(%arg9 : memref<128x128xf32, #tpu.memory_space<vmem>>) target(%dma_start3A_1045 : memref<128x128xf32, #tpu.memory_space<hbm>>) target_semaphore(%arg19 : memref<!tpu.dma_semaphore, #tpu.memory_space<semaphore_mem>>)
      %mul3A_1046 = arith.constant 5 : i32
      %mul3A_1047 = arith.muli %scan3A_980, %mul3A_1046 : i32
      %add3A_1048 = arith.constant 2 : i32
      %add3A_1049 = arith.addi %mul3A_1047, %add3A_1048 : i32
      %add3A_1050 = arith.constant 3 : i32
      %add3A_1051 = arith.addi %add3A_1049, %add3A_1050 : i32
      %sub3A_1052 = arith.constant 5 : i32
      %sub3A_1053 = arith.subi %add3A_1051, %sub3A_1052 : i32
      %lt3A_1054 = arith.constant 100 : i32
      %lt3A_1055 = arith.cmpi slt, %add3A_1051, %lt3A_1054 : i32
      %ge3A_1056 = arith.constant 0 : i32
      %ge3A_1057 = arith.cmpi sge, %sub3A_1053, %ge3A_1056 : i32
      %and3A_1058 = arith.andi %lt3A_1055, %ge3A_1057 : i1
      %convert_element_type3A_1059 = arith.extui %and3A_1058 : i1 to i32
      %cond3A_1060 = arith.constant 0 : i32
      %cond3A_1061 = arith.cmpi ne, %convert_element_type3A_1059, %cond3A_1060 : i32
      scf.if %cond3A_1061 {
        %mul3A_1149 = arith.constant 128 : i32
        %mul3A_1150 = arith.muli %sub3A_1053, %mul3A_1149 : i32
        %add3A_1151 = arith.addi %mul3A_2, %mul3A_1150 : i32
        %dma_wait3A_1152 = arith.constant 0 : i32
        %dma_wait3A_1153 = tpu.memref_slice %arg5[%add3A_1151, %dma_wait3A_1152] : memref<409600x128xf32, #tpu.memory_space<hbm>> -> memref<128x128xf32, #tpu.memory_space<hbm>>
        %dma_wait3A_1154 = arith.constant 0 : i32
        %dma_wait3A_1155 = tpu.memref_slice %arg5[%add3A_1151, %dma_wait3A_1154] : memref<409600x128xf32, #tpu.memory_space<hbm>> -> memref<128x128xf32, #tpu.memory_space<hbm>>
        tpu.wait_dma2 semaphore(%arg18 : memref<!tpu.dma_semaphore, #tpu.memory_space<semaphore_mem>>) src(%arg8 : memref<128x128xf32, #tpu.memory_space<vmem>>) dst(%dma_wait3A_1155 : memref<128x128xf32, #tpu.memory_space<hbm>>)
      } else {
      }
      %lt3A_1062 = arith.constant 100 : i32
      %lt3A_1063 = arith.cmpi slt, %add3A_1051, %lt3A_1062 : i32
      %convert_element_type3A_1064 = arith.extui %lt3A_1063 : i1 to i32
      %cond3A_1065 = arith.constant 0 : i32
      %cond3A_1066 = arith.cmpi ne, %convert_element_type3A_1064, %cond3A_1065 : i32
      scf.if %cond3A_1066 {
        %mul3A_1149 = arith.constant 8 : i32
        %mul3A_1150 = arith.muli %add3A_1051, %mul3A_1149 : i32
        %add3A_1151 = arith.constant 0 : i32
        %add3A_1152 = arith.addi %mul3A_1150, %add3A_1151 : i32
        %add3A_1153 = arith.addi %mul3A_4, %add3A_1152 : i32
        %jit3A_1154 = arith.constant 256 : i32
        %div3A_1155 = arith.divsi %add3A_1153, %jit3A_1154 : i32
        %sign3A_1156 = arith.constant 0 : i32
        %sign3A_1157 = arith.cmpi sgt, %add3A_1153, %sign3A_1156 : i32
        %sign3A_1158 = arith.extui %sign3A_1157 : i1 to i32
        %sign3A_1159 = arith.constant 0 : i32
        %sign3A_1160 = arith.cmpi slt, %add3A_1153, %sign3A_1159 : i32
        %sign3A_1161 = arith.extui %sign3A_1160 : i1 to i32
        %sign3A_1162 = arith.subi %sign3A_1158, %sign3A_1161 : i32
        %sign3A_1163 = arith.constant 0 : i32
        %sign3A_1164 = arith.cmpi sgt, %jit3A_1154, %sign3A_1163 : i32
        %sign3A_1165 = arith.extui %sign3A_1164 : i1 to i32
        %sign3A_1166 = arith.constant 0 : i32
        %sign3A_1167 = arith.cmpi slt, %jit3A_1154, %sign3A_1166 : i32
        %sign3A_1168 = arith.extui %sign3A_1167 : i1 to i32
        %sign3A_1169 = arith.subi %sign3A_1165, %sign3A_1168 : i32
        %ne3A_1170 = arith.cmpi ne, %sign3A_1162, %sign3A_1169 : i32
        %rem3A_1171 = arith.remsi %add3A_1153, %jit3A_1154 : i32
        %ne3A_1172 = arith.constant 0 : i32
        %ne3A_1173 = arith.cmpi ne, %rem3A_1171, %ne3A_1172 : i32
        %and3A_1174 = arith.andi %ne3A_1170, %ne3A_1173 : i1
        %sub3A_1175 = arith.constant 1 : i32
        %sub3A_1176 = arith.subi %div3A_1155, %sub3A_1175 : i32
        %select_n3A_1177 = arith.select %and3A_1174, %sub3A_1176, %div3A_1155 : i32
        %mul3A_1178 = arith.constant 16 : i32
        %mul3A_1179 = arith.muli %add3A_1152, %mul3A_1178 : i32
        %get3A_1180 = arith.index_cast %mul3A_1179 : i32 to index
        %get3A_1181 = tpu.vector_load %arg6[%get3A_1180] {strides = array<i32>} : memref<12800xi32, #tpu.memory_space<vmem>>, vector<16xi32>,
        %get3A_1182 = vector.shape_cast %get3A_1181 : vector<16xi32> to vector<16xi32>
        %mul3A_1183 = arith.constant 16 : i32
        %mul3A_1184 = arith.muli %select_n3A_1177, %mul3A_1183 : i32
        %get3A_1185 = arith.index_cast %mul3A_1184 : i32 to index
        %get3A_1186 = tpu.vector_load %arg7[%get3A_1185] {strides = array<i32>} : memref<1600xi32, #tpu.memory_space<vmem>>, vector<16xi32>,
        %get3A_1187 = vector.shape_cast %get3A_1186 : vector<16xi32> to vector<16xi32>
        %add3A_1188 = arith.addi %get3A_1182, %get3A_1187 : vector<16xi32>
        %swap3A_1189 = arith.index_cast %mul3A_1179 : i32 to index
        %swap3A_1190 = tpu.vector_load %arg6[%swap3A_1189] {strides = array<i32>} : memref<12800xi32, #tpu.memory_space<vmem>>, vector<16xi32>,
        %swap3A_1191 = vector.shape_cast %swap3A_1190 : vector<16xi32> to vector<16xi32>
        %swap3A_1192 = vector.shape_cast %add3A_1188 : vector<16xi32> to vector<16xi32>
        tpu.vector_store %arg6[%swap3A_1189], %swap3A_1192 {strides = array<i32>} : memref<12800xi32, #tpu.memory_space<vmem>>, vector<16xi32>,
        %mul3A_1193 = arith.constant 8 : i32
        %mul3A_1194 = arith.muli %add3A_1051, %mul3A_1193 : i32
        %add3A_1195 = arith.constant 1 : i32
        %add3A_1196 = arith.addi %mul3A_1194, %add3A_1195 : i32
        %add3A_1197 = arith.addi %mul3A_4, %add3A_1196 : i32
        %jit3A_1198 = arith.constant 256 : i32
        %div3A_1199 = arith.divsi %add3A_1197, %jit3A_1198 : i32
        %sign3A_1200 = arith.constant 0 : i32
        %sign3A_1201 = arith.cmpi sgt, %add3A_1197, %sign3A_1200 : i32
        %sign3A_1202 = arith.extui %sign3A_1201 : i1 to i32
        %sign3A_1203 = arith.constant 0 : i32
        %sign3A_1204 = arith.cmpi slt, %add3A_1197, %sign3A_1203 : i32
        %sign3A_1205 = arith.extui %sign3A_1204 : i1 to i32
        %sign3A_1206 = arith.subi %sign3A_1202, %sign3A_1205 : i32
        %sign3A_1207 = arith.constant 0 : i32
        %sign3A_1208 = arith.cmpi sgt, %jit3A_1198, %sign3A_1207 : i32
        %sign3A_1209 = arith.extui %sign3A_1208 : i1 to i32
        %sign3A_1210 = arith.constant 0 : i32
        %sign3A_1211 = arith.cmpi slt, %jit3A_1198, %sign3A_1210 : i32
        %sign3A_1212 = arith.extui %sign3A_1211 : i1 to i32
        %sign3A_1213 = arith.subi %sign3A_1209, %sign3A_1212 : i32
        %ne3A_1214 = arith.cmpi ne, %sign3A_1206, %sign3A_1213 : i32
        %rem3A_1215 = arith.remsi %add3A_1197, %jit3A_1198 : i32
        %ne3A_1216 = arith.constant 0 : i32
        %ne3A_1217 = arith.cmpi ne, %rem3A_1215, %ne3A_1216 : i32
        %and3A_1218 = arith.andi %ne3A_1214, %ne3A_1217 : i1
        %sub3A_1219 = arith.constant 1 : i32
        %sub3A_1220 = arith.subi %div3A_1199, %sub3A_1219 : i32
        %select_n3A_1221 = arith.select %and3A_1218, %sub3A_1220, %div3A_1199 : i32
        %mul3A_1222 = arith.constant 16 : i32
        %mul3A_1223 = arith.muli %add3A_1196, %mul3A_1222 : i32
        %get3A_1224 = arith.index_cast %mul3A_1223 : i32 to index
        %get3A_1225 = tpu.vector_load %arg6[%get3A_1224] {strides = array<i32>} : memref<12800xi32, #tpu.memory_space<vmem>>, vector<16xi32>,
        %get3A_1226 = vector.shape_cast %get3A_1225 : vector<16xi32> to vector<16xi32>
        %mul3A_1227 = arith.constant 16 : i32
        %mul3A_1228 = arith.muli %select_n3A_1221, %mul3A_1227 : i32
        %get3A_1229 = arith.index_cast %mul3A_1228 : i32 to index
        %get3A_1230 = tpu.vector_load %arg7[%get3A_1229] {strides = array<i32>} : memref<1600xi32, #tpu.memory_space<vmem>>, vector<16xi32>,
        %get3A_1231 = vector.shape_cast %get3A_1230 : vector<16xi32> to vector<16xi32>
        %add3A_1232 = arith.addi %get3A_1226, %get3A_1231 : vector<16xi32>
        %swap3A_1233 = arith.index_cast %mul3A_1223 : i32 to index
        %swap3A_1234 = tpu.vector_load %arg6[%swap3A_1233] {strides = array<i32>} : memref<12800xi32, #tpu.memory_space<vmem>>, vector<16xi32>,
        %swap3A_1235 = vector.shape_cast %swap3A_1234 : vector<16xi32> to vector<16xi32>
        %swap3A_1236 = vector.shape_cast %add3A_1232 : vector<16xi32> to vector<16xi32>
        tpu.vector_store %arg6[%swap3A_1233], %swap3A_1236 {strides = array<i32>} : memref<12800xi32, #tpu.memory_space<vmem>>, vector<16xi32>,
        %mul3A_1237 = arith.constant 8 : i32
        %mul3A_1238 = arith.muli %add3A_1051, %mul3A_1237 : i32
        %add3A_1239 = arith.constant 2 : i32
        %add3A_1240 = arith.addi %mul3A_1238, %add3A_1239 : i32
        %add3A_1241 = arith.addi %mul3A_4, %add3A_1240 : i32
        %jit3A_1242 = arith.constant 256 : i32
        %div3A_1243 = arith.divsi %add3A_1241, %jit3A_1242 : i32
        %sign3A_1244 = arith.constant 0 : i32
        %sign3A_1245 = arith.cmpi sgt, %add3A_1241, %sign3A_1244 : i32
        %sign3A_1246 = arith.extui %sign3A_1245 : i1 to i32
        %sign3A_1247 = arith.constant 0 : i32
        %sign3A_1248 = arith.cmpi slt, %add3A_1241, %sign3A_1247 : i32
        %sign3A_1249 = arith.extui %sign3A_1248 : i1 to i32
        %sign3A_1250 = arith.subi %sign3A_1246, %sign3A_1249 : i32
        %sign3A_1251 = arith.constant 0 : i32
        %sign3A_1252 = arith.cmpi sgt, %jit3A_1242, %sign3A_1251 : i32
        %sign3A_1253 = arith.extui %sign3A_1252 : i1 to i32
        %sign3A_1254 = arith.constant 0 : i32
        %sign3A_1255 = arith.cmpi slt, %jit3A_1242, %sign3A_1254 : i32
        %sign3A_1256 = arith.extui %sign3A_1255 : i1 to i32
        %sign3A_1257 = arith.subi %sign3A_1253, %sign3A_1256 : i32
        %ne3A_1258 = arith.cmpi ne, %sign3A_1250, %sign3A_1257 : i32
        %rem3A_1259 = arith.remsi %add3A_1241, %jit3A_1242 : i32
        %ne3A_1260 = arith.constant 0 : i32
        %ne3A_1261 = arith.cmpi ne, %rem3A_1259, %ne3A_1260 : i32
        %and3A_1262 = arith.andi %ne3A_1258, %ne3A_1261 : i1
        %sub3A_1263 = arith.constant 1 : i32
        %sub3A_1264 = arith.subi %div3A_1243, %sub3A_1263 : i32
        %select_n3A_1265 = arith.select %and3A_1262, %sub3A_1264, %div3A_1243 : i32
        %mul3A_1266 = arith.constant 16 : i32
        %mul3A_1267 = arith.muli %add3A_1240, %mul3A_1266 : i32
        %get3A_1268 = arith.index_cast %mul3A_1267 : i32 to index
        %get3A_1269 = tpu.vector_load %arg6[%get3A_1268] {strides = array<i32>} : memref<12800xi32, #tpu.memory_space<vmem>>, vector<16xi32>,
        %get3A_1270 = vector.shape_cast %get3A_1269 : vector<16xi32> to vector<16xi32>
        %mul3A_1271 = arith.constant 16 : i32
        %mul3A_1272 = arith.muli %select_n3A_1265, %mul3A_1271 : i32
        %get3A_1273 = arith.index_cast %mul3A_1272 : i32 to index
        %get3A_1274 = tpu.vector_load %arg7[%get3A_1273] {strides = array<i32>} : memref<1600xi32, #tpu.memory_space<vmem>>, vector<16xi32>,
        %get3A_1275 = vector.shape_cast %get3A_1274 : vector<16xi32> to vector<16xi32>
        %add3A_1276 = arith.addi %get3A_1270, %get3A_1275 : vector<16xi32>
        %swap3A_1277 = arith.index_cast %mul3A_1267 : i32 to index
        %swap3A_1278 = tpu.vector_load %arg6[%swap3A_1277] {strides = array<i32>} : memref<12800xi32, #tpu.memory_space<vmem>>, vector<16xi32>,
        %swap3A_1279 = vector.shape_cast %swap3A_1278 : vector<16xi32> to vector<16xi32>
        %swap3A_1280 = vector.shape_cast %add3A_1276 : vector<16xi32> to vector<16xi32>
        tpu.vector_store %arg6[%swap3A_1277], %swap3A_1280 {strides = array<i32>} : memref<12800xi32, #tpu.memory_space<vmem>>, vector<16xi32>,
        %mul3A_1281 = arith.constant 8 : i32
        %mul3A_1282 = arith.muli %add3A_1051, %mul3A_1281 : i32
        %add3A_1283 = arith.constant 3 : i32
        %add3A_1284 = arith.addi %mul3A_1282, %add3A_1283 : i32
        %add3A_1285 = arith.addi %mul3A_4, %add3A_1284 : i32
        %jit3A_1286 = arith.constant 256 : i32
        %div3A_1287 = arith.divsi %add3A_1285, %jit3A_1286 : i32
        %sign3A_1288 = arith.constant 0 : i32
        %sign3A_1289 = arith.cmpi sgt, %add3A_1285, %sign3A_1288 : i32
        %sign3A_1290 = arith.extui %sign3A_1289 : i1 to i32
        %sign3A_1291 = arith.constant 0 : i32
        %sign3A_1292 = arith.cmpi slt, %add3A_1285, %sign3A_1291 : i32
        %sign3A_1293 = arith.extui %sign3A_1292 : i1 to i32
        %sign3A_1294 = arith.subi %sign3A_1290, %sign3A_1293 : i32
        %sign3A_1295 = arith.constant 0 : i32
        %sign3A_1296 = arith.cmpi sgt, %jit3A_1286, %sign3A_1295 : i32
        %sign3A_1297 = arith.extui %sign3A_1296 : i1 to i32
        %sign3A_1298 = arith.constant 0 : i32
        %sign3A_1299 = arith.cmpi slt, %jit3A_1286, %sign3A_1298 : i32
        %sign3A_1300 = arith.extui %sign3A_1299 : i1 to i32
        %sign3A_1301 = arith.subi %sign3A_1297, %sign3A_1300 : i32
        %ne3A_1302 = arith.cmpi ne, %sign3A_1294, %sign3A_1301 : i32
        %rem3A_1303 = arith.remsi %add3A_1285, %jit3A_1286 : i32
        %ne3A_1304 = arith.constant 0 : i32
        %ne3A_1305 = arith.cmpi ne, %rem3A_1303, %ne3A_1304 : i32
        %and3A_1306 = arith.andi %ne3A_1302, %ne3A_1305 : i1
        %sub3A_1307 = arith.constant 1 : i32
        %sub3A_1308 = arith.subi %div3A_1287, %sub3A_1307 : i32
        %select_n3A_1309 = arith.select %and3A_1306, %sub3A_1308, %div3A_1287 : i32
        %mul3A_1310 = arith.constant 16 : i32
        %mul3A_1311 = arith.muli %add3A_1284, %mul3A_1310 : i32
        %get3A_1312 = arith.index_cast %mul3A_1311 : i32 to index
        %get3A_1313 = tpu.vector_load %arg6[%get3A_1312] {strides = array<i32>} : memref<12800xi32, #tpu.memory_space<vmem>>, vector<16xi32>,
        %get3A_1314 = vector.shape_cast %get3A_1313 : vector<16xi32> to vector<16xi32>
        %mul3A_1315 = arith.constant 16 : i32
        %mul3A_1316 = arith.muli %select_n3A_1309, %mul3A_1315 : i32
        %get3A_1317 = arith.index_cast %mul3A_1316 : i32 to index
        %get3A_1318 = tpu.vector_load %arg7[%get3A_1317] {strides = array<i32>} : memref<1600xi32, #tpu.memory_space<vmem>>, vector<16xi32>,
        %get3A_1319 = vector.shape_cast %get3A_1318 : vector<16xi32> to vector<16xi32>
        %add3A_1320 = arith.addi %get3A_1314, %get3A_1319 : vector<16xi32>
        %swap3A_1321 = arith.index_cast %mul3A_1311 : i32 to index
        %swap3A_1322 = tpu.vector_load %arg6[%swap3A_1321] {strides = array<i32>} : memref<12800xi32, #tpu.memory_space<vmem>>, vector<16xi32>,
        %swap3A_1323 = vector.shape_cast %swap3A_1322 : vector<16xi32> to vector<16xi32>
        %swap3A_1324 = vector.shape_cast %add3A_1320 : vector<16xi32> to vector<16xi32>
        tpu.vector_store %arg6[%swap3A_1321], %swap3A_1324 {strides = array<i32>} : memref<12800xi32, #tpu.memory_space<vmem>>, vector<16xi32>,
        %mul3A_1325 = arith.constant 8 : i32
        %mul3A_1326 = arith.muli %add3A_1051, %mul3A_1325 : i32
        %add3A_1327 = arith.constant 4 : i32
        %add3A_1328 = arith.addi %mul3A_1326, %add3A_1327 : i32
        %add3A_1329 = arith.addi %mul3A_4, %add3A_1328 : i32
        %jit3A_1330 = arith.constant 256 : i32
        %div3A_1331 = arith.divsi %add3A_1329, %jit3A_1330 : i32
        %sign3A_1332 = arith.constant 0 : i32
        %sign3A_1333 = arith.cmpi sgt, %add3A_1329, %sign3A_1332 : i32
        %sign3A_1334 = arith.extui %sign3A_1333 : i1 to i32
        %sign3A_1335 = arith.constant 0 : i32
        %sign3A_1336 = arith.cmpi slt, %add3A_1329, %sign3A_1335 : i32
        %sign3A_1337 = arith.extui %sign3A_1336 : i1 to i32
        %sign3A_1338 = arith.subi %sign3A_1334, %sign3A_1337 : i32
        %sign3A_1339 = arith.constant 0 : i32
        %sign3A_1340 = arith.cmpi sgt, %jit3A_1330, %sign3A_1339 : i32
        %sign3A_1341 = arith.extui %sign3A_1340 : i1 to i32
        %sign3A_1342 = arith.constant 0 : i32
        %sign3A_1343 = arith.cmpi slt, %jit3A_1330, %sign3A_1342 : i32
        %sign3A_1344 = arith.extui %sign3A_1343 : i1 to i32
        %sign3A_1345 = arith.subi %sign3A_1341, %sign3A_1344 : i32
        %ne3A_1346 = arith.cmpi ne, %sign3A_1338, %sign3A_1345 : i32
        %rem3A_1347 = arith.remsi %add3A_1329, %jit3A_1330 : i32
        %ne3A_1348 = arith.constant 0 : i32
        %ne3A_1349 = arith.cmpi ne, %rem3A_1347, %ne3A_1348 : i32
        %and3A_1350 = arith.andi %ne3A_1346, %ne3A_1349 : i1
        %sub3A_1351 = arith.constant 1 : i32
        %sub3A_1352 = arith.subi %div3A_1331, %sub3A_1351 : i32
        %select_n3A_1353 = arith.select %and3A_1350, %sub3A_1352, %div3A_1331 : i32
        %mul3A_1354 = arith.constant 16 : i32
        %mul3A_1355 = arith.muli %add3A_1328, %mul3A_1354 : i32
        %get3A_1356 = arith.index_cast %mul3A_1355 : i32 to index
        %get3A_1357 = tpu.vector_load %arg6[%get3A_1356] {strides = array<i32>} : memref<12800xi32, #tpu.memory_space<vmem>>, vector<16xi32>,
        %get3A_1358 = vector.shape_cast %get3A_1357 : vector<16xi32> to vector<16xi32>
        %mul3A_1359 = arith.constant 16 : i32
        %mul3A_1360 = arith.muli %select_n3A_1353, %mul3A_1359 : i32
        %get3A_1361 = arith.index_cast %mul3A_1360 : i32 to index
        %get3A_1362 = tpu.vector_load %arg7[%get3A_1361] {strides = array<i32>} : memref<1600xi32, #tpu.memory_space<vmem>>, vector<16xi32>,
        %get3A_1363 = vector.shape_cast %get3A_1362 : vector<16xi32> to vector<16xi32>
        %add3A_1364 = arith.addi %get3A_1358, %get3A_1363 : vector<16xi32>
        %swap3A_1365 = arith.index_cast %mul3A_1355 : i32 to index
        %swap3A_1366 = tpu.vector_load %arg6[%swap3A_1365] {strides = array<i32>} : memref<12800xi32, #tpu.memory_space<vmem>>, vector<16xi32>,
        %swap3A_1367 = vector.shape_cast %swap3A_1366 : vector<16xi32> to vector<16xi32>
        %swap3A_1368 = vector.shape_cast %add3A_1364 : vector<16xi32> to vector<16xi32>
        tpu.vector_store %arg6[%swap3A_1365], %swap3A_1368 {strides = array<i32>} : memref<12800xi32, #tpu.memory_space<vmem>>, vector<16xi32>,
        %mul3A_1369 = arith.constant 8 : i32
        %mul3A_1370 = arith.muli %add3A_1051, %mul3A_1369 : i32
        %add3A_1371 = arith.constant 5 : i32
        %add3A_1372 = arith.addi %mul3A_1370, %add3A_1371 : i32
        %add3A_1373 = arith.addi %mul3A_4, %add3A_1372 : i32
        %jit3A_1374 = arith.constant 256 : i32
        %div3A_1375 = arith.divsi %add3A_1373, %jit3A_1374 : i32
        %sign3A_1376 = arith.constant 0 : i32
        %sign3A_1377 = arith.cmpi sgt, %add3A_1373, %sign3A_1376 : i32
        %sign3A_1378 = arith.extui %sign3A_1377 : i1 to i32
        %sign3A_1379 = arith.constant 0 : i32
        %sign3A_1380 = arith.cmpi slt, %add3A_1373, %sign3A_1379 : i32
        %sign3A_1381 = arith.extui %sign3A_1380 : i1 to i32
        %sign3A_1382 = arith.subi %sign3A_1378, %sign3A_1381 : i32
        %sign3A_1383 = arith.constant 0 : i32
        %sign3A_1384 = arith.cmpi sgt, %jit3A_1374, %sign3A_1383 : i32
        %sign3A_1385 = arith.extui %sign3A_1384 : i1 to i32
        %sign3A_1386 = arith.constant 0 : i32
        %sign3A_1387 = arith.cmpi slt, %jit3A_1374, %sign3A_1386 : i32
        %sign3A_1388 = arith.extui %sign3A_1387 : i1 to i32
        %sign3A_1389 = arith.subi %sign3A_1385, %sign3A_1388 : i32
        %ne3A_1390 = arith.cmpi ne, %sign3A_1382, %sign3A_1389 : i32
        %rem3A_1391 = arith.remsi %add3A_1373, %jit3A_1374 : i32
        %ne3A_1392 = arith.constant 0 : i32
        %ne3A_1393 = arith.cmpi ne, %rem3A_1391, %ne3A_1392 : i32
        %and3A_1394 = arith.andi %ne3A_1390, %ne3A_1393 : i1
        %sub3A_1395 = arith.constant 1 : i32
        %sub3A_1396 = arith.subi %div3A_1375, %sub3A_1395 : i32
        %select_n3A_1397 = arith.select %and3A_1394, %sub3A_1396, %div3A_1375 : i32
        %mul3A_1398 = arith.constant 16 : i32
        %mul3A_1399 = arith.muli %add3A_1372, %mul3A_1398 : i32
        %get3A_1400 = arith.index_cast %mul3A_1399 : i32 to index
        %get3A_1401 = tpu.vector_load %arg6[%get3A_1400] {strides = array<i32>} : memref<12800xi32, #tpu.memory_space<vmem>>, vector<16xi32>,
        %get3A_1402 = vector.shape_cast %get3A_1401 : vector<16xi32> to vector<16xi32>
        %mul3A_1403 = arith.constant 16 : i32
        %mul3A_1404 = arith.muli %select_n3A_1397, %mul3A_1403 : i32
        %get3A_1405 = arith.index_cast %mul3A_1404 : i32 to index
        %get3A_1406 = tpu.vector_load %arg7[%get3A_1405] {strides = array<i32>} : memref<1600xi32, #tpu.memory_space<vmem>>, vector<16xi32>,
        %get3A_1407 = vector.shape_cast %get3A_1406 : vector<16xi32> to vector<16xi32>
        %add3A_1408 = arith.addi %get3A_1402, %get3A_1407 : vector<16xi32>
        %swap3A_1409 = arith.index_cast %mul3A_1399 : i32 to index
        %swap3A_1410 = tpu.vector_load %arg6[%swap3A_1409] {strides = array<i32>} : memref<12800xi32, #tpu.memory_space<vmem>>, vector<16xi32>,
        %swap3A_1411 = vector.shape_cast %swap3A_1410 : vector<16xi32> to vector<16xi32>
        %swap3A_1412 = vector.shape_cast %add3A_1408 : vector<16xi32> to vector<16xi32>
        tpu.vector_store %arg6[%swap3A_1409], %swap3A_1412 {strides = array<i32>} : memref<12800xi32, #tpu.memory_space<vmem>>, vector<16xi32>,
        %mul3A_1413 = arith.constant 8 : i32
        %mul3A_1414 = arith.muli %add3A_1051, %mul3A_1413 : i32
        %add3A_1415 = arith.constant 6 : i32
        %add3A_1416 = arith.addi %mul3A_1414, %add3A_1415 : i32
        %add3A_1417 = arith.addi %mul3A_4, %add3A_1416 : i32
        %jit3A_1418 = arith.constant 256 : i32
        %div3A_1419 = arith.divsi %add3A_1417, %jit3A_1418 : i32
        %sign3A_1420 = arith.constant 0 : i32
        %sign3A_1421 = arith.cmpi sgt, %add3A_1417, %sign3A_1420 : i32
        %sign3A_1422 = arith.extui %sign3A_1421 : i1 to i32
        %sign3A_1423 = arith.constant 0 : i32
        %sign3A_1424 = arith.cmpi slt, %add3A_1417, %sign3A_1423 : i32
        %sign3A_1425 = arith.extui %sign3A_1424 : i1 to i32
        %sign3A_1426 = arith.subi %sign3A_1422, %sign3A_1425 : i32
        %sign3A_1427 = arith.constant 0 : i32
        %sign3A_1428 = arith.cmpi sgt, %jit3A_1418, %sign3A_1427 : i32
        %sign3A_1429 = arith.extui %sign3A_1428 : i1 to i32
        %sign3A_1430 = arith.constant 0 : i32
        %sign3A_1431 = arith.cmpi slt, %jit3A_1418, %sign3A_1430 : i32
        %sign3A_1432 = arith.extui %sign3A_1431 : i1 to i32
        %sign3A_1433 = arith.subi %sign3A_1429, %sign3A_1432 : i32
        %ne3A_1434 = arith.cmpi ne, %sign3A_1426, %sign3A_1433 : i32
        %rem3A_1435 = arith.remsi %add3A_1417, %jit3A_1418 : i32
        %ne3A_1436 = arith.constant 0 : i32
        %ne3A_1437 = arith.cmpi ne, %rem3A_1435, %ne3A_1436 : i32
        %and3A_1438 = arith.andi %ne3A_1434, %ne3A_1437 : i1
        %sub3A_1439 = arith.constant 1 : i32
        %sub3A_1440 = arith.subi %div3A_1419, %sub3A_1439 : i32
        %select_n3A_1441 = arith.select %and3A_1438, %sub3A_1440, %div3A_1419 : i32
        %mul3A_1442 = arith.constant 16 : i32
        %mul3A_1443 = arith.muli %add3A_1416, %mul3A_1442 : i32
        %get3A_1444 = arith.index_cast %mul3A_1443 : i32 to index
        %get3A_1445 = tpu.vector_load %arg6[%get3A_1444] {strides = array<i32>} : memref<12800xi32, #tpu.memory_space<vmem>>, vector<16xi32>,
        %get3A_1446 = vector.shape_cast %get3A_1445 : vector<16xi32> to vector<16xi32>
        %mul3A_1447 = arith.constant 16 : i32
        %mul3A_1448 = arith.muli %select_n3A_1441, %mul3A_1447 : i32
        %get3A_1449 = arith.index_cast %mul3A_1448 : i32 to index
        %get3A_1450 = tpu.vector_load %arg7[%get3A_1449] {strides = array<i32>} : memref<1600xi32, #tpu.memory_space<vmem>>, vector<16xi32>,
        %get3A_1451 = vector.shape_cast %get3A_1450 : vector<16xi32> to vector<16xi32>
        %add3A_1452 = arith.addi %get3A_1446, %get3A_1451 : vector<16xi32>
        %swap3A_1453 = arith.index_cast %mul3A_1443 : i32 to index
        %swap3A_1454 = tpu.vector_load %arg6[%swap3A_1453] {strides = array<i32>} : memref<12800xi32, #tpu.memory_space<vmem>>, vector<16xi32>,
        %swap3A_1455 = vector.shape_cast %swap3A_1454 : vector<16xi32> to vector<16xi32>
        %swap3A_1456 = vector.shape_cast %add3A_1452 : vector<16xi32> to vector<16xi32>
        tpu.vector_store %arg6[%swap3A_1453], %swap3A_1456 {strides = array<i32>} : memref<12800xi32, #tpu.memory_space<vmem>>, vector<16xi32>,
        %mul3A_1457 = arith.constant 8 : i32
        %mul3A_1458 = arith.muli %add3A_1051, %mul3A_1457 : i32
        %add3A_1459 = arith.constant 7 : i32
        %add3A_1460 = arith.addi %mul3A_1458, %add3A_1459 : i32
        %add3A_1461 = arith.addi %mul3A_4, %add3A_1460 : i32
        %jit3A_1462 = arith.constant 256 : i32
        %div3A_1463 = arith.divsi %add3A_1461, %jit3A_1462 : i32
        %sign3A_1464 = arith.constant 0 : i32
        %sign3A_1465 = arith.cmpi sgt, %add3A_1461, %sign3A_1464 : i32
        %sign3A_1466 = arith.extui %sign3A_1465 : i1 to i32
        %sign3A_1467 = arith.constant 0 : i32
        %sign3A_1468 = arith.cmpi slt, %add3A_1461, %sign3A_1467 : i32
        %sign3A_1469 = arith.extui %sign3A_1468 : i1 to i32
        %sign3A_1470 = arith.subi %sign3A_1466, %sign3A_1469 : i32
        %sign3A_1471 = arith.constant 0 : i32
        %sign3A_1472 = arith.cmpi sgt, %jit3A_1462, %sign3A_1471 : i32
        %sign3A_1473 = arith.extui %sign3A_1472 : i1 to i32
        %sign3A_1474 = arith.constant 0 : i32
        %sign3A_1475 = arith.cmpi slt, %jit3A_1462, %sign3A_1474 : i32
        %sign3A_1476 = arith.extui %sign3A_1475 : i1 to i32
        %sign3A_1477 = arith.subi %sign3A_1473, %sign3A_1476 : i32
        %ne3A_1478 = arith.cmpi ne, %sign3A_1470, %sign3A_1477 : i32
        %rem3A_1479 = arith.remsi %add3A_1461, %jit3A_1462 : i32
        %ne3A_1480 = arith.constant 0 : i32
        %ne3A_1481 = arith.cmpi ne, %rem3A_1479, %ne3A_1480 : i32
        %and3A_1482 = arith.andi %ne3A_1478, %ne3A_1481 : i1
        %sub3A_1483 = arith.constant 1 : i32
        %sub3A_1484 = arith.subi %div3A_1463, %sub3A_1483 : i32
        %select_n3A_1485 = arith.select %and3A_1482, %sub3A_1484, %div3A_1463 : i32
        %mul3A_1486 = arith.constant 16 : i32
        %mul3A_1487 = arith.muli %add3A_1460, %mul3A_1486 : i32
        %get3A_1488 = arith.index_cast %mul3A_1487 : i32 to index
        %get3A_1489 = tpu.vector_load %arg6[%get3A_1488] {strides = array<i32>} : memref<12800xi32, #tpu.memory_space<vmem>>, vector<16xi32>,
        %get3A_1490 = vector.shape_cast %get3A_1489 : vector<16xi32> to vector<16xi32>
        %mul3A_1491 = arith.constant 16 : i32
        %mul3A_1492 = arith.muli %select_n3A_1485, %mul3A_1491 : i32
        %get3A_1493 = arith.index_cast %mul3A_1492 : i32 to index
        %get3A_1494 = tpu.vector_load %arg7[%get3A_1493] {strides = array<i32>} : memref<1600xi32, #tpu.memory_space<vmem>>, vector<16xi32>,
        %get3A_1495 = vector.shape_cast %get3A_1494 : vector<16xi32> to vector<16xi32>
        %add3A_1496 = arith.addi %get3A_1490, %get3A_1495 : vector<16xi32>
        %swap3A_1497 = arith.index_cast %mul3A_1487 : i32 to index
        %swap3A_1498 = tpu.vector_load %arg6[%swap3A_1497] {strides = array<i32>} : memref<12800xi32, #tpu.memory_space<vmem>>, vector<16xi32>,
        %swap3A_1499 = vector.shape_cast %swap3A_1498 : vector<16xi32> to vector<16xi32>
        %swap3A_1500 = vector.shape_cast %add3A_1496 : vector<16xi32> to vector<16xi32>
        tpu.vector_store %arg6[%swap3A_1497], %swap3A_1500 {strides = array<i32>} : memref<12800xi32, #tpu.memory_space<vmem>>, vector<16xi32>,
        %mul3A_1501 = arith.constant 128 : i32
        %mul3A_1502 = arith.muli %add3A_1051, %mul3A_1501 : i32
        %dma_start3A_1503 = tpu.memref_slice %arg6[%mul3A_1502] : memref<12800xi32, #tpu.memory_space<vmem>> -> memref<128xi32, #tpu.memory_space<vmem>>
        %dma_start3A_1504 = arith.constant 0 : i32
        %dma_start3A_1505 = arith.constant 0 : i32
        %dma_start3A_1506 = tpu.memref_slice %arg3[%dma_start3A_1504, %dma_start3A_1505] : memref<100000x128xf32, #tpu.memory_space<hbm>> -> memref<100000x128xf32, #tpu.memory_space<hbm>>
        tpu.enqueue_indirect_dma source(%dma_start3A_1506 : memref<100000x128xf32, #tpu.memory_space<hbm>>) target(%arg8 : memref<128x128xf32, #tpu.memory_space<vmem>>) offsets(%dma_start3A_1503 : memref<128xi32, #tpu.memory_space<vmem>>) semaphore(%arg13 : memref<!tpu.dma_semaphore, #tpu.memory_space<semaphore_mem>>)
      } else {
      }
      %mul3A_1067 = arith.constant 128 : i32
      %mul3A_1068 = arith.muli %add3A_1049, %mul3A_1067 : i32
      %dma_wait3A_1069 = tpu.memref_slice %arg6[%mul3A_1068] : memref<12800xi32, #tpu.memory_space<vmem>> -> memref<128xi32, #tpu.memory_space<vmem>>
      %dma_wait3A_1070 = arith.constant 0 : i32
      %dma_wait3A_1071 = arith.constant 0 : i32
      %dma_wait3A_1072 = tpu.memref_slice %arg3[%dma_wait3A_1070, %dma_wait3A_1071] : memref<100000x128xf32, #tpu.memory_space<hbm>> -> memref<100000x128xf32, #tpu.memory_space<hbm>>
      tpu.wait_indirect_dma semaphore(%arg15 : memref<!tpu.dma_semaphore, #tpu.memory_space<semaphore_mem>>) src(%dma_wait3A_1072 : memref<100000x128xf32, #tpu.memory_space<hbm>>) dst(%arg10 : memref<128x128xf32, #tpu.memory_space<vmem>>)
      %mul3A_1073 = arith.constant 128 : i32
      %mul3A_1074 = arith.muli %add3A_1049, %mul3A_1073 : i32
      %add3A_1075 = arith.addi %mul3A_2, %mul3A_1074 : i32
      %dma_start3A_1076 = arith.constant 0 : i32
      %dma_start3A_1077 = tpu.memref_slice %arg5[%add3A_1075, %dma_start3A_1076] : memref<409600x128xf32, #tpu.memory_space<hbm>> -> memref<128x128xf32, #tpu.memory_space<hbm>>
      %dma_start3A_1078 = arith.constant 0 : i32
      %dma_start3A_1079 = tpu.memref_slice %arg5[%add3A_1075, %dma_start3A_1078] : memref<409600x128xf32, #tpu.memory_space<hbm>> -> memref<128x128xf32, #tpu.memory_space<hbm>>
      tpu.enqueue_dma source(%arg10 : memref<128x128xf32, #tpu.memory_space<vmem>>) target(%dma_start3A_1079 : memref<128x128xf32, #tpu.memory_space<hbm>>) target_semaphore(%arg20 : memref<!tpu.dma_semaphore, #tpu.memory_space<semaphore_mem>>)
      %mul3A_1080 = arith.constant 5 : i32
      %mul3A_1081 = arith.muli %scan3A_980, %mul3A_1080 : i32
      %add3A_1082 = arith.constant 3 : i32
      %add3A_1083 = arith.addi %mul3A_1081, %add3A_1082 : i32
      %add3A_1084 = arith.constant 3 : i32
      %add3A_1085 = arith.addi %add3A_1083, %add3A_1084 : i32
      %sub3A_1086 = arith.constant 5 : i32
      %sub3A_1087 = arith.subi %add3A_1085, %sub3A_1086 : i32
      %lt3A_1088 = arith.constant 100 : i32
      %lt3A_1089 = arith.cmpi slt, %add3A_1085, %lt3A_1088 : i32
      %ge3A_1090 = arith.constant 0 : i32
      %ge3A_1091 = arith.cmpi sge, %sub3A_1087, %ge3A_1090 : i32
      %and3A_1092 = arith.andi %lt3A_1089, %ge3A_1091 : i1
      %convert_element_type3A_1093 = arith.extui %and3A_1092 : i1 to i32
      %cond3A_1094 = arith.constant 0 : i32
      %cond3A_1095 = arith.cmpi ne, %convert_element_type3A_1093, %cond3A_1094 : i32
      scf.if %cond3A_1095 {
        %mul3A_1149 = arith.constant 128 : i32
        %mul3A_1150 = arith.muli %sub3A_1087, %mul3A_1149 : i32
        %add3A_1151 = arith.addi %mul3A_2, %mul3A_1150 : i32
        %dma_wait3A_1152 = arith.constant 0 : i32
        %dma_wait3A_1153 = tpu.memref_slice %arg5[%add3A_1151, %dma_wait3A_1152] : memref<409600x128xf32, #tpu.memory_space<hbm>> -> memref<128x128xf32, #tpu.memory_space<hbm>>
        %dma_wait3A_1154 = arith.constant 0 : i32
        %dma_wait3A_1155 = tpu.memref_slice %arg5[%add3A_1151, %dma_wait3A_1154] : memref<409600x128xf32, #tpu.memory_space<hbm>> -> memref<128x128xf32, #tpu.memory_space<hbm>>
        tpu.wait_dma2 semaphore(%arg19 : memref<!tpu.dma_semaphore, #tpu.memory_space<semaphore_mem>>) src(%arg9 : memref<128x128xf32, #tpu.memory_space<vmem>>) dst(%dma_wait3A_1155 : memref<128x128xf32, #tpu.memory_space<hbm>>)
      } else {
      }
      %lt3A_1096 = arith.constant 100 : i32
      %lt3A_1097 = arith.cmpi slt, %add3A_1085, %lt3A_1096 : i32
      %convert_element_type3A_1098 = arith.extui %lt3A_1097 : i1 to i32
      %cond3A_1099 = arith.constant 0 : i32
      %cond3A_1100 = arith.cmpi ne, %convert_element_type3A_1098, %cond3A_1099 : i32
      scf.if %cond3A_1100 {
        %mul3A_1149 = arith.constant 8 : i32
        %mul3A_1150 = arith.muli %add3A_1085, %mul3A_1149 : i32
        %add3A_1151 = arith.constant 0 : i32
        %add3A_1152 = arith.addi %mul3A_1150, %add3A_1151 : i32
        %add3A_1153 = arith.addi %mul3A_4, %add3A_1152 : i32
        %jit3A_1154 = arith.constant 256 : i32
        %div3A_1155 = arith.divsi %add3A_1153, %jit3A_1154 : i32
        %sign3A_1156 = arith.constant 0 : i32
        %sign3A_1157 = arith.cmpi sgt, %add3A_1153, %sign3A_1156 : i32
        %sign3A_1158 = arith.extui %sign3A_1157 : i1 to i32
        %sign3A_1159 = arith.constant 0 : i32
        %sign3A_1160 = arith.cmpi slt, %add3A_1153, %sign3A_1159 : i32
        %sign3A_1161 = arith.extui %sign3A_1160 : i1 to i32
        %sign3A_1162 = arith.subi %sign3A_1158, %sign3A_1161 : i32
        %sign3A_1163 = arith.constant 0 : i32
        %sign3A_1164 = arith.cmpi sgt, %jit3A_1154, %sign3A_1163 : i32
        %sign3A_1165 = arith.extui %sign3A_1164 : i1 to i32
        %sign3A_1166 = arith.constant 0 : i32
        %sign3A_1167 = arith.cmpi slt, %jit3A_1154, %sign3A_1166 : i32
        %sign3A_1168 = arith.extui %sign3A_1167 : i1 to i32
        %sign3A_1169 = arith.subi %sign3A_1165, %sign3A_1168 : i32
        %ne3A_1170 = arith.cmpi ne, %sign3A_1162, %sign3A_1169 : i32
        %rem3A_1171 = arith.remsi %add3A_1153, %jit3A_1154 : i32
        %ne3A_1172 = arith.constant 0 : i32
        %ne3A_1173 = arith.cmpi ne, %rem3A_1171, %ne3A_1172 : i32
        %and3A_1174 = arith.andi %ne3A_1170, %ne3A_1173 : i1
        %sub3A_1175 = arith.constant 1 : i32
        %sub3A_1176 = arith.subi %div3A_1155, %sub3A_1175 : i32
        %select_n3A_1177 = arith.select %and3A_1174, %sub3A_1176, %div3A_1155 : i32
        %mul3A_1178 = arith.constant 16 : i32
        %mul3A_1179 = arith.muli %add3A_1152, %mul3A_1178 : i32
        %get3A_1180 = arith.index_cast %mul3A_1179 : i32 to index
        %get3A_1181 = tpu.vector_load %arg6[%get3A_1180] {strides = array<i32>} : memref<12800xi32, #tpu.memory_space<vmem>>, vector<16xi32>,
        %get3A_1182 = vector.shape_cast %get3A_1181 : vector<16xi32> to vector<16xi32>
        %mul3A_1183 = arith.constant 16 : i32
        %mul3A_1184 = arith.muli %select_n3A_1177, %mul3A_1183 : i32
        %get3A_1185 = arith.index_cast %mul3A_1184 : i32 to index
        %get3A_1186 = tpu.vector_load %arg7[%get3A_1185] {strides = array<i32>} : memref<1600xi32, #tpu.memory_space<vmem>>, vector<16xi32>,
        %get3A_1187 = vector.shape_cast %get3A_1186 : vector<16xi32> to vector<16xi32>
        %add3A_1188 = arith.addi %get3A_1182, %get3A_1187 : vector<16xi32>
        %swap3A_1189 = arith.index_cast %mul3A_1179 : i32 to index
        %swap3A_1190 = tpu.vector_load %arg6[%swap3A_1189] {strides = array<i32>} : memref<12800xi32, #tpu.memory_space<vmem>>, vector<16xi32>,
        %swap3A_1191 = vector.shape_cast %swap3A_1190 : vector<16xi32> to vector<16xi32>
        %swap3A_1192 = vector.shape_cast %add3A_1188 : vector<16xi32> to vector<16xi32>
        tpu.vector_store %arg6[%swap3A_1189], %swap3A_1192 {strides = array<i32>} : memref<12800xi32, #tpu.memory_space<vmem>>, vector<16xi32>,
        %mul3A_1193 = arith.constant 8 : i32
        %mul3A_1194 = arith.muli %add3A_1085, %mul3A_1193 : i32
        %add3A_1195 = arith.constant 1 : i32
        %add3A_1196 = arith.addi %mul3A_1194, %add3A_1195 : i32
        %add3A_1197 = arith.addi %mul3A_4, %add3A_1196 : i32
        %jit3A_1198 = arith.constant 256 : i32
        %div3A_1199 = arith.divsi %add3A_1197, %jit3A_1198 : i32
        %sign3A_1200 = arith.constant 0 : i32
        %sign3A_1201 = arith.cmpi sgt, %add3A_1197, %sign3A_1200 : i32
        %sign3A_1202 = arith.extui %sign3A_1201 : i1 to i32
        %sign3A_1203 = arith.constant 0 : i32
        %sign3A_1204 = arith.cmpi slt, %add3A_1197, %sign3A_1203 : i32
        %sign3A_1205 = arith.extui %sign3A_1204 : i1 to i32
        %sign3A_1206 = arith.subi %sign3A_1202, %sign3A_1205 : i32
        %sign3A_1207 = arith.constant 0 : i32
        %sign3A_1208 = arith.cmpi sgt, %jit3A_1198, %sign3A_1207 : i32
        %sign3A_1209 = arith.extui %sign3A_1208 : i1 to i32
        %sign3A_1210 = arith.constant 0 : i32
        %sign3A_1211 = arith.cmpi slt, %jit3A_1198, %sign3A_1210 : i32
        %sign3A_1212 = arith.extui %sign3A_1211 : i1 to i32
        %sign3A_1213 = arith.subi %sign3A_1209, %sign3A_1212 : i32
        %ne3A_1214 = arith.cmpi ne, %sign3A_1206, %sign3A_1213 : i32
        %rem3A_1215 = arith.remsi %add3A_1197, %jit3A_1198 : i32
        %ne3A_1216 = arith.constant 0 : i32
        %ne3A_1217 = arith.cmpi ne, %rem3A_1215, %ne3A_1216 : i32
        %and3A_1218 = arith.andi %ne3A_1214, %ne3A_1217 : i1
        %sub3A_1219 = arith.constant 1 : i32
        %sub3A_1220 = arith.subi %div3A_1199, %sub3A_1219 : i32
        %select_n3A_1221 = arith.select %and3A_1218, %sub3A_1220, %div3A_1199 : i32
        %mul3A_1222 = arith.constant 16 : i32
        %mul3A_1223 = arith.muli %add3A_1196, %mul3A_1222 : i32
        %get3A_1224 = arith.index_cast %mul3A_1223 : i32 to index
        %get3A_1225 = tpu.vector_load %arg6[%get3A_1224] {strides = array<i32>} : memref<12800xi32, #tpu.memory_space<vmem>>, vector<16xi32>,
        %get3A_1226 = vector.shape_cast %get3A_1225 : vector<16xi32> to vector<16xi32>
        %mul3A_1227 = arith.constant 16 : i32
        %mul3A_1228 = arith.muli %select_n3A_1221, %mul3A_1227 : i32
        %get3A_1229 = arith.index_cast %mul3A_1228 : i32 to index
        %get3A_1230 = tpu.vector_load %arg7[%get3A_1229] {strides = array<i32>} : memref<1600xi32, #tpu.memory_space<vmem>>, vector<16xi32>,
        %get3A_1231 = vector.shape_cast %get3A_1230 : vector<16xi32> to vector<16xi32>
        %add3A_1232 = arith.addi %get3A_1226, %get3A_1231 : vector<16xi32>
        %swap3A_1233 = arith.index_cast %mul3A_1223 : i32 to index
        %swap3A_1234 = tpu.vector_load %arg6[%swap3A_1233] {strides = array<i32>} : memref<12800xi32, #tpu.memory_space<vmem>>, vector<16xi32>,
        %swap3A_1235 = vector.shape_cast %swap3A_1234 : vector<16xi32> to vector<16xi32>
        %swap3A_1236 = vector.shape_cast %add3A_1232 : vector<16xi32> to vector<16xi32>
        tpu.vector_store %arg6[%swap3A_1233], %swap3A_1236 {strides = array<i32>} : memref<12800xi32, #tpu.memory_space<vmem>>, vector<16xi32>,
        %mul3A_1237 = arith.constant 8 : i32
        %mul3A_1238 = arith.muli %add3A_1085, %mul3A_1237 : i32
        %add3A_1239 = arith.constant 2 : i32
        %add3A_1240 = arith.addi %mul3A_1238, %add3A_1239 : i32
        %add3A_1241 = arith.addi %mul3A_4, %add3A_1240 : i32
        %jit3A_1242 = arith.constant 256 : i32
        %div3A_1243 = arith.divsi %add3A_1241, %jit3A_1242 : i32
        %sign3A_1244 = arith.constant 0 : i32
        %sign3A_1245 = arith.cmpi sgt, %add3A_1241, %sign3A_1244 : i32
        %sign3A_1246 = arith.extui %sign3A_1245 : i1 to i32
        %sign3A_1247 = arith.constant 0 : i32
        %sign3A_1248 = arith.cmpi slt, %add3A_1241, %sign3A_1247 : i32
        %sign3A_1249 = arith.extui %sign3A_1248 : i1 to i32
        %sign3A_1250 = arith.subi %sign3A_1246, %sign3A_1249 : i32
        %sign3A_1251 = arith.constant 0 : i32
        %sign3A_1252 = arith.cmpi sgt, %jit3A_1242, %sign3A_1251 : i32
        %sign3A_1253 = arith.extui %sign3A_1252 : i1 to i32
        %sign3A_1254 = arith.constant 0 : i32
        %sign3A_1255 = arith.cmpi slt, %jit3A_1242, %sign3A_1254 : i32
        %sign3A_1256 = arith.extui %sign3A_1255 : i1 to i32
        %sign3A_1257 = arith.subi %sign3A_1253, %sign3A_1256 : i32
        %ne3A_1258 = arith.cmpi ne, %sign3A_1250, %sign3A_1257 : i32
        %rem3A_1259 = arith.remsi %add3A_1241, %jit3A_1242 : i32
        %ne3A_1260 = arith.constant 0 : i32
        %ne3A_1261 = arith.cmpi ne, %rem3A_1259, %ne3A_1260 : i32
        %and3A_1262 = arith.andi %ne3A_1258, %ne3A_1261 : i1
        %sub3A_1263 = arith.constant 1 : i32
        %sub3A_1264 = arith.subi %div3A_1243, %sub3A_1263 : i32
        %select_n3A_1265 = arith.select %and3A_1262, %sub3A_1264, %div3A_1243 : i32
        %mul3A_1266 = arith.constant 16 : i32
        %mul3A_1267 = arith.muli %add3A_1240, %mul3A_1266 : i32
        %get3A_1268 = arith.index_cast %mul3A_1267 : i32 to index
        %get3A_1269 = tpu.vector_load %arg6[%get3A_1268] {strides = array<i32>} : memref<12800xi32, #tpu.memory_space<vmem>>, vector<16xi32>,
        %get3A_1270 = vector.shape_cast %get3A_1269 : vector<16xi32> to vector<16xi32>
        %mul3A_1271 = arith.constant 16 : i32
        %mul3A_1272 = arith.muli %select_n3A_1265, %mul3A_1271 : i32
        %get3A_1273 = arith.index_cast %mul3A_1272 : i32 to index
        %get3A_1274 = tpu.vector_load %arg7[%get3A_1273] {strides = array<i32>} : memref<1600xi32, #tpu.memory_space<vmem>>, vector<16xi32>,
        %get3A_1275 = vector.shape_cast %get3A_1274 : vector<16xi32> to vector<16xi32>
        %add3A_1276 = arith.addi %get3A_1270, %get3A_1275 : vector<16xi32>
        %swap3A_1277 = arith.index_cast %mul3A_1267 : i32 to index
        %swap3A_1278 = tpu.vector_load %arg6[%swap3A_1277] {strides = array<i32>} : memref<12800xi32, #tpu.memory_space<vmem>>, vector<16xi32>,
        %swap3A_1279 = vector.shape_cast %swap3A_1278 : vector<16xi32> to vector<16xi32>
        %swap3A_1280 = vector.shape_cast %add3A_1276 : vector<16xi32> to vector<16xi32>
        tpu.vector_store %arg6[%swap3A_1277], %swap3A_1280 {strides = array<i32>} : memref<12800xi32, #tpu.memory_space<vmem>>, vector<16xi32>,
        %mul3A_1281 = arith.constant 8 : i32
        %mul3A_1282 = arith.muli %add3A_1085, %mul3A_1281 : i32
        %add3A_1283 = arith.constant 3 : i32
        %add3A_1284 = arith.addi %mul3A_1282, %add3A_1283 : i32
        %add3A_1285 = arith.addi %mul3A_4, %add3A_1284 : i32
        %jit3A_1286 = arith.constant 256 : i32
        %div3A_1287 = arith.divsi %add3A_1285, %jit3A_1286 : i32
        %sign3A_1288 = arith.constant 0 : i32
        %sign3A_1289 = arith.cmpi sgt, %add3A_1285, %sign3A_1288 : i32
        %sign3A_1290 = arith.extui %sign3A_1289 : i1 to i32
        %sign3A_1291 = arith.constant 0 : i32
        %sign3A_1292 = arith.cmpi slt, %add3A_1285, %sign3A_1291 : i32
        %sign3A_1293 = arith.extui %sign3A_1292 : i1 to i32
        %sign3A_1294 = arith.subi %sign3A_1290, %sign3A_1293 : i32
        %sign3A_1295 = arith.constant 0 : i32
        %sign3A_1296 = arith.cmpi sgt, %jit3A_1286, %sign3A_1295 : i32
        %sign3A_1297 = arith.extui %sign3A_1296 : i1 to i32
        %sign3A_1298 = arith.constant 0 : i32
        %sign3A_1299 = arith.cmpi slt, %jit3A_1286, %sign3A_1298 : i32
        %sign3A_1300 = arith.extui %sign3A_1299 : i1 to i32
        %sign3A_1301 = arith.subi %sign3A_1297, %sign3A_1300 : i32
        %ne3A_1302 = arith.cmpi ne, %sign3A_1294, %sign3A_1301 : i32
        %rem3A_1303 = arith.remsi %add3A_1285, %jit3A_1286 : i32
        %ne3A_1304 = arith.constant 0 : i32
        %ne3A_1305 = arith.cmpi ne, %rem3A_1303, %ne3A_1304 : i32
        %and3A_1306 = arith.andi %ne3A_1302, %ne3A_1305 : i1
        %sub3A_1307 = arith.constant 1 : i32
        %sub3A_1308 = arith.subi %div3A_1287, %sub3A_1307 : i32
        %select_n3A_1309 = arith.select %and3A_1306, %sub3A_1308, %div3A_1287 : i32
        %mul3A_1310 = arith.constant 16 : i32
        %mul3A_1311 = arith.muli %add3A_1284, %mul3A_1310 : i32
        %get3A_1312 = arith.index_cast %mul3A_1311 : i32 to index
        %get3A_1313 = tpu.vector_load %arg6[%get3A_1312] {strides = array<i32>} : memref<12800xi32, #tpu.memory_space<vmem>>, vector<16xi32>,
        %get3A_1314 = vector.shape_cast %get3A_1313 : vector<16xi32> to vector<16xi32>
        %mul3A_1315 = arith.constant 16 : i32
        %mul3A_1316 = arith.muli %select_n3A_1309, %mul3A_1315 : i32
        %get3A_1317 = arith.index_cast %mul3A_1316 : i32 to index
        %get3A_1318 = tpu.vector_load %arg7[%get3A_1317] {strides = array<i32>} : memref<1600xi32, #tpu.memory_space<vmem>>, vector<16xi32>,
        %get3A_1319 = vector.shape_cast %get3A_1318 : vector<16xi32> to vector<16xi32>
        %add3A_1320 = arith.addi %get3A_1314, %get3A_1319 : vector<16xi32>
        %swap3A_1321 = arith.index_cast %mul3A_1311 : i32 to index
        %swap3A_1322 = tpu.vector_load %arg6[%swap3A_1321] {strides = array<i32>} : memref<12800xi32, #tpu.memory_space<vmem>>, vector<16xi32>,
        %swap3A_1323 = vector.shape_cast %swap3A_1322 : vector<16xi32> to vector<16xi32>
        %swap3A_1324 = vector.shape_cast %add3A_1320 : vector<16xi32> to vector<16xi32>
        tpu.vector_store %arg6[%swap3A_1321], %swap3A_1324 {strides = array<i32>} : memref<12800xi32, #tpu.memory_space<vmem>>, vector<16xi32>,
        %mul3A_1325 = arith.constant 8 : i32
        %mul3A_1326 = arith.muli %add3A_1085, %mul3A_1325 : i32
        %add3A_1327 = arith.constant 4 : i32
        %add3A_1328 = arith.addi %mul3A_1326, %add3A_1327 : i32
        %add3A_1329 = arith.addi %mul3A_4, %add3A_1328 : i32
        %jit3A_1330 = arith.constant 256 : i32
        %div3A_1331 = arith.divsi %add3A_1329, %jit3A_1330 : i32
        %sign3A_1332 = arith.constant 0 : i32
        %sign3A_1333 = arith.cmpi sgt, %add3A_1329, %sign3A_1332 : i32
        %sign3A_1334 = arith.extui %sign3A_1333 : i1 to i32
        %sign3A_1335 = arith.constant 0 : i32
        %sign3A_1336 = arith.cmpi slt, %add3A_1329, %sign3A_1335 : i32
        %sign3A_1337 = arith.extui %sign3A_1336 : i1 to i32
        %sign3A_1338 = arith.subi %sign3A_1334, %sign3A_1337 : i32
        %sign3A_1339 = arith.constant 0 : i32
        %sign3A_1340 = arith.cmpi sgt, %jit3A_1330, %sign3A_1339 : i32
        %sign3A_1341 = arith.extui %sign3A_1340 : i1 to i32
        %sign3A_1342 = arith.constant 0 : i32
        %sign3A_1343 = arith.cmpi slt, %jit3A_1330, %sign3A_1342 : i32
        %sign3A_1344 = arith.extui %sign3A_1343 : i1 to i32
        %sign3A_1345 = arith.subi %sign3A_1341, %sign3A_1344 : i32
        %ne3A_1346 = arith.cmpi ne, %sign3A_1338, %sign3A_1345 : i32
        %rem3A_1347 = arith.remsi %add3A_1329, %jit3A_1330 : i32
        %ne3A_1348 = arith.constant 0 : i32
        %ne3A_1349 = arith.cmpi ne, %rem3A_1347, %ne3A_1348 : i32
        %and3A_1350 = arith.andi %ne3A_1346, %ne3A_1349 : i1
        %sub3A_1351 = arith.constant 1 : i32
        %sub3A_1352 = arith.subi %div3A_1331, %sub3A_1351 : i32
        %select_n3A_1353 = arith.select %and3A_1350, %sub3A_1352, %div3A_1331 : i32
        %mul3A_1354 = arith.constant 16 : i32
        %mul3A_1355 = arith.muli %add3A_1328, %mul3A_1354 : i32
        %get3A_1356 = arith.index_cast %mul3A_1355 : i32 to index
        %get3A_1357 = tpu.vector_load %arg6[%get3A_1356] {strides = array<i32>} : memref<12800xi32, #tpu.memory_space<vmem>>, vector<16xi32>,
        %get3A_1358 = vector.shape_cast %get3A_1357 : vector<16xi32> to vector<16xi32>
        %mul3A_1359 = arith.constant 16 : i32
        %mul3A_1360 = arith.muli %select_n3A_1353, %mul3A_1359 : i32
        %get3A_1361 = arith.index_cast %mul3A_1360 : i32 to index
        %get3A_1362 = tpu.vector_load %arg7[%get3A_1361] {strides = array<i32>} : memref<1600xi32, #tpu.memory_space<vmem>>, vector<16xi32>,
        %get3A_1363 = vector.shape_cast %get3A_1362 : vector<16xi32> to vector<16xi32>
        %add3A_1364 = arith.addi %get3A_1358, %get3A_1363 : vector<16xi32>
        %swap3A_1365 = arith.index_cast %mul3A_1355 : i32 to index
        %swap3A_1366 = tpu.vector_load %arg6[%swap3A_1365] {strides = array<i32>} : memref<12800xi32, #tpu.memory_space<vmem>>, vector<16xi32>,
        %swap3A_1367 = vector.shape_cast %swap3A_1366 : vector<16xi32> to vector<16xi32>
        %swap3A_1368 = vector.shape_cast %add3A_1364 : vector<16xi32> to vector<16xi32>
        tpu.vector_store %arg6[%swap3A_1365], %swap3A_1368 {strides = array<i32>} : memref<12800xi32, #tpu.memory_space<vmem>>, vector<16xi32>,
        %mul3A_1369 = arith.constant 8 : i32
        %mul3A_1370 = arith.muli %add3A_1085, %mul3A_1369 : i32
        %add3A_1371 = arith.constant 5 : i32
        %add3A_1372 = arith.addi %mul3A_1370, %add3A_1371 : i32
        %add3A_1373 = arith.addi %mul3A_4, %add3A_1372 : i32
        %jit3A_1374 = arith.constant 256 : i32
        %div3A_1375 = arith.divsi %add3A_1373, %jit3A_1374 : i32
        %sign3A_1376 = arith.constant 0 : i32
        %sign3A_1377 = arith.cmpi sgt, %add3A_1373, %sign3A_1376 : i32
        %sign3A_1378 = arith.extui %sign3A_1377 : i1 to i32
        %sign3A_1379 = arith.constant 0 : i32
        %sign3A_1380 = arith.cmpi slt, %add3A_1373, %sign3A_1379 : i32
        %sign3A_1381 = arith.extui %sign3A_1380 : i1 to i32
        %sign3A_1382 = arith.subi %sign3A_1378, %sign3A_1381 : i32
        %sign3A_1383 = arith.constant 0 : i32
        %sign3A_1384 = arith.cmpi sgt, %jit3A_1374, %sign3A_1383 : i32
        %sign3A_1385 = arith.extui %sign3A_1384 : i1 to i32
        %sign3A_1386 = arith.constant 0 : i32
        %sign3A_1387 = arith.cmpi slt, %jit3A_1374, %sign3A_1386 : i32
        %sign3A_1388 = arith.extui %sign3A_1387 : i1 to i32
        %sign3A_1389 = arith.subi %sign3A_1385, %sign3A_1388 : i32
        %ne3A_1390 = arith.cmpi ne, %sign3A_1382, %sign3A_1389 : i32
        %rem3A_1391 = arith.remsi %add3A_1373, %jit3A_1374 : i32
        %ne3A_1392 = arith.constant 0 : i32
        %ne3A_1393 = arith.cmpi ne, %rem3A_1391, %ne3A_1392 : i32
        %and3A_1394 = arith.andi %ne3A_1390, %ne3A_1393 : i1
        %sub3A_1395 = arith.constant 1 : i32
        %sub3A_1396 = arith.subi %div3A_1375, %sub3A_1395 : i32
        %select_n3A_1397 = arith.select %and3A_1394, %sub3A_1396, %div3A_1375 : i32
        %mul3A_1398 = arith.constant 16 : i32
        %mul3A_1399 = arith.muli %add3A_1372, %mul3A_1398 : i32
        %get3A_1400 = arith.index_cast %mul3A_1399 : i32 to index
        %get3A_1401 = tpu.vector_load %arg6[%get3A_1400] {strides = array<i32>} : memref<12800xi32, #tpu.memory_space<vmem>>, vector<16xi32>,
        %get3A_1402 = vector.shape_cast %get3A_1401 : vector<16xi32> to vector<16xi32>
        %mul3A_1403 = arith.constant 16 : i32
        %mul3A_1404 = arith.muli %select_n3A_1397, %mul3A_1403 : i32
        %get3A_1405 = arith.index_cast %mul3A_1404 : i32 to index
        %get3A_1406 = tpu.vector_load %arg7[%get3A_1405] {strides = array<i32>} : memref<1600xi32, #tpu.memory_space<vmem>>, vector<16xi32>,
        %get3A_1407 = vector.shape_cast %get3A_1406 : vector<16xi32> to vector<16xi32>
        %add3A_1408 = arith.addi %get3A_1402, %get3A_1407 : vector<16xi32>
        %swap3A_1409 = arith.index_cast %mul3A_1399 : i32 to index
        %swap3A_1410 = tpu.vector_load %arg6[%swap3A_1409] {strides = array<i32>} : memref<12800xi32, #tpu.memory_space<vmem>>, vector<16xi32>,
        %swap3A_1411 = vector.shape_cast %swap3A_1410 : vector<16xi32> to vector<16xi32>
        %swap3A_1412 = vector.shape_cast %add3A_1408 : vector<16xi32> to vector<16xi32>
        tpu.vector_store %arg6[%swap3A_1409], %swap3A_1412 {strides = array<i32>} : memref<12800xi32, #tpu.memory_space<vmem>>, vector<16xi32>,
        %mul3A_1413 = arith.constant 8 : i32
        %mul3A_1414 = arith.muli %add3A_1085, %mul3A_1413 : i32
        %add3A_1415 = arith.constant 6 : i32
        %add3A_1416 = arith.addi %mul3A_1414, %add3A_1415 : i32
        %add3A_1417 = arith.addi %mul3A_4, %add3A_1416 : i32
        %jit3A_1418 = arith.constant 256 : i32
        %div3A_1419 = arith.divsi %add3A_1417, %jit3A_1418 : i32
        %sign3A_1420 = arith.constant 0 : i32
        %sign3A_1421 = arith.cmpi sgt, %add3A_1417, %sign3A_1420 : i32
        %sign3A_1422 = arith.extui %sign3A_1421 : i1 to i32
        %sign3A_1423 = arith.constant 0 : i32
        %sign3A_1424 = arith.cmpi slt, %add3A_1417, %sign3A_1423 : i32
        %sign3A_1425 = arith.extui %sign3A_1424 : i1 to i32
        %sign3A_1426 = arith.subi %sign3A_1422, %sign3A_1425 : i32
        %sign3A_1427 = arith.constant 0 : i32
        %sign3A_1428 = arith.cmpi sgt, %jit3A_1418, %sign3A_1427 : i32
        %sign3A_1429 = arith.extui %sign3A_1428 : i1 to i32
        %sign3A_1430 = arith.constant 0 : i32
        %sign3A_1431 = arith.cmpi slt, %jit3A_1418, %sign3A_1430 : i32
        %sign3A_1432 = arith.extui %sign3A_1431 : i1 to i32
        %sign3A_1433 = arith.subi %sign3A_1429, %sign3A_1432 : i32
        %ne3A_1434 = arith.cmpi ne, %sign3A_1426, %sign3A_1433 : i32
        %rem3A_1435 = arith.remsi %add3A_1417, %jit3A_1418 : i32
        %ne3A_1436 = arith.constant 0 : i32
        %ne3A_1437 = arith.cmpi ne, %rem3A_1435, %ne3A_1436 : i32
        %and3A_1438 = arith.andi %ne3A_1434, %ne3A_1437 : i1
        %sub3A_1439 = arith.constant 1 : i32
        %sub3A_1440 = arith.subi %div3A_1419, %sub3A_1439 : i32
        %select_n3A_1441 = arith.select %and3A_1438, %sub3A_1440, %div3A_1419 : i32
        %mul3A_1442 = arith.constant 16 : i32
        %mul3A_1443 = arith.muli %add3A_1416, %mul3A_1442 : i32
        %get3A_1444 = arith.index_cast %mul3A_1443 : i32 to index
        %get3A_1445 = tpu.vector_load %arg6[%get3A_1444] {strides = array<i32>} : memref<12800xi32, #tpu.memory_space<vmem>>, vector<16xi32>,
        %get3A_1446 = vector.shape_cast %get3A_1445 : vector<16xi32> to vector<16xi32>
        %mul3A_1447 = arith.constant 16 : i32
        %mul3A_1448 = arith.muli %select_n3A_1441, %mul3A_1447 : i32
        %get3A_1449 = arith.index_cast %mul3A_1448 : i32 to index
        %get3A_1450 = tpu.vector_load %arg7[%get3A_1449] {strides = array<i32>} : memref<1600xi32, #tpu.memory_space<vmem>>, vector<16xi32>,
        %get3A_1451 = vector.shape_cast %get3A_1450 : vector<16xi32> to vector<16xi32>
        %add3A_1452 = arith.addi %get3A_1446, %get3A_1451 : vector<16xi32>
        %swap3A_1453 = arith.index_cast %mul3A_1443 : i32 to index
        %swap3A_1454 = tpu.vector_load %arg6[%swap3A_1453] {strides = array<i32>} : memref<12800xi32, #tpu.memory_space<vmem>>, vector<16xi32>,
        %swap3A_1455 = vector.shape_cast %swap3A_1454 : vector<16xi32> to vector<16xi32>
        %swap3A_1456 = vector.shape_cast %add3A_1452 : vector<16xi32> to vector<16xi32>
        tpu.vector_store %arg6[%swap3A_1453], %swap3A_1456 {strides = array<i32>} : memref<12800xi32, #tpu.memory_space<vmem>>, vector<16xi32>,
        %mul3A_1457 = arith.constant 8 : i32
        %mul3A_1458 = arith.muli %add3A_1085, %mul3A_1457 : i32
        %add3A_1459 = arith.constant 7 : i32
        %add3A_1460 = arith.addi %mul3A_1458, %add3A_1459 : i32
        %add3A_1461 = arith.addi %mul3A_4, %add3A_1460 : i32
        %jit3A_1462 = arith.constant 256 : i32
        %div3A_1463 = arith.divsi %add3A_1461, %jit3A_1462 : i32
        %sign3A_1464 = arith.constant 0 : i32
        %sign3A_1465 = arith.cmpi sgt, %add3A_1461, %sign3A_1464 : i32
        %sign3A_1466 = arith.extui %sign3A_1465 : i1 to i32
        %sign3A_1467 = arith.constant 0 : i32
        %sign3A_1468 = arith.cmpi slt, %add3A_1461, %sign3A_1467 : i32
        %sign3A_1469 = arith.extui %sign3A_1468 : i1 to i32
        %sign3A_1470 = arith.subi %sign3A_1466, %sign3A_1469 : i32
        %sign3A_1471 = arith.constant 0 : i32
        %sign3A_1472 = arith.cmpi sgt, %jit3A_1462, %sign3A_1471 : i32
        %sign3A_1473 = arith.extui %sign3A_1472 : i1 to i32
        %sign3A_1474 = arith.constant 0 : i32
        %sign3A_1475 = arith.cmpi slt, %jit3A_1462, %sign3A_1474 : i32
        %sign3A_1476 = arith.extui %sign3A_1475 : i1 to i32
        %sign3A_1477 = arith.subi %sign3A_1473, %sign3A_1476 : i32
        %ne3A_1478 = arith.cmpi ne, %sign3A_1470, %sign3A_1477 : i32
        %rem3A_1479 = arith.remsi %add3A_1461, %jit3A_1462 : i32
        %ne3A_1480 = arith.constant 0 : i32
        %ne3A_1481 = arith.cmpi ne, %rem3A_1479, %ne3A_1480 : i32
        %and3A_1482 = arith.andi %ne3A_1478, %ne3A_1481 : i1
        %sub3A_1483 = arith.constant 1 : i32
        %sub3A_1484 = arith.subi %div3A_1463, %sub3A_1483 : i32
        %select_n3A_1485 = arith.select %and3A_1482, %sub3A_1484, %div3A_1463 : i32
        %mul3A_1486 = arith.constant 16 : i32
        %mul3A_1487 = arith.muli %add3A_1460, %mul3A_1486 : i32
        %get3A_1488 = arith.index_cast %mul3A_1487 : i32 to index
        %get3A_1489 = tpu.vector_load %arg6[%get3A_1488] {strides = array<i32>} : memref<12800xi32, #tpu.memory_space<vmem>>, vector<16xi32>,
        %get3A_1490 = vector.shape_cast %get3A_1489 : vector<16xi32> to vector<16xi32>
        %mul3A_1491 = arith.constant 16 : i32
        %mul3A_1492 = arith.muli %select_n3A_1485, %mul3A_1491 : i32
        %get3A_1493 = arith.index_cast %mul3A_1492 : i32 to index
        %get3A_1494 = tpu.vector_load %arg7[%get3A_1493] {strides = array<i32>} : memref<1600xi32, #tpu.memory_space<vmem>>, vector<16xi32>,
        %get3A_1495 = vector.shape_cast %get3A_1494 : vector<16xi32> to vector<16xi32>
        %add3A_1496 = arith.addi %get3A_1490, %get3A_1495 : vector<16xi32>
        %swap3A_1497 = arith.index_cast %mul3A_1487 : i32 to index
        %swap3A_1498 = tpu.vector_load %arg6[%swap3A_1497] {strides = array<i32>} : memref<12800xi32, #tpu.memory_space<vmem>>, vector<16xi32>,
        %swap3A_1499 = vector.shape_cast %swap3A_1498 : vector<16xi32> to vector<16xi32>
        %swap3A_1500 = vector.shape_cast %add3A_1496 : vector<16xi32> to vector<16xi32>
        tpu.vector_store %arg6[%swap3A_1497], %swap3A_1500 {strides = array<i32>} : memref<12800xi32, #tpu.memory_space<vmem>>, vector<16xi32>,
        %mul3A_1501 = arith.constant 128 : i32
        %mul3A_1502 = arith.muli %add3A_1085, %mul3A_1501 : i32
        %dma_start3A_1503 = tpu.memref_slice %arg6[%mul3A_1502] : memref<12800xi32, #tpu.memory_space<vmem>> -> memref<128xi32, #tpu.memory_space<vmem>>
        %dma_start3A_1504 = arith.constant 0 : i32
        %dma_start3A_1505 = arith.constant 0 : i32
        %dma_start3A_1506 = tpu.memref_slice %arg3[%dma_start3A_1504, %dma_start3A_1505] : memref<100000x128xf32, #tpu.memory_space<hbm>> -> memref<100000x128xf32, #tpu.memory_space<hbm>>
        tpu.enqueue_indirect_dma source(%dma_start3A_1506 : memref<100000x128xf32, #tpu.memory_space<hbm>>) target(%arg9 : memref<128x128xf32, #tpu.memory_space<vmem>>) offsets(%dma_start3A_1503 : memref<128xi32, #tpu.memory_space<vmem>>) semaphore(%arg14 : memref<!tpu.dma_semaphore, #tpu.memory_space<semaphore_mem>>)
      } else {
      }
      %mul3A_1101 = arith.constant 128 : i32
      %mul3A_1102 = arith.muli %add3A_1083, %mul3A_1101 : i32
      %dma_wait3A_1103 = tpu.memref_slice %arg6[%mul3A_1102] : memref<12800xi32, #tpu.memory_space<vmem>> -> memref<128xi32, #tpu.memory_space<vmem>>
      %dma_wait3A_1104 = arith.constant 0 : i32
      %dma_wait3A_1105 = arith.constant 0 : i32
      %dma_wait3A_1106 = tpu.memref_slice %arg3[%dma_wait3A_1104, %dma_wait3A_1105] : memref<100000x128xf32, #tpu.memory_space<hbm>> -> memref<100000x128xf32, #tpu.memory_space<hbm>>
      tpu.wait_indirect_dma semaphore(%arg16 : memref<!tpu.dma_semaphore, #tpu.memory_space<semaphore_mem>>) src(%dma_wait3A_1106 : memref<100000x128xf32, #tpu.memory_space<hbm>>) dst(%arg11 : memref<128x128xf32, #tpu.memory_space<vmem>>)
      %mul3A_1107 = arith.constant 128 : i32
      %mul3A_1108 = arith.muli %add3A_1083, %mul3A_1107 : i32
      %add3A_1109 = arith.addi %mul3A_2, %mul3A_1108 : i32
      %dma_start3A_1110 = arith.constant 0 : i32
      %dma_start3A_1111 = tpu.memref_slice %arg5[%add3A_1109, %dma_start3A_1110] : memref<409600x128xf32, #tpu.memory_space<hbm>> -> memref<128x128xf32, #tpu.memory_space<hbm>>
      %dma_start3A_1112 = arith.constant 0 : i32
      %dma_start3A_1113 = tpu.memref_slice %arg5[%add3A_1109, %dma_start3A_1112] : memref<409600x128xf32, #tpu.memory_space<hbm>> -> memref<128x128xf32, #tpu.memory_space<hbm>>
      tpu.enqueue_dma source(%arg11 : memref<128x128xf32, #tpu.memory_space<vmem>>) target(%dma_start3A_1113 : memref<128x128xf32, #tpu.memory_space<hbm>>) target_semaphore(%arg21 : memref<!tpu.dma_semaphore, #tpu.memory_space<semaphore_mem>>)
      %mul3A_1114 = arith.constant 5 : i32
      %mul3A_1115 = arith.muli %scan3A_980, %mul3A_1114 : i32
      %add3A_1116 = arith.constant 4 : i32
      %add3A_1117 = arith.addi %mul3A_1115, %add3A_1116 : i32
      %add3A_1118 = arith.constant 3 : i32
      %add3A_1119 = arith.addi %add3A_1117, %add3A_1118 : i32
      %sub3A_1120 = arith.constant 5 : i32
      %sub3A_1121 = arith.subi %add3A_1119, %sub3A_1120 : i32
      %lt3A_1122 = arith.constant 100 : i32
      %lt3A_1123 = arith.cmpi slt, %add3A_1119, %lt3A_1122 : i32
      %ge3A_1124 = arith.constant 0 : i32
      %ge3A_1125 = arith.cmpi sge, %sub3A_1121, %ge3A_1124 : i32
      %and3A_1126 = arith.andi %lt3A_1123, %ge3A_1125 : i1
      %convert_element_type3A_1127 = arith.extui %and3A_1126 : i1 to i32
      %cond3A_1128 = arith.constant 0 : i32
      %cond3A_1129 = arith.cmpi ne, %convert_element_type3A_1127, %cond3A_1128 : i32
      scf.if %cond3A_1129 {
        %mul3A_1149 = arith.constant 128 : i32
        %mul3A_1150 = arith.muli %sub3A_1121, %mul3A_1149 : i32
        %add3A_1151 = arith.addi %mul3A_2, %mul3A_1150 : i32
        %dma_wait3A_1152 = arith.constant 0 : i32
        %dma_wait3A_1153 = tpu.memref_slice %arg5[%add3A_1151, %dma_wait3A_1152] : memref<409600x128xf32, #tpu.memory_space<hbm>> -> memref<128x128xf32, #tpu.memory_space<hbm>>
        %dma_wait3A_1154 = arith.constant 0 : i32
        %dma_wait3A_1155 = tpu.memref_slice %arg5[%add3A_1151, %dma_wait3A_1154] : memref<409600x128xf32, #tpu.memory_space<hbm>> -> memref<128x128xf32, #tpu.memory_space<hbm>>
        tpu.wait_dma2 semaphore(%arg20 : memref<!tpu.dma_semaphore, #tpu.memory_space<semaphore_mem>>) src(%arg10 : memref<128x128xf32, #tpu.memory_space<vmem>>) dst(%dma_wait3A_1155 : memref<128x128xf32, #tpu.memory_space<hbm>>)
      } else {
      }
      %lt3A_1130 = arith.constant 100 : i32
      %lt3A_1131 = arith.cmpi slt, %add3A_1119, %lt3A_1130 : i32
      %convert_element_type3A_1132 = arith.extui %lt3A_1131 : i1 to i32
      %cond3A_1133 = arith.constant 0 : i32
      %cond3A_1134 = arith.cmpi ne, %convert_element_type3A_1132, %cond3A_1133 : i32
      scf.if %cond3A_1134 {
        %mul3A_1149 = arith.constant 8 : i32
        %mul3A_1150 = arith.muli %add3A_1119, %mul3A_1149 : i32
        %add3A_1151 = arith.constant 0 : i32
        %add3A_1152 = arith.addi %mul3A_1150, %add3A_1151 : i32
        %add3A_1153 = arith.addi %mul3A_4, %add3A_1152 : i32
        %jit3A_1154 = arith.constant 256 : i32
        %div3A_1155 = arith.divsi %add3A_1153, %jit3A_1154 : i32
        %sign3A_1156 = arith.constant 0 : i32
        %sign3A_1157 = arith.cmpi sgt, %add3A_1153, %sign3A_1156 : i32
        %sign3A_1158 = arith.extui %sign3A_1157 : i1 to i32
        %sign3A_1159 = arith.constant 0 : i32
        %sign3A_1160 = arith.cmpi slt, %add3A_1153, %sign3A_1159 : i32
        %sign3A_1161 = arith.extui %sign3A_1160 : i1 to i32
        %sign3A_1162 = arith.subi %sign3A_1158, %sign3A_1161 : i32
        %sign3A_1163 = arith.constant 0 : i32
        %sign3A_1164 = arith.cmpi sgt, %jit3A_1154, %sign3A_1163 : i32
        %sign3A_1165 = arith.extui %sign3A_1164 : i1 to i32
        %sign3A_1166 = arith.constant 0 : i32
        %sign3A_1167 = arith.cmpi slt, %jit3A_1154, %sign3A_1166 : i32
        %sign3A_1168 = arith.extui %sign3A_1167 : i1 to i32
        %sign3A_1169 = arith.subi %sign3A_1165, %sign3A_1168 : i32
        %ne3A_1170 = arith.cmpi ne, %sign3A_1162, %sign3A_1169 : i32
        %rem3A_1171 = arith.remsi %add3A_1153, %jit3A_1154 : i32
        %ne3A_1172 = arith.constant 0 : i32
        %ne3A_1173 = arith.cmpi ne, %rem3A_1171, %ne3A_1172 : i32
        %and3A_1174 = arith.andi %ne3A_1170, %ne3A_1173 : i1
        %sub3A_1175 = arith.constant 1 : i32
        %sub3A_1176 = arith.subi %div3A_1155, %sub3A_1175 : i32
        %select_n3A_1177 = arith.select %and3A_1174, %sub3A_1176, %div3A_1155 : i32
        %mul3A_1178 = arith.constant 16 : i32
        %mul3A_1179 = arith.muli %add3A_1152, %mul3A_1178 : i32
        %get3A_1180 = arith.index_cast %mul3A_1179 : i32 to index
        %get3A_1181 = tpu.vector_load %arg6[%get3A_1180] {strides = array<i32>} : memref<12800xi32, #tpu.memory_space<vmem>>, vector<16xi32>,
        %get3A_1182 = vector.shape_cast %get3A_1181 : vector<16xi32> to vector<16xi32>
        %mul3A_1183 = arith.constant 16 : i32
        %mul3A_1184 = arith.muli %select_n3A_1177, %mul3A_1183 : i32
        %get3A_1185 = arith.index_cast %mul3A_1184 : i32 to index
        %get3A_1186 = tpu.vector_load %arg7[%get3A_1185] {strides = array<i32>} : memref<1600xi32, #tpu.memory_space<vmem>>, vector<16xi32>,
        %get3A_1187 = vector.shape_cast %get3A_1186 : vector<16xi32> to vector<16xi32>
        %add3A_1188 = arith.addi %get3A_1182, %get3A_1187 : vector<16xi32>
        %swap3A_1189 = arith.index_cast %mul3A_1179 : i32 to index
        %swap3A_1190 = tpu.vector_load %arg6[%swap3A_1189] {strides = array<i32>} : memref<12800xi32, #tpu.memory_space<vmem>>, vector<16xi32>,
        %swap3A_1191 = vector.shape_cast %swap3A_1190 : vector<16xi32> to vector<16xi32>
        %swap3A_1192 = vector.shape_cast %add3A_1188 : vector<16xi32> to vector<16xi32>
        tpu.vector_store %arg6[%swap3A_1189], %swap3A_1192 {strides = array<i32>} : memref<12800xi32, #tpu.memory_space<vmem>>, vector<16xi32>,
        %mul3A_1193 = arith.constant 8 : i32
        %mul3A_1194 = arith.muli %add3A_1119, %mul3A_1193 : i32
        %add3A_1195 = arith.constant 1 : i32
        %add3A_1196 = arith.addi %mul3A_1194, %add3A_1195 : i32
        %add3A_1197 = arith.addi %mul3A_4, %add3A_1196 : i32
        %jit3A_1198 = arith.constant 256 : i32
        %div3A_1199 = arith.divsi %add3A_1197, %jit3A_1198 : i32
        %sign3A_1200 = arith.constant 0 : i32
        %sign3A_1201 = arith.cmpi sgt, %add3A_1197, %sign3A_1200 : i32
        %sign3A_1202 = arith.extui %sign3A_1201 : i1 to i32
        %sign3A_1203 = arith.constant 0 : i32
        %sign3A_1204 = arith.cmpi slt, %add3A_1197, %sign3A_1203 : i32
        %sign3A_1205 = arith.extui %sign3A_1204 : i1 to i32
        %sign3A_1206 = arith.subi %sign3A_1202, %sign3A_1205 : i32
        %sign3A_1207 = arith.constant 0 : i32
        %sign3A_1208 = arith.cmpi sgt, %jit3A_1198, %sign3A_1207 : i32
        %sign3A_1209 = arith.extui %sign3A_1208 : i1 to i32
        %sign3A_1210 = arith.constant 0 : i32
        %sign3A_1211 = arith.cmpi slt, %jit3A_1198, %sign3A_1210 : i32
        %sign3A_1212 = arith.extui %sign3A_1211 : i1 to i32
        %sign3A_1213 = arith.subi %sign3A_1209, %sign3A_1212 : i32
        %ne3A_1214 = arith.cmpi ne, %sign3A_1206, %sign3A_1213 : i32
        %rem3A_1215 = arith.remsi %add3A_1197, %jit3A_1198 : i32
        %ne3A_1216 = arith.constant 0 : i32
        %ne3A_1217 = arith.cmpi ne, %rem3A_1215, %ne3A_1216 : i32
        %and3A_1218 = arith.andi %ne3A_1214, %ne3A_1217 : i1
        %sub3A_1219 = arith.constant 1 : i32
        %sub3A_1220 = arith.subi %div3A_1199, %sub3A_1219 : i32
        %select_n3A_1221 = arith.select %and3A_1218, %sub3A_1220, %div3A_1199 : i32
        %mul3A_1222 = arith.constant 16 : i32
        %mul3A_1223 = arith.muli %add3A_1196, %mul3A_1222 : i32
        %get3A_1224 = arith.index_cast %mul3A_1223 : i32 to index
        %get3A_1225 = tpu.vector_load %arg6[%get3A_1224] {strides = array<i32>} : memref<12800xi32, #tpu.memory_space<vmem>>, vector<16xi32>,
        %get3A_1226 = vector.shape_cast %get3A_1225 : vector<16xi32> to vector<16xi32>
        %mul3A_1227 = arith.constant 16 : i32
        %mul3A_1228 = arith.muli %select_n3A_1221, %mul3A_1227 : i32
        %get3A_1229 = arith.index_cast %mul3A_1228 : i32 to index
        %get3A_1230 = tpu.vector_load %arg7[%get3A_1229] {strides = array<i32>} : memref<1600xi32, #tpu.memory_space<vmem>>, vector<16xi32>,
        %get3A_1231 = vector.shape_cast %get3A_1230 : vector<16xi32> to vector<16xi32>
        %add3A_1232 = arith.addi %get3A_1226, %get3A_1231 : vector<16xi32>
        %swap3A_1233 = arith.index_cast %mul3A_1223 : i32 to index
        %swap3A_1234 = tpu.vector_load %arg6[%swap3A_1233] {strides = array<i32>} : memref<12800xi32, #tpu.memory_space<vmem>>, vector<16xi32>,
        %swap3A_1235 = vector.shape_cast %swap3A_1234 : vector<16xi32> to vector<16xi32>
        %swap3A_1236 = vector.shape_cast %add3A_1232 : vector<16xi32> to vector<16xi32>
        tpu.vector_store %arg6[%swap3A_1233], %swap3A_1236 {strides = array<i32>} : memref<12800xi32, #tpu.memory_space<vmem>>, vector<16xi32>,
        %mul3A_1237 = arith.constant 8 : i32
        %mul3A_1238 = arith.muli %add3A_1119, %mul3A_1237 : i32
        %add3A_1239 = arith.constant 2 : i32
        %add3A_1240 = arith.addi %mul3A_1238, %add3A_1239 : i32
        %add3A_1241 = arith.addi %mul3A_4, %add3A_1240 : i32
        %jit3A_1242 = arith.constant 256 : i32
        %div3A_1243 = arith.divsi %add3A_1241, %jit3A_1242 : i32
        %sign3A_1244 = arith.constant 0 : i32
        %sign3A_1245 = arith.cmpi sgt, %add3A_1241, %sign3A_1244 : i32
        %sign3A_1246 = arith.extui %sign3A_1245 : i1 to i32
        %sign3A_1247 = arith.constant 0 : i32
        %sign3A_1248 = arith.cmpi slt, %add3A_1241, %sign3A_1247 : i32
        %sign3A_1249 = arith.extui %sign3A_1248 : i1 to i32
        %sign3A_1250 = arith.subi %sign3A_1246, %sign3A_1249 : i32
        %sign3A_1251 = arith.constant 0 : i32
        %sign3A_1252 = arith.cmpi sgt, %jit3A_1242, %sign3A_1251 : i32
        %sign3A_1253 = arith.extui %sign3A_1252 : i1 to i32
        %sign3A_1254 = arith.constant 0 : i32
        %sign3A_1255 = arith.cmpi slt, %jit3A_1242, %sign3A_1254 : i32
        %sign3A_1256 = arith.extui %sign3A_1255 : i1 to i32
        %sign3A_1257 = arith.subi %sign3A_1253, %sign3A_1256 : i32
        %ne3A_1258 = arith.cmpi ne, %sign3A_1250, %sign3A_1257 : i32
        %rem3A_1259 = arith.remsi %add3A_1241, %jit3A_1242 : i32
        %ne3A_1260 = arith.constant 0 : i32
        %ne3A_1261 = arith.cmpi ne, %rem3A_1259, %ne3A_1260 : i32
        %and3A_1262 = arith.andi %ne3A_1258, %ne3A_1261 : i1
        %sub3A_1263 = arith.constant 1 : i32
        %sub3A_1264 = arith.subi %div3A_1243, %sub3A_1263 : i32
        %select_n3A_1265 = arith.select %and3A_1262, %sub3A_1264, %div3A_1243 : i32
        %mul3A_1266 = arith.constant 16 : i32
        %mul3A_1267 = arith.muli %add3A_1240, %mul3A_1266 : i32
        %get3A_1268 = arith.index_cast %mul3A_1267 : i32 to index
        %get3A_1269 = tpu.vector_load %arg6[%get3A_1268] {strides = array<i32>} : memref<12800xi32, #tpu.memory_space<vmem>>, vector<16xi32>,
        %get3A_1270 = vector.shape_cast %get3A_1269 : vector<16xi32> to vector<16xi32>
        %mul3A_1271 = arith.constant 16 : i32
        %mul3A_1272 = arith.muli %select_n3A_1265, %mul3A_1271 : i32
        %get3A_1273 = arith.index_cast %mul3A_1272 : i32 to index
        %get3A_1274 = tpu.vector_load %arg7[%get3A_1273] {strides = array<i32>} : memref<1600xi32, #tpu.memory_space<vmem>>, vector<16xi32>,
        %get3A_1275 = vector.shape_cast %get3A_1274 : vector<16xi32> to vector<16xi32>
        %add3A_1276 = arith.addi %get3A_1270, %get3A_1275 : vector<16xi32>
        %swap3A_1277 = arith.index_cast %mul3A_1267 : i32 to index
        %swap3A_1278 = tpu.vector_load %arg6[%swap3A_1277] {strides = array<i32>} : memref<12800xi32, #tpu.memory_space<vmem>>, vector<16xi32>,
        %swap3A_1279 = vector.shape_cast %swap3A_1278 : vector<16xi32> to vector<16xi32>
        %swap3A_1280 = vector.shape_cast %add3A_1276 : vector<16xi32> to vector<16xi32>
        tpu.vector_store %arg6[%swap3A_1277], %swap3A_1280 {strides = array<i32>} : memref<12800xi32, #tpu.memory_space<vmem>>, vector<16xi32>,
        %mul3A_1281 = arith.constant 8 : i32
        %mul3A_1282 = arith.muli %add3A_1119, %mul3A_1281 : i32
        %add3A_1283 = arith.constant 3 : i32
        %add3A_1284 = arith.addi %mul3A_1282, %add3A_1283 : i32
        %add3A_1285 = arith.addi %mul3A_4, %add3A_1284 : i32
        %jit3A_1286 = arith.constant 256 : i32
        %div3A_1287 = arith.divsi %add3A_1285, %jit3A_1286 : i32
        %sign3A_1288 = arith.constant 0 : i32
        %sign3A_1289 = arith.cmpi sgt, %add3A_1285, %sign3A_1288 : i32
        %sign3A_1290 = arith.extui %sign3A_1289 : i1 to i32
        %sign3A_1291 = arith.constant 0 : i32
        %sign3A_1292 = arith.cmpi slt, %add3A_1285, %sign3A_1291 : i32
        %sign3A_1293 = arith.extui %sign3A_1292 : i1 to i32
        %sign3A_1294 = arith.subi %sign3A_1290, %sign3A_1293 : i32
        %sign3A_1295 = arith.constant 0 : i32
        %sign3A_1296 = arith.cmpi sgt, %jit3A_1286, %sign3A_1295 : i32
        %sign3A_1297 = arith.extui %sign3A_1296 : i1 to i32
        %sign3A_1298 = arith.constant 0 : i32
        %sign3A_1299 = arith.cmpi slt, %jit3A_1286, %sign3A_1298 : i32
        %sign3A_1300 = arith.extui %sign3A_1299 : i1 to i32
        %sign3A_1301 = arith.subi %sign3A_1297, %sign3A_1300 : i32
        %ne3A_1302 = arith.cmpi ne, %sign3A_1294, %sign3A_1301 : i32
        %rem3A_1303 = arith.remsi %add3A_1285, %jit3A_1286 : i32
        %ne3A_1304 = arith.constant 0 : i32
        %ne3A_1305 = arith.cmpi ne, %rem3A_1303, %ne3A_1304 : i32
        %and3A_1306 = arith.andi %ne3A_1302, %ne3A_1305 : i1
        %sub3A_1307 = arith.constant 1 : i32
        %sub3A_1308 = arith.subi %div3A_1287, %sub3A_1307 : i32
        %select_n3A_1309 = arith.select %and3A_1306, %sub3A_1308, %div3A_1287 : i32
        %mul3A_1310 = arith.constant 16 : i32
        %mul3A_1311 = arith.muli %add3A_1284, %mul3A_1310 : i32
        %get3A_1312 = arith.index_cast %mul3A_1311 : i32 to index
        %get3A_1313 = tpu.vector_load %arg6[%get3A_1312] {strides = array<i32>} : memref<12800xi32, #tpu.memory_space<vmem>>, vector<16xi32>,
        %get3A_1314 = vector.shape_cast %get3A_1313 : vector<16xi32> to vector<16xi32>
        %mul3A_1315 = arith.constant 16 : i32
        %mul3A_1316 = arith.muli %select_n3A_1309, %mul3A_1315 : i32
        %get3A_1317 = arith.index_cast %mul3A_1316 : i32 to index
        %get3A_1318 = tpu.vector_load %arg7[%get3A_1317] {strides = array<i32>} : memref<1600xi32, #tpu.memory_space<vmem>>, vector<16xi32>,
        %get3A_1319 = vector.shape_cast %get3A_1318 : vector<16xi32> to vector<16xi32>
        %add3A_1320 = arith.addi %get3A_1314, %get3A_1319 : vector<16xi32>
        %swap3A_1321 = arith.index_cast %mul3A_1311 : i32 to index
        %swap3A_1322 = tpu.vector_load %arg6[%swap3A_1321] {strides = array<i32>} : memref<12800xi32, #tpu.memory_space<vmem>>, vector<16xi32>,
        %swap3A_1323 = vector.shape_cast %swap3A_1322 : vector<16xi32> to vector<16xi32>
        %swap3A_1324 = vector.shape_cast %add3A_1320 : vector<16xi32> to vector<16xi32>
        tpu.vector_store %arg6[%swap3A_1321], %swap3A_1324 {strides = array<i32>} : memref<12800xi32, #tpu.memory_space<vmem>>, vector<16xi32>,
        %mul3A_1325 = arith.constant 8 : i32
        %mul3A_1326 = arith.muli %add3A_1119, %mul3A_1325 : i32
        %add3A_1327 = arith.constant 4 : i32
        %add3A_1328 = arith.addi %mul3A_1326, %add3A_1327 : i32
        %add3A_1329 = arith.addi %mul3A_4, %add3A_1328 : i32
        %jit3A_1330 = arith.constant 256 : i32
        %div3A_1331 = arith.divsi %add3A_1329, %jit3A_1330 : i32
        %sign3A_1332 = arith.constant 0 : i32
        %sign3A_1333 = arith.cmpi sgt, %add3A_1329, %sign3A_1332 : i32
        %sign3A_1334 = arith.extui %sign3A_1333 : i1 to i32
        %sign3A_1335 = arith.constant 0 : i32
        %sign3A_1336 = arith.cmpi slt, %add3A_1329, %sign3A_1335 : i32
        %sign3A_1337 = arith.extui %sign3A_1336 : i1 to i32
        %sign3A_1338 = arith.subi %sign3A_1334, %sign3A_1337 : i32
        %sign3A_1339 = arith.constant 0 : i32
        %sign3A_1340 = arith.cmpi sgt, %jit3A_1330, %sign3A_1339 : i32
        %sign3A_1341 = arith.extui %sign3A_1340 : i1 to i32
        %sign3A_1342 = arith.constant 0 : i32
        %sign3A_1343 = arith.cmpi slt, %jit3A_1330, %sign3A_1342 : i32
        %sign3A_1344 = arith.extui %sign3A_1343 : i1 to i32
        %sign3A_1345 = arith.subi %sign3A_1341, %sign3A_1344 : i32
        %ne3A_1346 = arith.cmpi ne, %sign3A_1338, %sign3A_1345 : i32
        %rem3A_1347 = arith.remsi %add3A_1329, %jit3A_1330 : i32
        %ne3A_1348 = arith.constant 0 : i32
        %ne3A_1349 = arith.cmpi ne, %rem3A_1347, %ne3A_1348 : i32
        %and3A_1350 = arith.andi %ne3A_1346, %ne3A_1349 : i1
        %sub3A_1351 = arith.constant 1 : i32
        %sub3A_1352 = arith.subi %div3A_1331, %sub3A_1351 : i32
        %select_n3A_1353 = arith.select %and3A_1350, %sub3A_1352, %div3A_1331 : i32
        %mul3A_1354 = arith.constant 16 : i32
        %mul3A_1355 = arith.muli %add3A_1328, %mul3A_1354 : i32
        %get3A_1356 = arith.index_cast %mul3A_1355 : i32 to index
        %get3A_1357 = tpu.vector_load %arg6[%get3A_1356] {strides = array<i32>} : memref<12800xi32, #tpu.memory_space<vmem>>, vector<16xi32>,
        %get3A_1358 = vector.shape_cast %get3A_1357 : vector<16xi32> to vector<16xi32>
        %mul3A_1359 = arith.constant 16 : i32
        %mul3A_1360 = arith.muli %select_n3A_1353, %mul3A_1359 : i32
        %get3A_1361 = arith.index_cast %mul3A_1360 : i32 to index
        %get3A_1362 = tpu.vector_load %arg7[%get3A_1361] {strides = array<i32>} : memref<1600xi32, #tpu.memory_space<vmem>>, vector<16xi32>,
        %get3A_1363 = vector.shape_cast %get3A_1362 : vector<16xi32> to vector<16xi32>
        %add3A_1364 = arith.addi %get3A_1358, %get3A_1363 : vector<16xi32>
        %swap3A_1365 = arith.index_cast %mul3A_1355 : i32 to index
        %swap3A_1366 = tpu.vector_load %arg6[%swap3A_1365] {strides = array<i32>} : memref<12800xi32, #tpu.memory_space<vmem>>, vector<16xi32>,
        %swap3A_1367 = vector.shape_cast %swap3A_1366 : vector<16xi32> to vector<16xi32>
        %swap3A_1368 = vector.shape_cast %add3A_1364 : vector<16xi32> to vector<16xi32>
        tpu.vector_store %arg6[%swap3A_1365], %swap3A_1368 {strides = array<i32>} : memref<12800xi32, #tpu.memory_space<vmem>>, vector<16xi32>,
        %mul3A_1369 = arith.constant 8 : i32
        %mul3A_1370 = arith.muli %add3A_1119, %mul3A_1369 : i32
        %add3A_1371 = arith.constant 5 : i32
        %add3A_1372 = arith.addi %mul3A_1370, %add3A_1371 : i32
        %add3A_1373 = arith.addi %mul3A_4, %add3A_1372 : i32
        %jit3A_1374 = arith.constant 256 : i32
        %div3A_1375 = arith.divsi %add3A_1373, %jit3A_1374 : i32
        %sign3A_1376 = arith.constant 0 : i32
        %sign3A_1377 = arith.cmpi sgt, %add3A_1373, %sign3A_1376 : i32
        %sign3A_1378 = arith.extui %sign3A_1377 : i1 to i32
        %sign3A_1379 = arith.constant 0 : i32
        %sign3A_1380 = arith.cmpi slt, %add3A_1373, %sign3A_1379 : i32
        %sign3A_1381 = arith.extui %sign3A_1380 : i1 to i32
        %sign3A_1382 = arith.subi %sign3A_1378, %sign3A_1381 : i32
        %sign3A_1383 = arith.constant 0 : i32
        %sign3A_1384 = arith.cmpi sgt, %jit3A_1374, %sign3A_1383 : i32
        %sign3A_1385 = arith.extui %sign3A_1384 : i1 to i32
        %sign3A_1386 = arith.constant 0 : i32
        %sign3A_1387 = arith.cmpi slt, %jit3A_1374, %sign3A_1386 : i32
        %sign3A_1388 = arith.extui %sign3A_1387 : i1 to i32
        %sign3A_1389 = arith.subi %sign3A_1385, %sign3A_1388 : i32
        %ne3A_1390 = arith.cmpi ne, %sign3A_1382, %sign3A_1389 : i32
        %rem3A_1391 = arith.remsi %add3A_1373, %jit3A_1374 : i32
        %ne3A_1392 = arith.constant 0 : i32
        %ne3A_1393 = arith.cmpi ne, %rem3A_1391, %ne3A_1392 : i32
        %and3A_1394 = arith.andi %ne3A_1390, %ne3A_1393 : i1
        %sub3A_1395 = arith.constant 1 : i32
        %sub3A_1396 = arith.subi %div3A_1375, %sub3A_1395 : i32
        %select_n3A_1397 = arith.select %and3A_1394, %sub3A_1396, %div3A_1375 : i32
        %mul3A_1398 = arith.constant 16 : i32
        %mul3A_1399 = arith.muli %add3A_1372, %mul3A_1398 : i32
        %get3A_1400 = arith.index_cast %mul3A_1399 : i32 to index
        %get3A_1401 = tpu.vector_load %arg6[%get3A_1400] {strides = array<i32>} : memref<12800xi32, #tpu.memory_space<vmem>>, vector<16xi32>,
        %get3A_1402 = vector.shape_cast %get3A_1401 : vector<16xi32> to vector<16xi32>
        %mul3A_1403 = arith.constant 16 : i32
        %mul3A_1404 = arith.muli %select_n3A_1397, %mul3A_1403 : i32
        %get3A_1405 = arith.index_cast %mul3A_1404 : i32 to index
        %get3A_1406 = tpu.vector_load %arg7[%get3A_1405] {strides = array<i32>} : memref<1600xi32, #tpu.memory_space<vmem>>, vector<16xi32>,
        %get3A_1407 = vector.shape_cast %get3A_1406 : vector<16xi32> to vector<16xi32>
        %add3A_1408 = arith.addi %get3A_1402, %get3A_1407 : vector<16xi32>
        %swap3A_1409 = arith.index_cast %mul3A_1399 : i32 to index
        %swap3A_1410 = tpu.vector_load %arg6[%swap3A_1409] {strides = array<i32>} : memref<12800xi32, #tpu.memory_space<vmem>>, vector<16xi32>,
        %swap3A_1411 = vector.shape_cast %swap3A_1410 : vector<16xi32> to vector<16xi32>
        %swap3A_1412 = vector.shape_cast %add3A_1408 : vector<16xi32> to vector<16xi32>
        tpu.vector_store %arg6[%swap3A_1409], %swap3A_1412 {strides = array<i32>} : memref<12800xi32, #tpu.memory_space<vmem>>, vector<16xi32>,
        %mul3A_1413 = arith.constant 8 : i32
        %mul3A_1414 = arith.muli %add3A_1119, %mul3A_1413 : i32
        %add3A_1415 = arith.constant 6 : i32
        %add3A_1416 = arith.addi %mul3A_1414, %add3A_1415 : i32
        %add3A_1417 = arith.addi %mul3A_4, %add3A_1416 : i32
        %jit3A_1418 = arith.constant 256 : i32
        %div3A_1419 = arith.divsi %add3A_1417, %jit3A_1418 : i32
        %sign3A_1420 = arith.constant 0 : i32
        %sign3A_1421 = arith.cmpi sgt, %add3A_1417, %sign3A_1420 : i32
        %sign3A_1422 = arith.extui %sign3A_1421 : i1 to i32
        %sign3A_1423 = arith.constant 0 : i32
        %sign3A_1424 = arith.cmpi slt, %add3A_1417, %sign3A_1423 : i32
        %sign3A_1425 = arith.extui %sign3A_1424 : i1 to i32
        %sign3A_1426 = arith.subi %sign3A_1422, %sign3A_1425 : i32
        %sign3A_1427 = arith.constant 0 : i32
        %sign3A_1428 = arith.cmpi sgt, %jit3A_1418, %sign3A_1427 : i32
        %sign3A_1429 = arith.extui %sign3A_1428 : i1 to i32
        %sign3A_1430 = arith.constant 0 : i32
        %sign3A_1431 = arith.cmpi slt, %jit3A_1418, %sign3A_1430 : i32
        %sign3A_1432 = arith.extui %sign3A_1431 : i1 to i32
        %sign3A_1433 = arith.subi %sign3A_1429, %sign3A_1432 : i32
        %ne3A_1434 = arith.cmpi ne, %sign3A_1426, %sign3A_1433 : i32
        %rem3A_1435 = arith.remsi %add3A_1417, %jit3A_1418 : i32
        %ne3A_1436 = arith.constant 0 : i32
        %ne3A_1437 = arith.cmpi ne, %rem3A_1435, %ne3A_1436 : i32
        %and3A_1438 = arith.andi %ne3A_1434, %ne3A_1437 : i1
        %sub3A_1439 = arith.constant 1 : i32
        %sub3A_1440 = arith.subi %div3A_1419, %sub3A_1439 : i32
        %select_n3A_1441 = arith.select %and3A_1438, %sub3A_1440, %div3A_1419 : i32
        %mul3A_1442 = arith.constant 16 : i32
        %mul3A_1443 = arith.muli %add3A_1416, %mul3A_1442 : i32
        %get3A_1444 = arith.index_cast %mul3A_1443 : i32 to index
        %get3A_1445 = tpu.vector_load %arg6[%get3A_1444] {strides = array<i32>} : memref<12800xi32, #tpu.memory_space<vmem>>, vector<16xi32>,
        %get3A_1446 = vector.shape_cast %get3A_1445 : vector<16xi32> to vector<16xi32>
        %mul3A_1447 = arith.constant 16 : i32
        %mul3A_1448 = arith.muli %select_n3A_1441, %mul3A_1447 : i32
        %get3A_1449 = arith.index_cast %mul3A_1448 : i32 to index
        %get3A_1450 = tpu.vector_load %arg7[%get3A_1449] {strides = array<i32>} : memref<1600xi32, #tpu.memory_space<vmem>>, vector<16xi32>,
        %get3A_1451 = vector.shape_cast %get3A_1450 : vector<16xi32> to vector<16xi32>
        %add3A_1452 = arith.addi %get3A_1446, %get3A_1451 : vector<16xi32>
        %swap3A_1453 = arith.index_cast %mul3A_1443 : i32 to index
        %swap3A_1454 = tpu.vector_load %arg6[%swap3A_1453] {strides = array<i32>} : memref<12800xi32, #tpu.memory_space<vmem>>, vector<16xi32>,
        %swap3A_1455 = vector.shape_cast %swap3A_1454 : vector<16xi32> to vector<16xi32>
        %swap3A_1456 = vector.shape_cast %add3A_1452 : vector<16xi32> to vector<16xi32>
        tpu.vector_store %arg6[%swap3A_1453], %swap3A_1456 {strides = array<i32>} : memref<12800xi32, #tpu.memory_space<vmem>>, vector<16xi32>,
        %mul3A_1457 = arith.constant 8 : i32
        %mul3A_1458 = arith.muli %add3A_1119, %mul3A_1457 : i32
        %add3A_1459 = arith.constant 7 : i32
        %add3A_1460 = arith.addi %mul3A_1458, %add3A_1459 : i32
        %add3A_1461 = arith.addi %mul3A_4, %add3A_1460 : i32
        %jit3A_1462 = arith.constant 256 : i32
        %div3A_1463 = arith.divsi %add3A_1461, %jit3A_1462 : i32
        %sign3A_1464 = arith.constant 0 : i32
        %sign3A_1465 = arith.cmpi sgt, %add3A_1461, %sign3A_1464 : i32
        %sign3A_1466 = arith.extui %sign3A_1465 : i1 to i32
        %sign3A_1467 = arith.constant 0 : i32
        %sign3A_1468 = arith.cmpi slt, %add3A_1461, %sign3A_1467 : i32
        %sign3A_1469 = arith.extui %sign3A_1468 : i1 to i32
        %sign3A_1470 = arith.subi %sign3A_1466, %sign3A_1469 : i32
        %sign3A_1471 = arith.constant 0 : i32
        %sign3A_1472 = arith.cmpi sgt, %jit3A_1462, %sign3A_1471 : i32
        %sign3A_1473 = arith.extui %sign3A_1472 : i1 to i32
        %sign3A_1474 = arith.constant 0 : i32
        %sign3A_1475 = arith.cmpi slt, %jit3A_1462, %sign3A_1474 : i32
        %sign3A_1476 = arith.extui %sign3A_1475 : i1 to i32
        %sign3A_1477 = arith.subi %sign3A_1473, %sign3A_1476 : i32
        %ne3A_1478 = arith.cmpi ne, %sign3A_1470, %sign3A_1477 : i32
        %rem3A_1479 = arith.remsi %add3A_1461, %jit3A_1462 : i32
        %ne3A_1480 = arith.constant 0 : i32
        %ne3A_1481 = arith.cmpi ne, %rem3A_1479, %ne3A_1480 : i32
        %and3A_1482 = arith.andi %ne3A_1478, %ne3A_1481 : i1
        %sub3A_1483 = arith.constant 1 : i32
        %sub3A_1484 = arith.subi %div3A_1463, %sub3A_1483 : i32
        %select_n3A_1485 = arith.select %and3A_1482, %sub3A_1484, %div3A_1463 : i32
        %mul3A_1486 = arith.constant 16 : i32
        %mul3A_1487 = arith.muli %add3A_1460, %mul3A_1486 : i32
        %get3A_1488 = arith.index_cast %mul3A_1487 : i32 to index
        %get3A_1489 = tpu.vector_load %arg6[%get3A_1488] {strides = array<i32>} : memref<12800xi32, #tpu.memory_space<vmem>>, vector<16xi32>,
        %get3A_1490 = vector.shape_cast %get3A_1489 : vector<16xi32> to vector<16xi32>
        %mul3A_1491 = arith.constant 16 : i32
        %mul3A_1492 = arith.muli %select_n3A_1485, %mul3A_1491 : i32
        %get3A_1493 = arith.index_cast %mul3A_1492 : i32 to index
        %get3A_1494 = tpu.vector_load %arg7[%get3A_1493] {strides = array<i32>} : memref<1600xi32, #tpu.memory_space<vmem>>, vector<16xi32>,
        %get3A_1495 = vector.shape_cast %get3A_1494 : vector<16xi32> to vector<16xi32>
        %add3A_1496 = arith.addi %get3A_1490, %get3A_1495 : vector<16xi32>
        %swap3A_1497 = arith.index_cast %mul3A_1487 : i32 to index
        %swap3A_1498 = tpu.vector_load %arg6[%swap3A_1497] {strides = array<i32>} : memref<12800xi32, #tpu.memory_space<vmem>>, vector<16xi32>,
        %swap3A_1499 = vector.shape_cast %swap3A_1498 : vector<16xi32> to vector<16xi32>
        %swap3A_1500 = vector.shape_cast %add3A_1496 : vector<16xi32> to vector<16xi32>
        tpu.vector_store %arg6[%swap3A_1497], %swap3A_1500 {strides = array<i32>} : memref<12800xi32, #tpu.memory_space<vmem>>, vector<16xi32>,
        %mul3A_1501 = arith.constant 128 : i32
        %mul3A_1502 = arith.muli %add3A_1119, %mul3A_1501 : i32
        %dma_start3A_1503 = tpu.memref_slice %arg6[%mul3A_1502] : memref<12800xi32, #tpu.memory_space<vmem>> -> memref<128xi32, #tpu.memory_space<vmem>>
        %dma_start3A_1504 = arith.constant 0 : i32
        %dma_start3A_1505 = arith.constant 0 : i32
        %dma_start3A_1506 = tpu.memref_slice %arg3[%dma_start3A_1504, %dma_start3A_1505] : memref<100000x128xf32, #tpu.memory_space<hbm>> -> memref<100000x128xf32, #tpu.memory_space<hbm>>
        tpu.enqueue_indirect_dma source(%dma_start3A_1506 : memref<100000x128xf32, #tpu.memory_space<hbm>>) target(%arg10 : memref<128x128xf32, #tpu.memory_space<vmem>>) offsets(%dma_start3A_1503 : memref<128xi32, #tpu.memory_space<vmem>>) semaphore(%arg15 : memref<!tpu.dma_semaphore, #tpu.memory_space<semaphore_mem>>)
      } else {
      }
      %mul3A_1135 = arith.constant 128 : i32
      %mul3A_1136 = arith.muli %add3A_1117, %mul3A_1135 : i32
      %dma_wait3A_1137 = tpu.memref_slice %arg6[%mul3A_1136] : memref<12800xi32, #tpu.memory_space<vmem>> -> memref<128xi32, #tpu.memory_space<vmem>>
      %dma_wait3A_1138 = arith.constant 0 : i32
      %dma_wait3A_1139 = arith.constant 0 : i32
      %dma_wait3A_1140 = tpu.memref_slice %arg3[%dma_wait3A_1138, %dma_wait3A_1139] : memref<100000x128xf32, #tpu.memory_space<hbm>> -> memref<100000x128xf32, #tpu.memory_space<hbm>>
      tpu.wait_indirect_dma semaphore(%arg17 : memref<!tpu.dma_semaphore, #tpu.memory_space<semaphore_mem>>) src(%dma_wait3A_1140 : memref<100000x128xf32, #tpu.memory_space<hbm>>) dst(%arg12 : memref<128x128xf32, #tpu.memory_space<vmem>>)
      %mul3A_1141 = arith.constant 128 : i32
      %mul3A_1142 = arith.muli %add3A_1117, %mul3A_1141 : i32
      %add3A_1143 = arith.addi %mul3A_2, %mul3A_1142 : i32
      %dma_start3A_1144 = arith.constant 0 : i32
      %dma_start3A_1145 = tpu.memref_slice %arg5[%add3A_1143, %dma_start3A_1144] : memref<409600x128xf32, #tpu.memory_space<hbm>> -> memref<128x128xf32, #tpu.memory_space<hbm>>
      %dma_start3A_1146 = arith.constant 0 : i32
      %dma_start3A_1147 = tpu.memref_slice %arg5[%add3A_1143, %dma_start3A_1146] : memref<409600x128xf32, #tpu.memory_space<hbm>> -> memref<128x128xf32, #tpu.memory_space<hbm>>
      tpu.enqueue_dma source(%arg12 : memref<128x128xf32, #tpu.memory_space<vmem>>) target(%dma_start3A_1147 : memref<128x128xf32, #tpu.memory_space<hbm>>) target_semaphore(%arg22 : memref<!tpu.dma_semaphore, #tpu.memory_space<semaphore_mem>>)
      %scan3A_1148 = arith.constant 0 : i32
      scf.yield %scan3A_1148 : i32
    }
    %scan3A_950 = arith.constant 20 : i32
    %add3A_951 = arith.constant 12160 : i32
    %add3A_952 = arith.addi %mul3A_2, %add3A_951 : i32
    %dma_wait3A = arith.constant 0 : i32
    %dma_wait3A_953 = tpu.memref_slice %arg5[%add3A_952, %dma_wait3A] : memref<409600x128xf32, #tpu.memory_space<hbm>> -> memref<128x128xf32, #tpu.memory_space<hbm>>
    %dma_wait3A_954 = arith.constant 0 : i32
    %dma_wait3A_955 = tpu.memref_slice %arg5[%add3A_952, %dma_wait3A_954] : memref<409600x128xf32, #tpu.memory_space<hbm>> -> memref<128x128xf32, #tpu.memory_space<hbm>>
    tpu.wait_dma2 semaphore(%arg18 : memref<!tpu.dma_semaphore, #tpu.memory_space<semaphore_mem>>) src(%arg8 : memref<128x128xf32, #tpu.memory_space<vmem>>) dst(%dma_wait3A_955 : memref<128x128xf32, #tpu.memory_space<hbm>>)
    %add3A_956 = arith.constant 12288 : i32
    %add3A_957 = arith.addi %mul3A_2, %add3A_956 : i32
    %dma_wait3A_958 = arith.constant 0 : i32
    %dma_wait3A_959 = tpu.memref_slice %arg5[%add3A_957, %dma_wait3A_958] : memref<409600x128xf32, #tpu.memory_space<hbm>> -> memref<128x128xf32, #tpu.memory_space<hbm>>
    %dma_wait3A_960 = arith.constant 0 : i32
    %dma_wait3A_961 = tpu.memref_slice %arg5[%add3A_957, %dma_wait3A_960] : memref<409600x128xf32, #tpu.memory_space<hbm>> -> memref<128x128xf32, #tpu.memory_space<hbm>>
    tpu.wait_dma2 semaphore(%arg19 : memref<!tpu.dma_semaphore, #tpu.memory_space<semaphore_mem>>) src(%arg9 : memref<128x128xf32, #tpu.memory_space<vmem>>) dst(%dma_wait3A_961 : memref<128x128xf32, #tpu.memory_space<hbm>>)
    %add3A_962 = arith.constant 12416 : i32
    %add3A_963 = arith.addi %mul3A_2, %add3A_962 : i32
    %dma_wait3A_964 = arith.constant 0 : i32
    %dma_wait3A_965 = tpu.memref_slice %arg5[%add3A_963, %dma_wait3A_964] : memref<409600x128xf32, #tpu.memory_space<hbm>> -> memref<128x128xf32, #tpu.memory_space<hbm>>
    %dma_wait3A_966 = arith.constant 0 : i32
    %dma_wait3A_967 = tpu.memref_slice %arg5[%add3A_963, %dma_wait3A_966] : memref<409600x128xf32, #tpu.memory_space<hbm>> -> memref<128x128xf32, #tpu.memory_space<hbm>>
    tpu.wait_dma2 semaphore(%arg20 : memref<!tpu.dma_semaphore, #tpu.memory_space<semaphore_mem>>) src(%arg10 : memref<128x128xf32, #tpu.memory_space<vmem>>) dst(%dma_wait3A_967 : memref<128x128xf32, #tpu.memory_space<hbm>>)
    %add3A_968 = arith.constant 12544 : i32
    %add3A_969 = arith.addi %mul3A_2, %add3A_968 : i32
    %dma_wait3A_970 = arith.constant 0 : i32
    %dma_wait3A_971 = tpu.memref_slice %arg5[%add3A_969, %dma_wait3A_970] : memref<409600x128xf32, #tpu.memory_space<hbm>> -> memref<128x128xf32, #tpu.memory_space<hbm>>
    %dma_wait3A_972 = arith.constant 0 : i32
    %dma_wait3A_973 = tpu.memref_slice %arg5[%add3A_969, %dma_wait3A_972] : memref<409600x128xf32, #tpu.memory_space<hbm>> -> memref<128x128xf32, #tpu.memory_space<hbm>>
    tpu.wait_dma2 semaphore(%arg21 : memref<!tpu.dma_semaphore, #tpu.memory_space<semaphore_mem>>) src(%arg11 : memref<128x128xf32, #tpu.memory_space<vmem>>) dst(%dma_wait3A_973 : memref<128x128xf32, #tpu.memory_space<hbm>>)
    %add3A_974 = arith.constant 12672 : i32
    %add3A_975 = arith.addi %mul3A_2, %add3A_974 : i32
    %dma_wait3A_976 = arith.constant 0 : i32
    %dma_wait3A_977 = tpu.memref_slice %arg5[%add3A_975, %dma_wait3A_976] : memref<409600x128xf32, #tpu.memory_space<hbm>> -> memref<128x128xf32, #tpu.memory_space<hbm>>
    %dma_wait3A_978 = arith.constant 0 : i32
    %dma_wait3A_979 = tpu.memref_slice %arg5[%add3A_975, %dma_wait3A_978] : memref<409600x128xf32, #tpu.memory_space<hbm>> -> memref<128x128xf32, #tpu.memory_space<hbm>>
    tpu.wait_dma2 semaphore(%arg22 : memref<!tpu.dma_semaphore, #tpu.memory_space<semaphore_mem>>) src(%arg12 : memref<128x128xf32, #tpu.memory_space<vmem>>) dst(%dma_wait3A_979 : memref<128x128xf32, #tpu.memory_space<hbm>>)
    return
  }
}

</mosaic_0001>

<sc_bundles>
// kernel: kernel.3.cloned.1.call-start
scs
__scs_entry_jumppad:
0x0: {  	(pc) =	sbr.rel $0x88, $3  }
0x1: {  	(tag) =	ssettag $0x0;
	lr =	simm.s32 $0x1  }
0x2: {  	[smem:$0x3F9E] =	sst lr;
	_ =	strace $0xD0000000  }
0x3: {  	_ = 	snop  }
0x4: {  	_ = 	snop  }
0x5: {  	_ = 	snop  }
0x6: {  	_ = 	snop  }
0x7: {  	_ = 	snop  }
__scs_overlays_trampoline_lowered:
0x8: {  	[smem:$0x3FAD] =	sst s0  }
0x9: {  	[smem:$0x3FAE] =	sst s1  }
0xa: {  	[smem:$0x3FAF] =	sst s2  }
0xb: {  	[smem:$0x3FB0] =	sst s3  }
0xc: {  	[smem:$0x3FB1] =	sst s4  }
0xd: {  	[smem:$0x3FB2] =	sst s5  }
0xe: {  	[smem:$0x3FB3] =	sst s6  }
0xf: {  	[smem:$0x3FB4] =	sst s7  }
0x10: {  	[smem:$0x3FB5] =	sst s8  }
0x11: {  	[smem:$0x3FB6] =	sst s9;
	s0 =	simm.s32 @!p0 $0x0  }
0x12: {  	s1 =	sld [smem:$0x3F9C];
	s0 =	simm.s32 @p0 $0x1  }
0x13: {  	[smem:$0x3FB7] =	sst s0;
	s0 =	simm.s32 @!p1 $0x0  }
0x14: {  	s2 =	sld [smem:$0x3F9B];
	s0 =	simm.s32 @p1 $0x1  }
0x15: {  	[smem:$0x3FB8] =	sst s0;
	s0 =	simm.s32 @!p2 $0x0  }
0x16: {  	s3 =	sld [smem:$0x3FDB];
	s0 =	simm.s32 @p2 $0x1  }
0x17: {  	s4 =	simm.s32 $0x1BF5;
	[smem:$0x3FBA] =	sst s0  }
0x18: {  	s0 =	sld [smem:$0x3F9D];
	_ =	swait.ge [sflag:s4], $0x0  }
0x19: {  	s7 =	sld [smem:$0x3F9E]  }
0x1a: {  	s8 =	sadd.s32 $0xFFFFE003, lr  }
0x1b: {  	s9 =	sadd.s32 $0xFFFFFEF7, lr;
	s5 =	simm.s32 $0xFFFFFFFF;
	p2 =	slt.u32 s8, $0xFFFFF086  }
0x1c: {  	p1 =	slt.u32 s9, $0xF7A;
	s5 =	simm.s32 @!p2 $0x0  }
0x1d: {  	s5 =	simm.s32 @p1 $0x1;
	p0 =	seq.s32 s7, s2  }
0x1e: {  	s7 =	smul.u32 @!p0 $0xF7A, s2;
	p2 =	seq.s32 @!p0 s5, $0x0  }
0x1f: {  	s9 =	smul.u32 $0xF7A, s1;
	s8 =	simm.s32 @!p0 $0x1BF5;
	p2 =	por !p2, p0  }
0x20: {  	[sflag:s8] =	ssyncset.s32 @!p0 $0xFFFFF086;
	s6 =	sadd.s32 @!p0 s3, s7;
	s7 =	simm.s32 @!p0 $0x108  }
0x21: {  	s3 =	sadd.s32 s3, s9;
	s6 =	sadd.s32 @!p0 $0x88, s6;
	s7 =	simm.s32 @p2 $0x1082  }
0x22: {  	[simem:s7], [sflag:s8] =	dma.local @!p0 [hbm:s6], $0xF7A  }
0x23: {  	s9 =	sor.u32 $0xD0000000, s2;
	s6 =	simm.s32 $0x108;
	_ =	swait.ge @!p0 [sflag:s8], $0x0  }
0x24: {  	s3 =	sadd.s32 $0x88, s3;
	s6 =	simm.s32 @!p1 $0x1082;
	[sflag:s4] =	ssyncset.s32 $0xFFFFF086  }
0x25: {  	[simem:s6], [sflag:s4] =	dma.local [hbm:s3], $0xF7A  }
0x26: {  	[smem:$0x3F9E] =	sst s1;
	(tag) =	ssettag s2;
	_ =	strace s9  }
0x27: {  	s1 =	sld [smem:$0x3FAE]  }
0x28: {  	s2 =	sld [smem:$0x3FAF]  }
0x29: {  	s4 =	sld [smem:$0x3FB1]  }
0x2a: {  	p0 =	seq.s32 s5, $0x0;
	s5 =	sld [smem:$0x3FB2]  }
0x2b: {  	s6 =	sld [smem:$0x3FB3]  }
0x2c: {  	s7 =	sld [smem:$0x3FB4]  }
0x2d: {  	s3 =	simm.s32 $0x108;
	s8 =	sld [smem:$0x3FB5]  }
0x2e: {  	s3 =	simm.s32 @!p0 $0x1082;
	s9 =	sld [smem:$0x3FB6]  }
0x2f: {  	lr =	sadd.s32 s0, s3;
	s0 =	sld [smem:$0x3FAD]  }
0x30: {  	s3 =	sld [smem:$0x3FB0]  }
0x31: {  	[smem:$0x3FB9] =	sst s10  }
0x32: {  	s10 =	sld [smem:$0x3FB7];
	_ =	sdelay $0x3  }
0x33: {  	p0 =	seq.s32 s10, $0x1;
	s10 =	sld [smem:$0x3FB9];
	_ =	sdelay $0x3  }
0x34: {  	[smem:$0x3FB9] =	sst s10  }
0x35: {  	s10 =	sld [smem:$0x3FB8];
	_ =	sdelay $0x3  }
0x36: {  	p1 =	seq.s32 s10, $0x1;
	s10 =	sld [smem:$0x3FB9];
	_ =	sdelay $0x3  }
0x37: {  	[smem:$0x3FB9] =	sst s10  }
0x38: {  	s10 =	sld [smem:$0x3FBA]  }
0x39: {  	_ = 	snop;
	(pc) =	sbr.ind lr, $3  }
0x3a: {  	_ = 	snop  }
0x3b: {  	_ = 	snop  }
0x3c: {  	p2 =	seq.s32 s10, $0x1;
	s10 =	sld [smem:$0x3FB9]  }
0x3d: {  	_ =	shalt  }
0x3e: {  	_ =	shalt  }
0x3f: {  	_ =	shalt  }
0x40: {  	_ =	shalt  }
0x41: {  	_ =	shalt  }
0x42: {  	_ =	shalt  }
0x43: {  	_ =	shalt  }
0x44: {  	_ =	shalt  }
0x45: {  	_ =	shalt  }
0x46: {  	_ =	shalt  }
0x47: {  	_ =	shalt  }
0x48: {  	_ =	shalt  }
0x49: {  	_ =	shalt  }
0x4a: {  	_ =	shalt  }
0x4b: {  	_ =	shalt  }
0x4c: {  	_ =	shalt  }
0x4d: {  	_ =	shalt  }
0x4e: {  	_ =	shalt  }
0x4f: {  	_ =	shalt  }
0x50: {  	_ =	shalt  }
0x51: {  	_ =	shalt  }
0x52: {  	_ =	shalt  }
0x53: {  	_ =	shalt  }
0x54: {  	_ =	shalt  }
0x55: {  	_ =	shalt  }
0x56: {  	_ =	shalt  }
0x57: {  	_ =	shalt  }
0x58: {  	_ =	shalt  }
0x59: {  	_ =	shalt  }
0x5a: {  	_ =	shalt  }
0x5b: {  	_ =	shalt  }
0x5c: {  	_ =	shalt  }
0x5d: {  	_ =	shalt  }
0x5e: {  	_ =	shalt  }
0x5f: {  	_ =	shalt  }
0x60: {  	_ =	shalt  }
0x61: {  	_ =	shalt  }
0x62: {  	_ =	shalt  }
0x63: {  	_ =	shalt  }
0x64: {  	_ =	shalt  }
0x65: {  	_ =	shalt  }
0x66: {  	_ =	shalt  }
0x67: {  	_ =	shalt  }
0x68: {  	_ =	shalt  }
0x69: {  	_ =	shalt  }
0x6a: {  	_ =	shalt  }
0x6b: {  	_ =	shalt  }
0x6c: {  	_ =	shalt  }
0x6d: {  	_ =	shalt  }
0x6e: {  	_ =	shalt  }
0x6f: {  	_ =	shalt  }
0x70: {  	_ =	shalt  }
0x71: {  	_ =	shalt  }
0x72: {  	_ =	shalt  }
0x73: {  	_ =	shalt  }
0x74: {  	_ =	shalt  }
0x75: {  	_ =	shalt  }
0x76: {  	_ =	shalt  }
0x77: {  	_ =	shalt  }
0x78: {  	_ =	shalt  }
0x79: {  	_ =	shalt  }
0x7a: {  	_ =	shalt  }
0x7b: {  	_ =	shalt  }
0x7c: {  	_ =	shalt  }
0x7d: {  	_ =	shalt  }
0x7e: {  	_ =	shalt  }
0x7f: {  	_ =	shalt  }
0x80: {  	_ =	shalt  }
0x81: {  	_ =	shalt  }
0x82: {  	_ =	shalt  }
0x83: {  	_ =	shalt  }
0x84: {  	_ =	shalt  }
0x85: {  	_ =	shalt  }
0x86: {  	_ =	shalt  }
0x87: {  	_ =	shalt  }
.Lfunc_end0:
.L_simem_size_0:
called_computation_lowered:
.L_overlay_start_0:
0x88: {  	s2 =	sld [smem:$0x3FD9]  }
0x89: {  	s3 =	sld [smem:$0x3FFE];
	_ =	sdelay $0x1  }
0x8a: {  	s1 =	srdreg.scid  }
0x8b: {  	s0 =	sand.u32 $0x1, s1  }
0x8c: {  	s17 =	sshll.u32 s0, $0xA;
	s2 =	sadd.s32 s3, s2  }
0x8d: {  	s2 =	sadd.s32 s2, s17  }
0x8e: {  	[smem:$0x3FC5] =	sst s2  }
0x8f: {  	_ = 	snop  }
0x90: {  	s2 =	sld [smem:$0x3FC8]  }
0x91: {  	s18 =	sld [smem:$0x3FD0];
	(tm) =	ssettm $0x1  }
0x92: {  	s4 =	sld [smem:$0x3FFB];
	_ =	sdelay $0x3  }
0x93: {  	_ =	strace s4  }
0x94: {  	s4 =	sld [smem:$0x3FFC];
	_ =	sdelay $0x3  }
0x95: {  	_ =	strace s4  }
0x96: {  	s4 =	sld [smem:$0x3FFD];
	_ =	sdelay $0x3  }
0x97: {  	_ =	strace s4  }
0x98: {  	_ =	strace $0x8FFFFFFF  }
0x99: {  	s19 =	sld [smem:$0x3FDB];
	_ =	sdelay $0x1  }
0x9a: {  	s5 =	simm.s32 $_scs_section_size  }
0x9b: {  	s6 =	simm.s32 $_size__tile_overlayer_lowered;
	s7 =	simm.s32 $_tile_overlayer_lowered  }
0x9c: {  	s22 =	simm.s32 $0x1BFF;
	s21 =	sshll.u32 s7, $0x1;
	s4 =	sadd.s32 s5, s19  }
0x9d: {  	s8 =	simm.s32 $0x0;
	s20 =	sshll.u32 s6, $0x1;
	s6 =	sadd.s32 s21, s4  }
0x9e: {  	[timem:s8], [sflag:s22] =	dma.local [hbm:s6], s20  }
0x9f: {  	_ =	swait.ge [sflag:s22], s20  }
0xa0: {  	s5 =	ssub.s32 $0x0, s20;
	[sflag:s22] =	ssyncset.done $0x0  }
0xa1: {  	[sflag:s22] =	ssyncadd.s32 s5;
	_ =	sdelay $0x1  }
0xa2: {  	s23 =	simm.s32 $0x1B8B  }
0xa3: {  	_ =	swait.ge [sflag:s23], $0x1  }
0xa4: {  	[sflag:s23] =	ssyncset.done $0x0  }
0xa5: {  	s25 =	simm.s32 $0x1B8E;
	s24 =	sld [smem:$0x3FFE];
	[sflag:s23] =	ssyncadd.s32 $0xFFFFFFFF  }
0xa6: {  	s26 =	simm.s32 $execute0_lowered;
	[smem:$0x3FD2] =	sst s25  }
0xa7: {  	s6 =	sshll.u32 s26, $0x1;
	_ =	strace $0x80000046;
	[dreg:$0x1] =	wrdreg $0xFFFFFFFF  }
0xa8: {  	s28 =	simm.s32 $_size_execute0_lowered;
	s4 =	sadd.s32 s4, s6;
	[dreg:$0x0] =	wrdreg $0x0  }
0xa9: {  	s6 =	sshll.u32 s28, $0x1;
	[dreg:$0x2] =	wrdreg s4  }
0xaa: {  	[dreg:$0x3] =	wrdreg s6  }
0xab: {  	[dreg:$0x4] =	wrdreg $0xC0  }
0xac: {  	_ =	task [dreg:s8], $0x5FFFF  }
0xad: {  	[dreg:$0x1] =	wrdreg $0xFFFFFFFF  }
0xae: {  	[dreg:$0x0] =	wrdreg $0x60  }
0xaf: {  	[dreg:$0x2] =	wrdreg s24  }
0xb0: {  	[dreg:$0x3] =	wrdreg s2  }
0xb1: {  	[dreg:$0x4] =	wrdreg s18  }
0xb2: {  	[dreg:$0x5] =	wrdreg $0x9  }
0xb3: {  	_ =	task.clear_ibuf [dreg:s8], $0x6FFFF;
	_ =	strace $0x90000046  }
0xb4: {  	s29 =	simm.s32 $0x9;
	_ =	strace $0x80000048  }
0xb5: {  	_ =	swait.ge [sflag:s29], $0x1  }
0xb6: {  	[sflag:s29] =	ssyncadd.s32 $0xFFFFFFFF  }
0xb7: {  	_ =	strace $0x90000048  }
0xb8: {  	_ =	sfence  }
0xb9: {  	s30 =	sld [smem:$0x0];
	_ =	sdelay $0x2  }
0xba: {  	s31 =	sshll.u32 s1, $0xD;
	s1 =	sshrl.u32 s1, $0x2  }
0xbb: {  	s3 =	sand.u32 $0x4000, s31;
	s1 =	sadd.s32 s1, s30  }
0xbc: {  	s0 =	sor.u32 s3, s0;
	s1 =	sshll.u32 s1, $0x11  }
0xbd: {  	s0 =	sor.u32 s1, s0  }
0xbe: {  	s0 =	sadd.s32 $0x8F2B, s0  }
0xbf: {  	[sflag:s0] =	ssyncadd.remote.s32 $0x1  }
0xc0: {  	_ =	sfence.sel $0xFFFF  }
0xc1: {  	[dreg:$0x0] =	wrdreg $0xFFFFFFFF;
	(pc) =	sbr.abs _section_cstart, $3  }
0xc2: {  	[dreg:$0x1] =	wrdreg $0xFFFFFFFF  }
0xc3: {  	_ =	task.clear_ibuf [dreg:s8], $0x2FFFF;
	_ =	strace $0x9FFFFFFF  }
0xc4: {  	(tm) =	ssettm $0x7FFFFFFF  }
0xc5: {  	_ =	shalt  }
tec
execute0_lowered:
.L_overlay_start_1:
0x0: {  	(tag) =	ssettag $0x1  }
0x1: {  	s0 =	rddreg [dreg:$0x0];
	s11 =	stileid.u32  }
0x2: {  	s1 =	srdreg.scid;
	s9 =	smul.u32 $0x64000, s11  }
0x3: {  	s2 =	rddreg [dreg:$0x1];
	s10 =	smul.u32 $0x640, s11  }
0x4: {  	s12 =	rddreg [dreg:$0x2];
	s1 =	sand.u32 $0x1, s1;
	s16 =	smul.u32 $0x320000, s11  }
0x5: {  	s4 =	simm.s32 $0x0;
	s28 =	simm.s32 $0xF880;
	s14 =	smul.u32 $0x320, s1  }
0x6: {  	s29 =	simm.s32 $0x1;
	s3 =	sshll.u32 s11, $0x1;
	s17 =	smul.u32 $0x190000, s1  }
0x7: {  	s3 =	sor.u32 s1, s3;
	s7 =	ssub.s32 $0x2, s1;
	s1 =	smul.u32 $0x32000, s1  }
0x8: {  	s30 =	simm.s32 $0x13880;
	s31 =	simm.s32 $0x2;
	s5 =	smul.u32 $0x3200, s3  }
0x9: {  	[smem:$0x7FF] =	sst s4;
	s6 =	smul.u32 $0x320, s3;
	s8 =	sshrl.u32 s7, $0x1  }
0xa: {  	_ =	strace $0x80000047;
	s3 =	smul.u32 $0x190000, s3;
	s13 =	ssub.s32 s7, s8  }
0xb: {  	s19 =	sadd.s32 s14, s10;
	s20 =	sadd.s32 s17, s16;
	s9 =	sadd.s32 s1, s9  }
0xc: {  	s7 =	simm.s32 $0x0;
	s5 =	sshrl.u32 s5, $0x3;
	s15 =	sshrl.u32 s6, $0x2  }
0xd: {  	s3 =	sshrl.u32 s3, $0x3;
	s21 =	sadd.s32 $0x38, s19;
	s6 =	sor.u32 $0x4000, s20  }
0xe: {  	s22 =	sor.u32 $0x8000, s20;
	s23 =	sor.u32 $0x18, s19;
	s24 =	sor.u32 $0xC000, s20  }
0xf: {  	s25 =	sadd.s32 $0x30, s19;
	s26 =	sadd.s32 $0x20, s19;
	s5 =	sadd.s32 s5, s0  }
0x10: {  	s0 =	sadd.s32 $0x400, s0;
	s18 =	sadd.s32 s12, s3;
	s1 =	sshrl.u32 s21, $0x2  }
0x11: {  	s11 =	sshrl.u32 s6, $0x3;
	s12 =	sshrl.u32 s22, $0x3;
	s14 =	sshrl.u32 s24, $0x3  }
0x12: {  	s3 =	sadd.s32 $0x10000, s20;
	s22 =	simm.s32 $0x80;
	s24 =	simm.s32 $0x7880  }
0x13: {  	s20 =	simm.s32 $0x6;
	[dreg:$0x4] =	wrdreg s0;
	s5 =	sadd.s32 $0x600, s5  }
0x14: {  	s0 =	smax.u32 s13, $0x1;
	[dreg:$0x8] =	wrdreg s1;
	s1 =	sshrl.u32 s23, $0x2  }
0x15: {  	s17 =	sshrl.u32 s3, $0x3;
	s23 =	simm.s32 $0x3880;
	[dreg:$0x5] =	wrdreg s5  }
0x16: {  	s3 =	simm.s32 $0x5;
	s5 =	sand.u32 $0x1FC0, s15;
	[dreg:$0x6] =	wrdreg s0  }
.Ltmp0:
0x17: {  	s0 =	sadd.s32 $0x30800, s18;
	[dreg:$0x9] =	wrdreg s1;
	(pc) =	sbr.rel .LBB2_1-.Ltmp0, $4  }
0x18: {  	s1 =	sshrl.u32 s25, $0x2;
	s25 =	simm.s32 $0x7;
	[dreg:$0x7] =	wrdreg s0  }
0x19: {  	[dreg:$0xa] =	wrdreg s1;
	s1 =	sshrl.u32 s26, $0x2;
	s0 =	sadd.s32 $0x28, s19  }
0x1a: {  	s21 =	sshrl.u32 s5, $0x2;
	s26 =	simm.s32 $0xB880;
	[dreg:$0xb] =	wrdreg s1  }
0x1b: {  	[dreg:$0xc] =	wrdreg s0;
	s1 =	simm.s32 $0x3;
	s0 =	simm.s32 $0x4  }
.LBB2_6:
0x1c: {  	_ =	swait.ge [sflag:s20], $0x4000  }
0x1d: {  	[sflag:s20] =	ssyncset.done $0x0  }
0x1e: {  	[sflag:s20] =	ssyncadd.s32 $0xFFFFC000  }
0x1f: {  	_ =	swait.ge [sflag:s25], $0x4000  }
0x20: {  	[sflag:s25] =	ssyncset.done $0x0  }
0x21: {  	s5 =	simm.s32 $0x8;
	[sflag:s25] =	ssyncadd.s32 $0xFFFFC000  }
0x22: {  	_ =	swait.ge [sflag:s5], $0x4000  }
0x23: {  	[sflag:s5] =	ssyncset.done $0x0  }
0x24: {  	s18 =	simm.s32 $0x9;
	[sflag:s5] =	ssyncadd.s32 $0xFFFFC000  }
0x25: {  	_ =	swait.ge [sflag:s18], $0x4000  }
0x26: {  	[sflag:s18] =	ssyncset.done $0x0  }
0x27: {  	s6 =	simm.s32 $0xA;
	[sflag:s18] =	ssyncadd.s32 $0xFFFFC000  }
0x28: {  	_ =	swait.ge [sflag:s6], $0x4000  }
0x29: {  	s7 =	rddreg [dreg:$0xd]  }
0x2a: {  	s19 =	rddreg [dreg:$0x6];
	s7 =	sadd.s32 $0x1, s7  }
0x2b: {  	p0 =	sne.s32 s7, s19  }
.Ltmp1:
0x2c: {  	_ = 	snop;
	(pc) =	sbr.rel @!p0 .LBB2_7-.Ltmp1, $3  }
0x2d: {  	_ =	sdelay $0x1  }
0x2e: {  	[sflag:s6] =	ssyncset.done $0x0  }
0x2f: {  	[sflag:s6] =	ssyncadd.s32 $0xFFFFC000  }
.LBB2_1:
0x30: {  	[dreg:$0xd] =	wrdreg s7  }
0x31: {  	s5 =	rddreg [dreg:$0x5];
	s6 =	simm.s32 $0xB  }
0x32: {  	[tilespmem:s4], [sflag:$0xB] =	stream.linear.gather [hbm4b:s5+s4], $0x3200, $0x38;
	[tilespmem:$0x17880] =	vst v63  }
0x33: {  	_ =	swait.ge [sflag:s6], $0x3200  }
0x34: {  	[sflag:s6] =	ssyncset.done $0x0  }
0x35: {  	s18 =	simm.s32 $0x3200;
	s16 =	rddreg [dreg:$0x4];
	[sflag:s6] =	ssyncadd.s32 $0xFFFFCE00  }
0x36: {  	[tilespmem:s18], [sflag:$0xB] =	stream.linear.gather [hbm4b:s16+s4], $0x680, $0x38;
	[tilespmem:$0x17880] =	vst v63  }
0x37: {  	_ =	swait.ge [sflag:s6], $0x680  }
0x38: {  	[sflag:s6] =	ssyncset.done $0x0  }
0x39: {  	[sflag:s6] =	ssyncadd.s32 $0xFFFFF980  }
0x3a: {  	v0 =	vld [tilespmem:$0x0]  }
0x3b: {  	v1 =	vld [tilespmem:s21+$0x3200];
	_ =	sdelay $0x4  }
0x3c: {  	v0 =	vadd.s32 v0, v1  }
0x3d: {  	v18 =	vld [tilespmem:$0x10];
	[tilespmem:$0x0] =	vst v0  }
0x3e: {  	v19 =	vld [tilespmem:s21+$0x3200];
	_ =	sdelay $0x4  }
0x3f: {  	v0 =	vadd.s32 v18, v19  }
0x40: {  	v20 =	vld [tilespmem:$0x20];
	[tilespmem:$0x10] =	vst v0  }
0x41: {  	v21 =	vld [tilespmem:s21+$0x3200];
	_ =	sdelay $0x4  }
0x42: {  	v0 =	vadd.s32 v20, v21  }
0x43: {  	v22 =	vld [tilespmem:$0x30];
	[tilespmem:$0x20] =	vst v0  }
0x44: {  	v23 =	vld [tilespmem:s21+$0x3200];
	_ =	sdelay $0x4  }
0x45: {  	v0 =	vadd.s32 v22, v23  }
0x46: {  	v24 =	vld [tilespmem:$0x40];
	[tilespmem:$0x30] =	vst v0  }
0x47: {  	v25 =	vld [tilespmem:s21+$0x3200];
	_ =	sdelay $0x4  }
0x48: {  	v0 =	vadd.s32 v24, v25  }
0x49: {  	v26 =	vld [tilespmem:$0x50];
	[tilespmem:$0x40] =	vst v0  }
0x4a: {  	v27 =	vld [tilespmem:s21+$0x3200];
	_ =	sdelay $0x4  }
0x4b: {  	v0 =	vadd.s32 v26, v27  }
0x4c: {  	v28 =	vld [tilespmem:$0x60];
	[tilespmem:$0x50] =	vst v0  }
0x4d: {  	v29 =	vld [tilespmem:s21+$0x3200];
	_ =	sdelay $0x4  }
0x4e: {  	v0 =	vadd.s32 v28, v29  }
0x4f: {  	v30 =	vld [tilespmem:$0x70];
	[tilespmem:$0x60] =	vst v0  }
0x50: {  	v31 =	vld [tilespmem:s21+$0x3200];
	_ =	sdelay $0x4  }
0x51: {  	v0 =	vadd.s32 v30, v31  }
0x52: {  	[tilespmem:$0x70] =	vst v0  }
0x53: {  	[tilespmem:s23], [sflag:$0x1] =	stream.indirect.gather [hbm4b:s2+s22], $0x80, s4, s22, $0xb8;
	[tilespmem:$0x17880] =	vst v63  }
0x54: {  	v32 =	vld [tilespmem:$0x80]  }
0x55: {  	v33 =	vld [tilespmem:s21+$0x3200];
	_ =	sdelay $0x4  }
0x56: {  	v0 =	vadd.s32 v32, v33  }
0x57: {  	v34 =	vld [tilespmem:$0x90];
	[tilespmem:$0x80] =	vst v0  }
0x58: {  	v35 =	vld [tilespmem:s21+$0x3200];
	_ =	sdelay $0x4  }
0x59: {  	v0 =	vadd.s32 v34, v35  }
0x5a: {  	v36 =	vld [tilespmem:$0xA0];
	[tilespmem:$0x90] =	vst v0  }
0x5b: {  	v37 =	vld [tilespmem:s21+$0x3200];
	_ =	sdelay $0x4  }
0x5c: {  	v0 =	vadd.s32 v36, v37  }
0x5d: {  	v38 =	vld [tilespmem:$0xB0];
	[tilespmem:$0xA0] =	vst v0  }
0x5e: {  	v39 =	vld [tilespmem:s21+$0x3200];
	_ =	sdelay $0x4  }
0x5f: {  	v0 =	vadd.s32 v38, v39  }
0x60: {  	v40 =	vld [tilespmem:$0xC0];
	[tilespmem:$0xB0] =	vst v0  }
0x61: {  	v41 =	vld [tilespmem:s21+$0x3200];
	_ =	sdelay $0x4  }
0x62: {  	v0 =	vadd.s32 v40, v41  }
0x63: {  	v42 =	vld [tilespmem:$0xD0];
	[tilespmem:$0xC0] =	vst v0  }
0x64: {  	v43 =	vld [tilespmem:s21+$0x3200];
	_ =	sdelay $0x4  }
0x65: {  	v0 =	vadd.s32 v42, v43  }
0x66: {  	v44 =	vld [tilespmem:$0xE0];
	[tilespmem:$0xD0] =	vst v0  }
0x67: {  	v45 =	vld [tilespmem:s21+$0x3200];
	_ =	sdelay $0x4  }
0x68: {  	v0 =	vadd.s32 v44, v45  }
0x69: {  	v46 =	vld [tilespmem:$0xF0];
	[tilespmem:$0xE0] =	vst v0  }
0x6a: {  	v47 =	vld [tilespmem:s21+$0x3200];
	_ =	sdelay $0x4  }
0x6b: {  	v0 =	vadd.s32 v46, v47  }
0x6c: {  	[tilespmem:$0xF0] =	vst v0  }
0x6d: {  	[tilespmem:s24], [sflag:$0x2] =	stream.indirect.gather [hbm4b:s2+s22], $0x80, s22, s22, $0xb8;
	[tilespmem:$0x17880] =	vst v63  }
0x6e: {  	v48 =	vld [tilespmem:$0x100]  }
0x6f: {  	v49 =	vld [tilespmem:s21+$0x3200];
	_ =	sdelay $0x4  }
0x70: {  	v0 =	vadd.s32 v48, v49  }
0x71: {  	v50 =	vld [tilespmem:$0x110];
	[tilespmem:$0x100] =	vst v0  }
0x72: {  	v51 =	vld [tilespmem:s21+$0x3200];
	_ =	sdelay $0x4  }
0x73: {  	v0 =	vadd.s32 v50, v51  }
0x74: {  	v52 =	vld [tilespmem:$0x120];
	[tilespmem:$0x110] =	vst v0  }
0x75: {  	v53 =	vld [tilespmem:s21+$0x3200];
	_ =	sdelay $0x4  }
0x76: {  	v0 =	vadd.s32 v52, v53  }
0x77: {  	v54 =	vld [tilespmem:$0x130];
	[tilespmem:$0x120] =	vst v0  }
0x78: {  	v55 =	vld [tilespmem:s21+$0x3200];
	_ =	sdelay $0x4  }
0x79: {  	v0 =	vadd.s32 v54, v55  }
0x7a: {  	v56 =	vld [tilespmem:$0x140];
	[tilespmem:$0x130] =	vst v0  }
0x7b: {  	v57 =	vld [tilespmem:s21+$0x3200];
	_ =	sdelay $0x4  }
0x7c: {  	v0 =	vadd.s32 v56, v57  }
0x7d: {  	v58 =	vld [tilespmem:$0x150];
	[tilespmem:$0x140] =	vst v0  }
0x7e: {  	v59 =	vld [tilespmem:s21+$0x3200];
	_ =	sdelay $0x4  }
0x7f: {  	v0 =	vadd.s32 v58, v59  }
0x80: {  	v60 =	vld [tilespmem:$0x160];
	[tilespmem:$0x150] =	vst v0  }
0x81: {  	v61 =	vld [tilespmem:s21+$0x3200];
	_ =	sdelay $0x4  }
0x82: {  	v0 =	vadd.s32 v60, v61  }
0x83: {  	v62 =	vld [tilespmem:$0x170];
	[tilespmem:$0x160] =	vst v0  }
0x84: {  	v63 =	vld [tilespmem:s21+$0x3200]  }
0x85: {  	s18 =	rddreg [dreg:$0xc]  }
0x86: {  	s16 =	rddreg [dreg:$0xb]  }
.Ltmp2:
0x87: {  	s15 =	rddreg [dreg:$0xa];
	(pc) =	sbr.rel .LBB2_2-.Ltmp2, $4  }
0x88: {  	s13 =	rddreg [dreg:$0x9]  }
0x89: {  	s5 =	rddreg [dreg:$0x8];
	v0 =	vadd.s32 v62, v63  }
0x8a: {  	s19 =	simm.s32 $0x100;
	s7 =	simm.s32 $0x0;
	s6 =	rddreg [dreg:$0x2];
	[tilespmem:$0x170] =	vst v0  }
0x8b: {  	[tilespmem:s26], [sflag:$0x3] =	stream.indirect.gather [hbm4b:s2+s22], $0x80, s19, s22, $0xb8;
	[tilespmem:$0x17880] =	vst v63  }
.LBB2_4:
0x8c: {  	_ =	swait.ge [sflag:s1], $0x4000  }
0x8d: {  	[sflag:s1] =	ssyncset.done $0x0  }
0x8e: {  	s8 =	rddreg [dreg:$0x7];
	[sflag:s1] =	ssyncadd.s32 $0xFFFFC000  }
0x8f: {  	[hbm4b:s8+s4] =	stream.linear.scatter [tilespmem:s26], [sflag:$0x8], $0x4000, $0x38;
	[tilespmem:$0x17880] =	vst v63  }
.LBB2_5:
0x90: {  	_ =	swait.ge [sflag:s0], $0x4000  }
0x91: {  	[sflag:s0] =	ssyncset.done $0x0  }
0x92: {  	s10 =	sadd.s32 s6, s14;
	[sflag:s0] =	ssyncadd.s32 $0xFFFFC000  }
0x93: {  	[hbm4b:s10+s4] =	stream.linear.scatter [tilespmem:s28], [sflag:$0x9], $0x4000, $0x38;
	[tilespmem:$0x17880] =	vst v63  }
0x94: {  	s10 =	simm.s32 @!p0 $0x8  }
0x95: {  	_ =	swait.ge @!p0 [sflag:s10], $0x4000  }
0x96: {  	[sflag:s10] =	ssyncset.done @!p0 $0x0  }
0x97: {  	s19 =	sand.u32 @!p0 $0x1FFFFFC0, s5;
	[sflag:s10] =	ssyncadd.s32 @!p0 $0xFFFFC000;
	s10 =	sshra.s32 @!p0 s7, $0x2  }
0x98: {  	s19 =	sshrl.u32 @!p0 s19, $0x2;
	v0 =	vld @!p0 [tilespmem:s10+$0x380]  }
0x99: {  	v1 =	vld @!p0 [tilespmem:s19+$0x3200];
	_ =	sdelay $0x4  }
0x9a: {  	v0 =	vadd.s32 @!p0 v0, v1  }
0x9b: {  	[tilespmem:s10+$0x380] =	vst @!p0 v0;
	v0 =	vld @!p0 [tilespmem:s10+$0x390]  }
0x9c: {  	v1 =	vld @!p0 [tilespmem:s19+$0x3200];
	_ =	sdelay $0x4  }
0x9d: {  	v0 =	vadd.s32 @!p0 v0, v1  }
0x9e: {  	[tilespmem:s10+$0x390] =	vst @!p0 v0;
	v0 =	vld @!p0 [tilespmem:s10+$0x3A0]  }
0x9f: {  	v1 =	vld @!p0 [tilespmem:s19+$0x3200];
	_ =	sdelay $0x4  }
0xa0: {  	v0 =	vadd.s32 @!p0 v0, v1  }
0xa1: {  	[tilespmem:s10+$0x3A0] =	vst @!p0 v0;
	v0 =	vld @!p0 [tilespmem:s10+$0x3B0]  }
0xa2: {  	v1 =	vld @!p0 [tilespmem:s19+$0x3200];
	_ =	sdelay $0x4  }
0xa3: {  	v0 =	vadd.s32 @!p0 v0, v1  }
0xa4: {  	[tilespmem:s10+$0x3B0] =	vst @!p0 v0;
	v0 =	vld @!p0 [tilespmem:s10+$0x3C0]  }
0xa5: {  	v1 =	vld @!p0 [tilespmem:s19+$0x3200];
	_ =	sdelay $0x4  }
0xa6: {  	v0 =	vadd.s32 @!p0 v0, v1  }
0xa7: {  	[tilespmem:s10+$0x3C0] =	vst @!p0 v0;
	v0 =	vld @!p0 [tilespmem:s10+$0x3D0]  }
0xa8: {  	v1 =	vld @!p0 [tilespmem:s19+$0x3200];
	_ =	sdelay $0x4  }
0xa9: {  	v0 =	vadd.s32 @!p0 v0, v1  }
0xaa: {  	[tilespmem:s10+$0x3D0] =	vst @!p0 v0;
	v0 =	vld @!p0 [tilespmem:s10+$0x3E0]  }
0xab: {  	v1 =	vld @!p0 [tilespmem:s19+$0x3200];
	_ =	sdelay $0x4  }
0xac: {  	v0 =	vadd.s32 @!p0 v0, v1  }
0xad: {  	[tilespmem:s10+$0x3E0] =	vst @!p0 v0;
	v0 =	vld @!p0 [tilespmem:s10+$0x3F0]  }
0xae: {  	v1 =	vld @!p0 [tilespmem:s19+$0x3200];
	_ =	sdelay $0x4  }
0xaf: {  	s8 =	simm.s32 @!p0 $0xB880;
	v0 =	vadd.s32 @!p0 v0, v1  }
0xb0: {  	s7 =	sadd.s32 $0xA00, s7;
	s19 =	sadd.s32 @!p0 $0x380, s10;
	[tilespmem:s10+$0x3F0] =	vst @!p0 v0;
	s10 =	simm.s32 @!p0 $0x80  }
0xb1: {  	[tilespmem:s8], [sflag:$0x3] =	stream.indirect.gather @!p0 [hbm4b:s2+s10], $0x80, s19, s10, $0xb8;
	[tilespmem:$0x17880] =	vst v63  }
0xb2: {  	p0 =	sne.s32 s7, $0xC800  }
.Ltmp3:
0xb3: {  	s5 =	sadd.s32 $0xA, s5;
	(pc) =	sbr.rel @!p0 .LBB2_6-.Ltmp3, $4  }
0xb4: {  	s13 =	sadd.s32 $0xA, s13;
	s15 =	sadd.s32 $0xA, s15;
	_ =	swait.ge [sflag:s3], $0x4000  }
0xb5: {  	s16 =	sadd.s32 $0xA, s16;
	s18 =	sadd.s32 $0x28, s18;
	[sflag:s3] =	ssyncset.done $0x0  }
0xb6: {  	s19 =	sadd.s32 s6, s17;
	s6 =	sadd.s32 $0x2800, s6;
	[sflag:s3] =	ssyncadd.s32 $0xFFFFC000  }
0xb7: {  	[hbm4b:s19+s4] =	stream.linear.scatter [tilespmem:s30], [sflag:$0xA], $0x4000, $0x38;
	[tilespmem:$0x17880] =	vst v63  }
.LBB2_2:
0xb8: {  	p0 =	seq.s32 s7, $0x0  }
0xb9: {  	s19 =	simm.s32 @!p0 $0x9  }
0xba: {  	_ =	swait.ge @!p0 [sflag:s19], $0x4000  }
0xbb: {  	[sflag:s19] =	ssyncset.done @!p0 $0x0  }
0xbc: {  	s10 =	sand.u32 $0x1FFFFFC0, s13;
	[sflag:s19] =	ssyncadd.s32 @!p0 $0xFFFFC000;
	s19 =	sshra.s32 s7, $0x2  }
0xbd: {  	s10 =	sshrl.u32 s10, $0x2;
	v0 =	vld [tilespmem:s19+$0x180]  }
0xbe: {  	v1 =	vld [tilespmem:s10+$0x3200];
	_ =	sdelay $0x4  }
0xbf: {  	v0 =	vadd.s32 v0, v1  }
0xc0: {  	v34 =	vld [tilespmem:s19+$0x190];
	[tilespmem:s19+$0x180] =	vst v0  }
0xc1: {  	v35 =	vld [tilespmem:s10+$0x3200];
	_ =	sdelay $0x4  }
0xc2: {  	v0 =	vadd.s32 v34, v35  }
0xc3: {  	v36 =	vld [tilespmem:s19+$0x1A0];
	[tilespmem:s19+$0x190] =	vst v0  }
0xc4: {  	v37 =	vld [tilespmem:s10+$0x3200];
	_ =	sdelay $0x4  }
0xc5: {  	v0 =	vadd.s32 v36, v37  }
0xc6: {  	v38 =	vld [tilespmem:s19+$0x1B0];
	[tilespmem:s19+$0x1A0] =	vst v0  }
0xc7: {  	v39 =	vld [tilespmem:s10+$0x3200];
	_ =	sdelay $0x4  }
0xc8: {  	v0 =	vadd.s32 v38, v39  }
0xc9: {  	v40 =	vld [tilespmem:s19+$0x1C0];
	[tilespmem:s19+$0x1B0] =	vst v0  }
0xca: {  	v41 =	vld [tilespmem:s10+$0x3200];
	_ =	sdelay $0x4  }
0xcb: {  	v0 =	vadd.s32 v40, v41  }
0xcc: {  	v42 =	vld [tilespmem:s19+$0x1D0];
	[tilespmem:s19+$0x1C0] =	vst v0  }
0xcd: {  	v43 =	vld [tilespmem:s10+$0x3200];
	_ =	sdelay $0x4  }
0xce: {  	v0 =	vadd.s32 v42, v43  }
0xcf: {  	v44 =	vld [tilespmem:s19+$0x1E0];
	[tilespmem:s19+$0x1D0] =	vst v0  }
0xd0: {  	v45 =	vld [tilespmem:s10+$0x3200];
	_ =	sdelay $0x4  }
0xd1: {  	v0 =	vadd.s32 v44, v45  }
0xd2: {  	v46 =	vld [tilespmem:s19+$0x1F0];
	[tilespmem:s19+$0x1E0] =	vst v0  }
0xd3: {  	v47 =	vld [tilespmem:s10+$0x3200];
	_ =	sdelay $0x4  }
0xd4: {  	v0 =	vadd.s32 v46, v47  }
0xd5: {  	s8 =	sadd.s32 $0x180, s19;
	[tilespmem:s19+$0x1F0] =	vst v0  }
0xd6: {  	[tilespmem:s28], [sflag:$0x4] =	stream.indirect.gather [hbm4b:s2+s22], $0x80, s8, s22, $0xb8;
	[tilespmem:$0x17880] =	vst v63  }
0xd7: {  	_ =	swait.ge [sflag:s29], $0x4000  }
0xd8: {  	[sflag:s29] =	ssyncset.done $0x0  }
0xd9: {  	s10 =	simm.s32 @!p0 $0xA;
	s8 =	sadd.s32 s6, s9;
	[sflag:s29] =	ssyncadd.s32 $0xFFFFC000  }
0xda: {  	[hbm4b:s8+s4] =	stream.linear.scatter [tilespmem:s23], [sflag:$0x6], $0x4000, $0x38;
	[tilespmem:$0x17880] =	vst v63  }
0xdb: {  	_ =	swait.ge @!p0 [sflag:s10], $0x4000  }
0xdc: {  	[sflag:s10] =	ssyncset.done @!p0 $0x0  }
0xdd: {  	s8 =	sand.u32 $0x1FFFFFC0, s16;
	[sflag:s10] =	ssyncadd.s32 @!p0 $0xFFFFC000  }
0xde: {  	s10 =	sshrl.u32 s8, $0x2;
	v48 =	vld [tilespmem:s19+$0x200]  }
0xdf: {  	v49 =	vld [tilespmem:s10+$0x3200];
	_ =	sdelay $0x4  }
0xe0: {  	v0 =	vadd.s32 v48, v49  }
0xe1: {  	v50 =	vld [tilespmem:s19+$0x210];
	[tilespmem:s19+$0x200] =	vst v0  }
0xe2: {  	v51 =	vld [tilespmem:s10+$0x3200];
	_ =	sdelay $0x4  }
0xe3: {  	v0 =	vadd.s32 v50, v51  }
0xe4: {  	v52 =	vld [tilespmem:s19+$0x220];
	[tilespmem:s19+$0x210] =	vst v0  }
0xe5: {  	v53 =	vld [tilespmem:s10+$0x3200];
	_ =	sdelay $0x4  }
0xe6: {  	v0 =	vadd.s32 v52, v53  }
0xe7: {  	v54 =	vld [tilespmem:s19+$0x230];
	[tilespmem:s19+$0x220] =	vst v0  }
0xe8: {  	v55 =	vld [tilespmem:s10+$0x3200];
	_ =	sdelay $0x4  }
0xe9: {  	v0 =	vadd.s32 v54, v55  }
0xea: {  	v56 =	vld [tilespmem:s19+$0x240];
	[tilespmem:s19+$0x230] =	vst v0  }
0xeb: {  	v57 =	vld [tilespmem:s10+$0x3200];
	_ =	sdelay $0x4  }
0xec: {  	v0 =	vadd.s32 v56, v57  }
0xed: {  	v58 =	vld [tilespmem:s19+$0x250];
	[tilespmem:s19+$0x240] =	vst v0  }
0xee: {  	v59 =	vld [tilespmem:s10+$0x3200];
	_ =	sdelay $0x4  }
0xef: {  	v0 =	vadd.s32 v58, v59  }
0xf0: {  	v60 =	vld [tilespmem:s19+$0x260];
	[tilespmem:s19+$0x250] =	vst v0  }
0xf1: {  	v61 =	vld [tilespmem:s10+$0x3200];
	_ =	sdelay $0x4  }
0xf2: {  	v0 =	vadd.s32 v60, v61  }
0xf3: {  	v62 =	vld [tilespmem:s19+$0x270];
	[tilespmem:s19+$0x260] =	vst v0  }
0xf4: {  	v63 =	vld [tilespmem:s10+$0x3200];
	_ =	sdelay $0x4  }
0xf5: {  	v0 =	vadd.s32 v62, v63  }
0xf6: {  	s8 =	sadd.s32 $0x200, s19;
	p0 =	seq.s32 s7, $0xBE00;
	[tilespmem:s19+$0x270] =	vst v0  }
0xf7: {  	[tilespmem:s30], [sflag:$0x5] =	stream.indirect.gather [hbm4b:s2+s22], $0x80, s8, s22, $0xb8;
	[tilespmem:$0x17880] =	vst v63  }
.Ltmp4:
0xf8: {  	_ = 	snop;
	(pc) =	sbr.rel @p0 .LBB2_4-.Ltmp4, $4  }
0xf9: {  	_ =	swait.ge [sflag:s31], $0x4000  }
0xfa: {  	[sflag:s31] =	ssyncset.done $0x0  }
0xfb: {  	s8 =	sadd.s32 s6, s11;
	[sflag:s31] =	ssyncadd.s32 $0xFFFFC000  }
0xfc: {  	[hbm4b:s8+s4] =	stream.linear.scatter [tilespmem:s24], [sflag:$0x7], $0x4000, $0x38;
	[tilespmem:$0x17880] =	vst v63  }
0xfd: {  	_ =	swait.ge [sflag:s20], $0x4000  }
0xfe: {  	[sflag:s20] =	ssyncset.done $0x0  }
0xff: {  	s10 =	sshrl.u32 s18, $0x4;
	[sflag:s20] =	ssyncadd.s32 $0xFFFFC000  }
0x100: {  	s10 =	sand.u32 $0x7FFFFF0, s10;
	v0 =	vld [tilespmem:s19+$0x280]  }
0x101: {  	v1 =	vld [tilespmem:s10+$0x3200];
	_ =	sdelay $0x4  }
0x102: {  	v0 =	vadd.s32 v0, v1  }
0x103: {  	v34 =	vld [tilespmem:s19+$0x290];
	[tilespmem:s19+$0x280] =	vst v0  }
0x104: {  	v35 =	vld [tilespmem:s10+$0x3200];
	_ =	sdelay $0x4  }
0x105: {  	v0 =	vadd.s32 v34, v35  }
0x106: {  	v36 =	vld [tilespmem:s19+$0x2A0];
	[tilespmem:s19+$0x290] =	vst v0  }
0x107: {  	v37 =	vld [tilespmem:s10+$0x3200];
	_ =	sdelay $0x4  }
0x108: {  	v0 =	vadd.s32 v36, v37  }
0x109: {  	v38 =	vld [tilespmem:s19+$0x2B0];
	[tilespmem:s19+$0x2A0] =	vst v0  }
0x10a: {  	v39 =	vld [tilespmem:s10+$0x3200];
	_ =	sdelay $0x4  }
0x10b: {  	v0 =	vadd.s32 v38, v39  }
0x10c: {  	v40 =	vld [tilespmem:s19+$0x2C0];
	[tilespmem:s19+$0x2B0] =	vst v0  }
0x10d: {  	v41 =	vld [tilespmem:s10+$0x3200];
	_ =	sdelay $0x4  }
0x10e: {  	v0 =	vadd.s32 v40, v41  }
0x10f: {  	v42 =	vld [tilespmem:s19+$0x2D0];
	[tilespmem:s19+$0x2C0] =	vst v0  }
0x110: {  	v43 =	vld [tilespmem:s10+$0x3200];
	_ =	sdelay $0x4  }
0x111: {  	v0 =	vadd.s32 v42, v43  }
0x112: {  	v44 =	vld [tilespmem:s19+$0x2E0];
	[tilespmem:s19+$0x2D0] =	vst v0  }
0x113: {  	v45 =	vld [tilespmem:s10+$0x3200];
	_ =	sdelay $0x4  }
0x114: {  	v0 =	vadd.s32 v44, v45  }
0x115: {  	v46 =	vld [tilespmem:s19+$0x2F0];
	[tilespmem:s19+$0x2E0] =	vst v0  }
0x116: {  	v47 =	vld [tilespmem:s10+$0x3200];
	_ =	sdelay $0x4  }
0x117: {  	v0 =	vadd.s32 v46, v47  }
0x118: {  	s8 =	sadd.s32 $0x280, s19;
	[tilespmem:s19+$0x2F0] =	vst v0  }
0x119: {  	[tilespmem:s23], [sflag:$0x1] =	stream.indirect.gather [hbm4b:s2+s22], $0x80, s8, s22, $0xb8;
	[tilespmem:$0x17880] =	vst v63  }
0x11a: {  	_ =	swait.ge [sflag:s1], $0x4000  }
0x11b: {  	[sflag:s1] =	ssyncset.done $0x0  }
0x11c: {  	s8 =	sadd.s32 s6, s12;
	[sflag:s1] =	ssyncadd.s32 $0xFFFFC000  }
0x11d: {  	[hbm4b:s8+s4] =	stream.linear.scatter [tilespmem:s26], [sflag:$0x8], $0x4000, $0x38;
	[tilespmem:$0x17880] =	vst v63  }
0x11e: {  	_ =	swait.ge [sflag:s25], $0x4000  }
0x11f: {  	[sflag:s25] =	ssyncset.done $0x0  }
0x120: {  	s8 =	sand.u32 $0x1FFFFFC0, s15;
	[sflag:s25] =	ssyncadd.s32 $0xFFFFC000  }
0x121: {  	s10 =	sshrl.u32 s8, $0x2;
	v48 =	vld [tilespmem:s19+$0x300]  }
0x122: {  	v49 =	vld [tilespmem:s10+$0x3200];
	_ =	sdelay $0x4  }
0x123: {  	v0 =	vadd.s32 v48, v49  }
0x124: {  	v50 =	vld [tilespmem:s19+$0x310];
	[tilespmem:s19+$0x300] =	vst v0  }
0x125: {  	v51 =	vld [tilespmem:s10+$0x3200];
	_ =	sdelay $0x4  }
0x126: {  	v0 =	vadd.s32 v50, v51  }
0x127: {  	v52 =	vld [tilespmem:s19+$0x320];
	[tilespmem:s19+$0x310] =	vst v0  }
0x128: {  	v53 =	vld [tilespmem:s10+$0x3200];
	_ =	sdelay $0x4  }
0x129: {  	v0 =	vadd.s32 v52, v53  }
0x12a: {  	v54 =	vld [tilespmem:s19+$0x330];
	[tilespmem:s19+$0x320] =	vst v0  }
0x12b: {  	v55 =	vld [tilespmem:s10+$0x3200];
	_ =	sdelay $0x4  }
0x12c: {  	v0 =	vadd.s32 v54, v55  }
0x12d: {  	v56 =	vld [tilespmem:s19+$0x340];
	[tilespmem:s19+$0x330] =	vst v0  }
0x12e: {  	v57 =	vld [tilespmem:s10+$0x3200];
	_ =	sdelay $0x4  }
0x12f: {  	v0 =	vadd.s32 v56, v57  }
0x130: {  	v58 =	vld [tilespmem:s19+$0x350];
	[tilespmem:s19+$0x340] =	vst v0  }
0x131: {  	v59 =	vld [tilespmem:s10+$0x3200];
	_ =	sdelay $0x4  }
0x132: {  	v0 =	vadd.s32 v58, v59  }
0x133: {  	v60 =	vld [tilespmem:s19+$0x360];
	[tilespmem:s19+$0x350] =	vst v0  }
0x134: {  	v61 =	vld [tilespmem:s10+$0x3200];
	_ =	sdelay $0x4  }
0x135: {  	v0 =	vadd.s32 v60, v61  }
0x136: {  	v62 =	vld [tilespmem:s19+$0x370];
	[tilespmem:s19+$0x360] =	vst v0  }
0x137: {  	v63 =	vld [tilespmem:s10+$0x3200];
	_ =	sdelay $0x2  }
.Ltmp5:
0x138: {  	_ = 	snop;
	(pc) =	sbr.rel .LBB2_5-.Ltmp5, $4  }
0x139: {  	_ = 	snop  }
0x13a: {  	v0 =	vadd.s32 v62, v63  }
0x13b: {  	s8 =	sadd.s32 $0x300, s19;
	[tilespmem:s19+$0x370] =	vst v0  }
0x13c: {  	[tilespmem:s24], [sflag:$0x2] =	stream.indirect.gather [hbm4b:s2+s22], $0x80, s8, s22, $0xb8;
	[tilespmem:$0x17880] =	vst v63  }
.LBB2_7:
0x13d: {  	_ =	sfence.sel $0x180000  }
0x13e: {  	[bflag:$0x0] =	sbarrier.arrive $0xFFFF  }
0x13f: {  	_ =	strace $0x90000047  }
0x140: {  	s0 =	stileid.u32;
	[bflag:$0x2] =	sbarrier.arrive $0xFFFF  }
0x141: {  	p0 =	sne.s32 s0, $0x0;
	s0 =	rddreg [dreg:$0x3]  }
0x142: {  	s0 =	sadd.s32 @!p0 $0x100000, s0  }
0x143: {  	[sflag:s0] =	ssyncadd.tile.s32 @!p0 $0x1;
	_ =	shalt  }
.Lfunc_end2:
_tile_overlayer_lowered:
.L_overlay_start_2:
0x144: {  	(tag) =	ssettag $0x2  }
0x145: {  	s0 =	rddreg [dreg:$0x0];
	s2 =	stileid.u32  }
0x146: {  	s1 =	rddreg [dreg:$0x1];
	p0 =	sne.s32 s2, $0x0  }
0x147: {  	s3 =	rddreg [dreg:$0x2];
	[bflag:$0x3] =	sbarrier.arrive $0xFFFF;
	s2 =	simm.s32 @!p0 $0x1C0B  }
0x148: {  	[timem:s3], [sflag:s2] =	dma.local @!p0 [hbm:s0], s1  }
0x149: {  	s0 =	simm.s32 @!p0 $0xB  }
0x14a: {  	_ =	swait.ge @!p0 [sflag:s0], s1  }
0x14b: {  	s1 =	ssub.s32 @!p0 $0x0, s1;
	[sflag:s0] =	ssyncset.done @!p0 $0x0  }
0x14c: {  	[sflag:s0] =	ssyncadd.s32 @!p0 s1  }
0x14d: {  	[bflag:$0x3] =	sbarrier.arrive $0xFFFF  }
0x14e: {  	_ =	shalt  }

</sc_bundles>
